<compile_context>
chip_gen: v7x
topology: tpu7x:2x2x1
jax: 0.10.2.dev20260603
libtpu: 0.0.44.dev20260713+nightly
codegen_flags: <defaults>
</compile_context>

<pallas_src>
import functools

import jax
import jax.numpy as jnp
from jax import lax
from jax.experimental import pallas as pl
from jax.experimental.pallas import tpu as pltpu
from jax.experimental.pallas import tpu_sc as plsc

N_NODES = 10000
N_EDGES = 10000
NNZ = 320000
D = 128

_INFO = plsc.get_sparse_core_info()
NC = _INFO.num_cores
NS = _INFO.num_subcores
NW = NC * NS
NNZ_W = NNZ // NW
CH = 80
NCHUNK = NNZ_W // CH
NBUF = 2
STRIPE = 624
TAIL = N_NODES - NS * STRIPE
CPAD = 10240
CSEG = CPAD // NS

_MESH = dict(core_axis_name="c", subcore_axis_name="s")


def _zero_vmem(ref, nwords):
    zero16 = jnp.zeros((16,), jnp.float32)
    def body(i, _):
        ref[pl.ds(i * 16, 16)] = zero16
        return 0
    lax.fori_loop(0, nwords // 16, body, 0)


def _zero_rows(ref, nrows):
    zero16 = jnp.zeros((16,), jnp.float32)
    def body(i, _):
        for j in range(D // 16):
            ref[i, pl.ds(j * 16, 16)] = zero16
        return 0
    lax.fori_loop(0, nrows, body, 0)


def _seg_sum_body(src_hbm, gidx_hbm, sidx_hbm, out_hbm,
                  gidx_v, sidx_v, rows_v, acc_sh, *sems):
    c = lax.axis_index("c")
    s = lax.axis_index("s")
    w = s * NC + c

    pltpu.sync_copy(gidx_hbm.at[w, 0], gidx_v)
    pltpu.sync_copy(sidx_hbm.at[w], sidx_v)

    zrows = rows_v.at[0]
    _zero_rows(zrows, CH)
    base_row = s * STRIPE
    def zb(i, _):
        pltpu.sync_copy(zrows, acc_sh.at[pl.ds(base_row + i * CH, CH)])
        return 0
    lax.fori_loop(0, STRIPE // CH, zb, 0)
    rem = STRIPE % CH
    if rem:
        pltpu.sync_copy(
            zrows.at[pl.ds(0, rem)],
            acc_sh.at[pl.ds(base_row + (STRIPE // CH) * CH, rem)])
    @pl.when(s == 0)
    def _():
        pltpu.sync_copy(zrows.at[pl.ds(0, TAIL)],
                        acc_sh.at[pl.ds(NS * STRIPE, TAIL)])
    plsc.subcore_barrier()

    def outer(g, _):
        descs = []
        for b in range(NBUF):
            j = g * NBUF + b
            descs.append(pltpu.async_copy(
                src_hbm.at[gidx_v.at[pl.ds(j * CH, CH)]], rows_v.at[b],
                sems[b]))
        for b in range(NBUF):
            j = g * NBUF + b
            descs[b].wait()
            pltpu.sync_copy(rows_v.at[b], acc_sh.at[sidx_v.at[j]], add=True)
        return 0

    lax.fori_loop(0, NCHUNK // NBUF, outer, 0)
    rem_chunks = NCHUNK % NBUF
    for b in range(rem_chunks):
        j = (NCHUNK // NBUF) * NBUF + b
        pltpu.async_copy(src_hbm.at[gidx_v.at[pl.ds(j * CH, CH)]],
                         rows_v.at[b], sems[b]).wait()
        pltpu.sync_copy(rows_v.at[b], acc_sh.at[sidx_v.at[j]], add=True)
    plsc.subcore_barrier()

    pltpu.sync_copy(acc_sh.at[pl.ds(base_row, STRIPE)],
                    out_hbm.at[c, pl.ds(base_row, STRIPE)])
    @pl.when(s == 0)
    def _():
        pltpu.sync_copy(acc_sh.at[pl.ds(NS * STRIPE, TAIL)],
                        out_hbm.at[c, pl.ds(NS * STRIPE, TAIL)])


def _make_seg_sum(n_out_rows):
    return pl.kernel(
        _seg_sum_body,
        out_type=jax.ShapeDtypeStruct((NC, n_out_rows, D), jnp.float32),
        mesh=plsc.VectorSubcoreMesh(**_MESH),
        scratch_types=[
            pltpu.VMEM((NNZ_W,), jnp.int32),
            pltpu.VMEM((NCHUNK, CH), jnp.int32),
            pltpu.VMEM((NBUF, CH, D), jnp.float32),
            pltpu.VMEM_SHARED((n_out_rows, D), jnp.float32),
        ] + [pltpu.SemaphoreType.DMA] * NBUF,
        compiler_params=pltpu.CompilerParams(needs_layout_passes=False),
    )


def _count_body(ridx_hbm, cnt_out, idx_v, cnt_v, cstage_v, cred_v, cnt_sh):
    c = lax.axis_index("c")
    s = lax.axis_index("s")
    w = s * NC + c

    pltpu.sync_copy(ridx_hbm.at[w], idx_v)
    _zero_vmem(cnt_v, CPAD)
    ones16 = jnp.ones((16,), jnp.float32)

    def body(j, _):
        for t in range(CH // 16):
            idx = idx_v[j, pl.ds(t * 16, 16)]
            plsc.addupdate_scatter(cnt_v, [idx], ones16)
        return 0

    lax.fori_loop(0, NCHUNK, body, 0)

    pltpu.sync_copy(cnt_v, cnt_sh.at[s, 0])
    plsc.subcore_barrier()
    cbase = s * CSEG
    pltpu.sync_copy(cnt_sh.at[:, 0, pl.ds(cbase, CSEG)], cstage_v)
    def rb(t, _):
        acc = cstage_v[0, pl.ds(t * 16, 16)]
        for r in range(1, NS):
            acc = acc + cstage_v[r, pl.ds(t * 16, 16)]
        cred_v[pl.ds(t * 16, 16)] = acc
        return 0
    lax.fori_loop(0, CSEG // 16, rb, 0)
    pltpu.sync_copy(cred_v, cnt_out.at[c, 0, pl.ds(cbase, CSEG)])


_count_kernel = pl.kernel(
    _count_body,
    out_type=jax.ShapeDtypeStruct((NC, 1, CPAD), jnp.float32),
    mesh=plsc.VectorSubcoreMesh(**_MESH),
    scratch_types=[
        pltpu.VMEM((NCHUNK, CH), jnp.int32),
        pltpu.VMEM((CPAD,), jnp.float32),
        pltpu.VMEM((NS, CSEG), jnp.float32),
        pltpu.VMEM((CSEG,), jnp.float32),
        pltpu.VMEM_SHARED((NS, 1, CPAD), jnp.float32),
    ],
    compiler_params=pltpu.CompilerParams(needs_layout_passes=False),
)


def _mm_kernel(x_ref, w_ref, b_ref, o_ref):
    o_ref[...] = lax.dot_general(
        x_ref[...], w_ref[...], (((1,), (1,)), ((), ())),
        preferred_element_type=jnp.float32) + b_ref[...]


def _add_kernel(a_ref, b_ref, o_ref):
    o_ref[...] = a_ref[...] + b_ref[...]


def _final_kernel(x_ref, s0_ref, s1_ref, c0_ref, c1_ref, o_ref):
    cnt = jnp.maximum(c0_ref[...] + c1_ref[...], 1.0)
    o_ref[...] = x_ref[...] + (s0_ref[...] + s1_ref[...]) / cnt


_MM_BLOCK = 1000
_MM_GRID = N_NODES // _MM_BLOCK


def kernel(x_0, incidence_row, incidence_col, incidence_val, W, b):
    del incidence_val
    row = incidence_row.astype(jnp.int32)
    col = incidence_col.astype(jnp.int32)
    row_chunk = row.reshape(NW, NCHUNK, CH)
    col_chunk = col.reshape(NW, NCHUNK, CH)
    row_flat = row.reshape(NW, 1, NNZ_W)
    col_flat = col.reshape(NW, 1, NNZ_W)

    cnt_p = _count_kernel(row_chunk)

    x = pl.pallas_call(
        _mm_kernel,
        grid=(_MM_GRID,),
        in_specs=[
            pl.BlockSpec((_MM_BLOCK, D), lambda i: (i, 0)),
            pl.BlockSpec((D, D), lambda i: (0, 0)),
            pl.BlockSpec((1, D), lambda i: (0, 0)),
        ],
        out_specs=pl.BlockSpec((_MM_BLOCK, D), lambda i: (i, 0)),
        out_shape=jax.ShapeDtypeStruct((N_NODES, D), jnp.float32),
    )(x_0, W, b.reshape(1, D))

    m01_p = _make_seg_sum(N_EDGES)(x, row_flat, col_chunk)

    m01 = pl.pallas_call(
        _add_kernel,
        grid=(_MM_GRID,),
        in_specs=[pl.BlockSpec((_MM_BLOCK, D), lambda i: (i, 0))] * 2,
        out_specs=pl.BlockSpec((_MM_BLOCK, D), lambda i: (i, 0)),
        out_shape=jax.ShapeDtypeStruct((N_EDGES, D), jnp.float32),
    )(m01_p[0], m01_p[1])

    sums_p = _make_seg_sum(N_NODES)(m01, col_flat, row_chunk)

    c0 = cnt_p[0, 0, :N_NODES].reshape(N_NODES, 1)
    c1 = cnt_p[1, 0, :N_NODES].reshape(N_NODES, 1)
    out = pl.pallas_call(
        _final_kernel,
        grid=(_MM_GRID,),
        in_specs=[
            pl.BlockSpec((_MM_BLOCK, D), lambda i: (i, 0)),
            pl.BlockSpec((_MM_BLOCK, D), lambda i: (i, 0)),
            pl.BlockSpec((_MM_BLOCK, D), lambda i: (i, 0)),
            pl.BlockSpec((_MM_BLOCK, 1), lambda i: (i, 0)),
            pl.BlockSpec((_MM_BLOCK, 1), lambda i: (i, 0)),
        ],
        out_specs=pl.BlockSpec((_MM_BLOCK, D), lambda i: (i, 0)),
        out_shape=jax.ShapeDtypeStruct((N_NODES, D), jnp.float32),
    )(x, sums_p[0], sums_p[1], c0, c1)
    return out

# --- scband reference (transcript-rebuilt; emitter-appended) ---
"""Pipeline reference for scband-uni-sagelayer-19327352832459 (READ-ONLY COPY).

The authoritative reference and input builder live on the scoring server;
editing this copy changes nothing except your own understanding.
"""

import jax, jax.numpy as jnp
import numpy as np

N_NODES = 10000
N_EDGES = 10000
NNZ = 320000
D_IN = 128
D_OUT = 128


def setup_inputs(seed: int = 0) -> dict:
    key = jax.random.key(seed)
    k1, k2, k3, k4 = jax.random.split(key, 4)
    x_0 = jax.random.normal(k1, (N_NODES, D_IN), dtype=jnp.float32)
    incidence_row = jax.random.randint(k2, (NNZ,), 0, N_NODES, dtype=jnp.int64)
    incidence_col = jax.random.randint(k3, (NNZ,), 0, N_EDGES, dtype=jnp.int64)
    incidence_val = jnp.ones((NNZ,), dtype=jnp.float32)
    # Linear layer parameters (nn.Linear(in_channels, out_channels))
    W = jax.random.normal(k4, (D_OUT, D_IN), dtype=jnp.float32) * 0.05
    b = jnp.zeros((D_OUT,), dtype=jnp.float32)
    return {
        "x_0": x_0,
        "incidence_row": incidence_row,
        "incidence_col": incidence_col,
        "incidence_val": incidence_val,
        "W": W,
        "b": b,
    }


def reference(x_0, incidence_row, incidence_col, incidence_val, W, b):
    # x_0 = self.linear(x_0)
    x = x_0 @ W.T + b
    # m_0_1 = torch.sparse.mm(B^T, x, reduce='sum')
    # B is [n_nodes, n_edges] in COO (row=node, col=edge, val).
    gathered = x[incidence_row] * incidence_val[:, None]
    m_0_1 = jax.ops.segment_sum(gathered, incidence_col, num_segments=N_EDGES)
    # m_1_0 = torch.sparse.mm(B, m_0_1, reduce='mean')
    # mean reduce divides the weighted row-sum by the per-row nnz count.
    ge = m_0_1[incidence_col] * incidence_val[:, None]
    sums = jax.ops.segment_sum(ge, incidence_row, num_segments=N_NODES)
    counts = jax.ops.segment_sum(jnp.ones((NNZ,), dtype=jnp.float32), incidence_row, num_segments=N_NODES)
    m_1_0 = sums / jnp.clip(counts, 1.0)[:, None]
    return x + m_1_0

if __name__ == "__main__":
    import jax
    _d = setup_inputs()
    print(jax.jit(kernel)(*tuple(_d.values())))

</pallas_src>

<mosaic_0001>
#map = affine_map<(d0, d1) -> (0, 0, 0)>
module attributes {stable_mosaic.version = 14 : i64} {
  func.func @_count_body(%arg0: i32, %arg1: i32, %arg2: memref<32x125x80xi32, #tpu.memory_space<hbm>>, %arg3: memref<2x1x10240xf32, #tpu.memory_space<hbm>>, %arg4: memref<125x80xi32, #tpu.memory_space<vmem>>, %arg5: memref<10240xf32, #tpu.memory_space<vmem>>, %arg6: memref<16x640xf32, #tpu.memory_space<vmem>>, %arg7: memref<640xf32, #tpu.memory_space<vmem>>, %arg8: memref<16x1x10240xf32, #tpu.memory_space<vmem_shared>>) attributes {dimension_semantics = [#tpu.dimension_semantics<core_parallel>, #tpu.dimension_semantics<subcore_parallel>], iteration_bounds = array<i64: 2, 16>, scalar_prefetch = 0 : i64, scratch_operands = 5 : i64, tpu.core_type = #tpu.core_type<sc_vector_subcore>, window_params = [{transform_indices = #map}, {transform_indices = #map}]} {
    %mul3A = arith.constant 2 : i32
    %mul3A_0 = arith.muli %arg1, %mul3A : i32
    %add3A = arith.addi %mul3A_0, %arg0 : i32
    "tpu.region"() ({
      %run_scoped3A_28 = tpu.sem_alloc : memref<!tpu.dma_semaphore, #tpu.memory_space<semaphore_mem>>
      %dma_start3A = arith.constant 0 : i32
      %dma_start3A_29 = arith.constant 0 : i32
      %dma_start3A_30 = tpu.memref_slice %arg2[%add3A, %dma_start3A, %dma_start3A_29] : memref<32x125x80xi32, #tpu.memory_space<hbm>> -> memref<1x125x80xi32, #tpu.memory_space<hbm>>
      %dma_start3A_31 = tpu.memref_squeeze %dma_start3A_30 : memref<1x125x80xi32, #tpu.memory_space<hbm>> -> memref<125x80xi32, #tpu.memory_space<hbm>>
      %dma_start3A_32 = arith.constant 0 : i32
      %dma_start3A_33 = arith.constant 0 : i32
      %dma_start3A_34 = tpu.memref_slice %arg2[%add3A, %dma_start3A_32, %dma_start3A_33] : memref<32x125x80xi32, #tpu.memory_space<hbm>> -> memref<1x125x80xi32, #tpu.memory_space<hbm>>
      %dma_start3A_35 = tpu.memref_squeeze %dma_start3A_34 : memref<1x125x80xi32, #tpu.memory_space<hbm>> -> memref<125x80xi32, #tpu.memory_space<hbm>>
      tpu.enqueue_dma source(%dma_start3A_35 : memref<125x80xi32, #tpu.memory_space<hbm>>) target(%arg4 : memref<125x80xi32, #tpu.memory_space<vmem>>) target_semaphore(%run_scoped3A_28 : memref<!tpu.dma_semaphore, #tpu.memory_space<semaphore_mem>>)
      %dma_wait3A = arith.constant 0 : i32
      %dma_wait3A_36 = arith.constant 0 : i32
      %dma_wait3A_37 = tpu.memref_slice %arg2[%add3A, %dma_wait3A, %dma_wait3A_36] : memref<32x125x80xi32, #tpu.memory_space<hbm>> -> memref<1x125x80xi32, #tpu.memory_space<hbm>>
      %dma_wait3A_38 = tpu.memref_squeeze %dma_wait3A_37 : memref<1x125x80xi32, #tpu.memory_space<hbm>> -> memref<125x80xi32, #tpu.memory_space<hbm>>
      %dma_wait3A_39 = arith.constant 0 : i32
      %dma_wait3A_40 = arith.constant 0 : i32
      %dma_wait3A_41 = tpu.memref_slice %arg2[%add3A, %dma_wait3A_39, %dma_wait3A_40] : memref<32x125x80xi32, #tpu.memory_space<hbm>> -> memref<1x125x80xi32, #tpu.memory_space<hbm>>
      %dma_wait3A_42 = tpu.memref_squeeze %dma_wait3A_41 : memref<1x125x80xi32, #tpu.memory_space<hbm>> -> memref<125x80xi32, #tpu.memory_space<hbm>>
      tpu.wait_dma2 semaphore(%run_scoped3A_28 : memref<!tpu.dma_semaphore, #tpu.memory_space<semaphore_mem>>) src(%dma_wait3A_42 : memref<125x80xi32, #tpu.memory_space<hbm>>) dst(%arg4 : memref<125x80xi32, #tpu.memory_space<vmem>>)
      tpu.yield
    }) : () -> ()
    %broadcast_in_dim3A = arith.constant 0.000000e+00 : f32
    %broadcast_in_dim3A_1 = vector.broadcast %broadcast_in_dim3A : f32 to vector<16xf32>
    %scan3A = arith.constant 0 : i32
    %scan3A_2 = arith.constant 0 : i32
    %scan3A_3 = arith.constant 640 : i32
    %scan3A_4 = arith.addi %scan3A_2, %scan3A_3 : i32
    %scan3A_5 = arith.constant 1 : i32
    %scan3A_6 = scf.for %scan3A_28 = %scan3A_2 to %scan3A_4 step %scan3A_5 iter_args(%scan3A_29 = %scan3A) -> (i32)  : i32 {
      %mul3A_30 = arith.constant 16 : i32
      %mul3A_31 = arith.muli %scan3A_28, %mul3A_30 : i32
      %swap3A = arith.index_cast %mul3A_31 : i32 to index
      %swap3A_32 = tpu.vector_load %arg5[%swap3A] {strides = array<i32>} : memref<10240xf32, #tpu.memory_space<vmem>>, vector<16xf32>,
      tpu.vector_store %arg5[%swap3A], %broadcast_in_dim3A_1 {strides = array<i32>} : memref<10240xf32, #tpu.memory_space<vmem>>, vector<16xf32>,
      %scan3A_33 = arith.constant 0 : i32
      scf.yield %scan3A_33 : i32
    }
    %scan3A_7 = arith.constant 640 : i32
    %broadcast_in_dim3A_8 = arith.constant 1.000000e+00 : f32
    %broadcast_in_dim3A_9 = vector.broadcast %broadcast_in_dim3A_8 : f32 to vector<16xf32>
    %scan3A_10 = arith.constant 0 : i32
    %scan3A_11 = arith.constant 0 : i32
    %scan3A_12 = arith.constant 125 : i32
    %scan3A_13 = arith.addi %scan3A_11, %scan3A_12 : i32
    %scan3A_14 = arith.constant 1 : i32
    %scan3A_15 = scf.for %scan3A_28 = %scan3A_11 to %scan3A_13 step %scan3A_14 iter_args(%scan3A_29 = %scan3A_10) -> (i32)  : i32 {
      %get3A = arith.index_cast %scan3A_28 : i32 to index
      %get3A_30 = arith.constant 0 : index
      %get3A_31 = tpu.vector_load %arg4[%get3A, %get3A_30] {strides = array<i32>} : memref<125x80xi32, #tpu.memory_space<vmem>>, vector<16xi32>,
      tpu.vector_store_idx %arg5[%get3A_31], %broadcast_in_dim3A_9 {add = true} : memref<10240xf32, #tpu.memory_space<vmem>>[vector<16xi32>], vector<16xf32>,
      %get3A_32 = arith.index_cast %scan3A_28 : i32 to index
      %get3A_33 = arith.constant 16 : index
      %get3A_34 = tpu.vector_load %arg4[%get3A_32, %get3A_33] {strides = array<i32>} : memref<125x80xi32, #tpu.memory_space<vmem>>, vector<16xi32>,
      tpu.vector_store_idx %arg5[%get3A_34], %broadcast_in_dim3A_9 {add = true} : memref<10240xf32, #tpu.memory_space<vmem>>[vector<16xi32>], vector<16xf32>,
      %get3A_35 = arith.index_cast %scan3A_28 : i32 to index
      %get3A_36 = arith.constant 32 : index
      %get3A_37 = tpu.vector_load %arg4[%get3A_35, %get3A_36] {strides = array<i32>} : memref<125x80xi32, #tpu.memory_space<vmem>>, vector<16xi32>,
      tpu.vector_store_idx %arg5[%get3A_37], %broadcast_in_dim3A_9 {add = true} : memref<10240xf32, #tpu.memory_space<vmem>>[vector<16xi32>], vector<16xf32>,
      %get3A_38 = arith.index_cast %scan3A_28 : i32 to index
      %get3A_39 = arith.constant 48 : index
      %get3A_40 = tpu.vector_load %arg4[%get3A_38, %get3A_39] {strides = array<i32>} : memref<125x80xi32, #tpu.memory_space<vmem>>, vector<16xi32>,
      tpu.vector_store_idx %arg5[%get3A_40], %broadcast_in_dim3A_9 {add = true} : memref<10240xf32, #tpu.memory_space<vmem>>[vector<16xi32>], vector<16xf32>,
      %get3A_41 = arith.index_cast %scan3A_28 : i32 to index
      %get3A_42 = arith.constant 64 : index
      %get3A_43 = tpu.vector_load %arg4[%get3A_41, %get3A_42] {strides = array<i32>} : memref<125x80xi32, #tpu.memory_space<vmem>>, vector<16xi32>,
      tpu.vector_store_idx %arg5[%get3A_43], %broadcast_in_dim3A_9 {add = true} : memref<10240xf32, #tpu.memory_space<vmem>>[vector<16xi32>], vector<16xf32>,
      %scan3A_44 = arith.constant 0 : i32
      scf.yield %scan3A_44 : i32
    }
    %scan3A_16 = arith.constant 125 : i32
    %run_scoped3A = arith.constant 0 : i32
    "tpu.region"() ({
      %run_scoped3A_28 = tpu.sem_alloc : memref<!tpu.dma_semaphore, #tpu.memory_space<semaphore_mem>>
      %dma_start3A = arith.constant 0 : i32
      %dma_start3A_29 = tpu.memref_slice %arg8[%arg1, %run_scoped3A, %dma_start3A] : memref<16x1x10240xf32, #tpu.memory_space<vmem_shared>> -> memref<1x1x10240xf32, #tpu.memory_space<vmem_shared>>
      %dma_start3A_30 = tpu.memref_squeeze %dma_start3A_29 : memref<1x1x10240xf32, #tpu.memory_space<vmem_shared>> -> memref<10240xf32, #tpu.memory_space<vmem_shared>>
      %dma_start3A_31 = arith.constant 0 : i32
      %dma_start3A_32 = tpu.memref_slice %arg8[%arg1, %run_scoped3A, %dma_start3A_31] : memref<16x1x10240xf32, #tpu.memory_space<vmem_shared>> -> memref<1x1x10240xf32, #tpu.memory_space<vmem_shared>>
      %dma_start3A_33 = tpu.memref_squeeze %dma_start3A_32 : memref<1x1x10240xf32, #tpu.memory_space<vmem_shared>> -> memref<10240xf32, #tpu.memory_space<vmem_shared>>
      tpu.enqueue_dma source(%arg5 : memref<10240xf32, #tpu.memory_space<vmem>>) target(%dma_start3A_33 : memref<10240xf32, #tpu.memory_space<vmem_shared>>) target_semaphore(%run_scoped3A_28 : memref<!tpu.dma_semaphore, #tpu.memory_space<semaphore_mem>>)
      %dma_wait3A = arith.constant 0 : i32
      %dma_wait3A_34 = tpu.memref_slice %arg8[%arg1, %run_scoped3A, %dma_wait3A] : memref<16x1x10240xf32, #tpu.memory_space<vmem_shared>> -> memref<1x1x10240xf32, #tpu.memory_space<vmem_shared>>
      %dma_wait3A_35 = tpu.memref_squeeze %dma_wait3A_34 : memref<1x1x10240xf32, #tpu.memory_space<vmem_shared>> -> memref<10240xf32, #tpu.memory_space<vmem_shared>>
      %dma_wait3A_36 = arith.constant 0 : i32
      %dma_wait3A_37 = tpu.memref_slice %arg8[%arg1, %run_scoped3A, %dma_wait3A_36] : memref<16x1x10240xf32, #tpu.memory_space<vmem_shared>> -> memref<1x1x10240xf32, #tpu.memory_space<vmem_shared>>
      %dma_wait3A_38 = tpu.memref_squeeze %dma_wait3A_37 : memref<1x1x10240xf32, #tpu.memory_space<vmem_shared>> -> memref<10240xf32, #tpu.memory_space<vmem_shared>>
      tpu.wait_dma2 semaphore(%run_scoped3A_28 : memref<!tpu.dma_semaphore, #tpu.memory_space<semaphore_mem>>) src(%arg5 : memref<10240xf32, #tpu.memory_space<vmem>>) dst(%dma_wait3A_38 : memref<10240xf32, #tpu.memory_space<vmem_shared>>)
      tpu.yield
    }) : () -> ()
    %barrier3A = arith.constant 0 : index
    tpu.barrier barrier_id(%barrier3A)
    %mul3A_17 = arith.constant 640 : i32
    %mul3A_18 = arith.muli %arg1, %mul3A_17 : i32
    %run_scoped3A_19 = arith.constant 0 : i32
    "tpu.region"() ({
      %run_scoped3A_28 = tpu.sem_alloc : memref<!tpu.dma_semaphore, #tpu.memory_space<semaphore_mem>>
      %dma_start3A = arith.constant 0 : i32
      %dma_start3A_29 = tpu.memref_slice %arg8[%dma_start3A, %run_scoped3A_19, %mul3A_18] : memref<16x1x10240xf32, #tpu.memory_space<vmem_shared>> -> memref<16x1x640xf32, #tpu.memory_space<vmem_shared>>
      %dma_start3A_30 = tpu.memref_squeeze %dma_start3A_29 : memref<16x1x640xf32, #tpu.memory_space<vmem_shared>> -> memref<16x640xf32, #tpu.memory_space<vmem_shared>>
      %dma_start3A_31 = arith.constant 0 : i32
      %dma_start3A_32 = tpu.memref_slice %arg8[%dma_start3A_31, %run_scoped3A_19, %mul3A_18] : memref<16x1x10240xf32, #tpu.memory_space<vmem_shared>> -> memref<16x1x640xf32, #tpu.memory_space<vmem_shared>>
      %dma_start3A_33 = tpu.memref_squeeze %dma_start3A_32 : memref<16x1x640xf32, #tpu.memory_space<vmem_shared>> -> memref<16x640xf32, #tpu.memory_space<vmem_shared>>
      tpu.enqueue_dma source(%dma_start3A_33 : memref<16x640xf32, #tpu.memory_space<vmem_shared>>) target(%arg6 : memref<16x640xf32, #tpu.memory_space<vmem>>) target_semaphore(%run_scoped3A_28 : memref<!tpu.dma_semaphore, #tpu.memory_space<semaphore_mem>>)
      %dma_wait3A = arith.constant 0 : i32
      %dma_wait3A_34 = tpu.memref_slice %arg8[%dma_wait3A, %run_scoped3A_19, %mul3A_18] : memref<16x1x10240xf32, #tpu.memory_space<vmem_shared>> -> memref<16x1x640xf32, #tpu.memory_space<vmem_shared>>
      %dma_wait3A_35 = tpu.memref_squeeze %dma_wait3A_34 : memref<16x1x640xf32, #tpu.memory_space<vmem_shared>> -> memref<16x640xf32, #tpu.memory_space<vmem_shared>>
      %dma_wait3A_36 = arith.constant 0 : i32
      %dma_wait3A_37 = tpu.memref_slice %arg8[%dma_wait3A_36, %run_scoped3A_19, %mul3A_18] : memref<16x1x10240xf32, #tpu.memory_space<vmem_shared>> -> memref<16x1x640xf32, #tpu.memory_space<vmem_shared>>
      %dma_wait3A_38 = tpu.memref_squeeze %dma_wait3A_37 : memref<16x1x640xf32, #tpu.memory_space<vmem_shared>> -> memref<16x640xf32, #tpu.memory_space<vmem_shared>>
      tpu.wait_dma2 semaphore(%run_scoped3A_28 : memref<!tpu.dma_semaphore, #tpu.memory_space<semaphore_mem>>) src(%dma_wait3A_38 : memref<16x640xf32, #tpu.memory_space<vmem_shared>>) dst(%arg6 : memref<16x640xf32, #tpu.memory_space<vmem>>)
      tpu.yield
    }) : () -> ()
    %scan3A_20 = arith.constant 0 : i32
    %scan3A_21 = arith.constant 0 : i32
    %scan3A_22 = arith.constant 40 : i32
    %scan3A_23 = arith.addi %scan3A_21, %scan3A_22 : i32
    %scan3A_24 = arith.constant 1 : i32
    %scan3A_25 = scf.for %scan3A_28 = %scan3A_21 to %scan3A_23 step %scan3A_24 iter_args(%scan3A_29 = %scan3A_20) -> (i32)  : i32 {
      %mul3A_30 = arith.constant 16 : i32
      %mul3A_31 = arith.muli %scan3A_28, %mul3A_30 : i32
      %get3A = arith.constant 0 : i32
      %get3A_32 = arith.index_cast %get3A : i32 to index
      %get3A_33 = arith.index_cast %mul3A_31 : i32 to index
      %get3A_34 = tpu.vector_load %arg6[%get3A_32, %get3A_33] {strides = array<i32>} : memref<16x640xf32, #tpu.memory_space<vmem>>, vector<16xf32>,
      %mul3A_35 = arith.constant 16 : i32
      %mul3A_36 = arith.muli %scan3A_28, %mul3A_35 : i32
      %get3A_37 = arith.constant 1 : i32
      %get3A_38 = arith.index_cast %get3A_37 : i32 to index
      %get3A_39 = arith.index_cast %mul3A_36 : i32 to index
      %get3A_40 = tpu.vector_load %arg6[%get3A_38, %get3A_39] {strides = array<i32>} : memref<16x640xf32, #tpu.memory_space<vmem>>, vector<16xf32>,
      %add3A_41 = arith.addf %get3A_34, %get3A_40 : vector<16xf32>
      %mul3A_42 = arith.constant 16 : i32
      %mul3A_43 = arith.muli %scan3A_28, %mul3A_42 : i32
      %get3A_44 = arith.constant 2 : i32
      %get3A_45 = arith.index_cast %get3A_44 : i32 to index
      %get3A_46 = arith.index_cast %mul3A_43 : i32 to index
      %get3A_47 = tpu.vector_load %arg6[%get3A_45, %get3A_46] {strides = array<i32>} : memref<16x640xf32, #tpu.memory_space<vmem>>, vector<16xf32>,
      %add3A_48 = arith.addf %add3A_41, %get3A_47 : vector<16xf32>
      %mul3A_49 = arith.constant 16 : i32
      %mul3A_50 = arith.muli %scan3A_28, %mul3A_49 : i32
      %get3A_51 = arith.constant 3 : i32
      %get3A_52 = arith.index_cast %get3A_51 : i32 to index
      %get3A_53 = arith.index_cast %mul3A_50 : i32 to index
      %get3A_54 = tpu.vector_load %arg6[%get3A_52, %get3A_53] {strides = array<i32>} : memref<16x640xf32, #tpu.memory_space<vmem>>, vector<16xf32>,
      %add3A_55 = arith.addf %add3A_48, %get3A_54 : vector<16xf32>
      %mul3A_56 = arith.constant 16 : i32
      %mul3A_57 = arith.muli %scan3A_28, %mul3A_56 : i32
      %get3A_58 = arith.constant 4 : i32
      %get3A_59 = arith.index_cast %get3A_58 : i32 to index
      %get3A_60 = arith.index_cast %mul3A_57 : i32 to index
      %get3A_61 = tpu.vector_load %arg6[%get3A_59, %get3A_60] {strides = array<i32>} : memref<16x640xf32, #tpu.memory_space<vmem>>, vector<16xf32>,
      %add3A_62 = arith.addf %add3A_55, %get3A_61 : vector<16xf32>
      %mul3A_63 = arith.constant 16 : i32
      %mul3A_64 = arith.muli %scan3A_28, %mul3A_63 : i32
      %get3A_65 = arith.constant 5 : i32
      %get3A_66 = arith.index_cast %get3A_65 : i32 to index
      %get3A_67 = arith.index_cast %mul3A_64 : i32 to index
      %get3A_68 = tpu.vector_load %arg6[%get3A_66, %get3A_67] {strides = array<i32>} : memref<16x640xf32, #tpu.memory_space<vmem>>, vector<16xf32>,
      %add3A_69 = arith.addf %add3A_62, %get3A_68 : vector<16xf32>
      %mul3A_70 = arith.constant 16 : i32
      %mul3A_71 = arith.muli %scan3A_28, %mul3A_70 : i32
      %get3A_72 = arith.constant 6 : i32
      %get3A_73 = arith.index_cast %get3A_72 : i32 to index
      %get3A_74 = arith.index_cast %mul3A_71 : i32 to index
      %get3A_75 = tpu.vector_load %arg6[%get3A_73, %get3A_74] {strides = array<i32>} : memref<16x640xf32, #tpu.memory_space<vmem>>, vector<16xf32>,
      %add3A_76 = arith.addf %add3A_69, %get3A_75 : vector<16xf32>
      %mul3A_77 = arith.constant 16 : i32
      %mul3A_78 = arith.muli %scan3A_28, %mul3A_77 : i32
      %get3A_79 = arith.constant 7 : i32
      %get3A_80 = arith.index_cast %get3A_79 : i32 to index
      %get3A_81 = arith.index_cast %mul3A_78 : i32 to index
      %get3A_82 = tpu.vector_load %arg6[%get3A_80, %get3A_81] {strides = array<i32>} : memref<16x640xf32, #tpu.memory_space<vmem>>, vector<16xf32>,
      %add3A_83 = arith.addf %add3A_76, %get3A_82 : vector<16xf32>
      %mul3A_84 = arith.constant 16 : i32
      %mul3A_85 = arith.muli %scan3A_28, %mul3A_84 : i32
      %get3A_86 = arith.constant 8 : i32
      %get3A_87 = arith.index_cast %get3A_86 : i32 to index
      %get3A_88 = arith.index_cast %mul3A_85 : i32 to index
      %get3A_89 = tpu.vector_load %arg6[%get3A_87, %get3A_88] {strides = array<i32>} : memref<16x640xf32, #tpu.memory_space<vmem>>, vector<16xf32>,
      %add3A_90 = arith.addf %add3A_83, %get3A_89 : vector<16xf32>
      %mul3A_91 = arith.constant 16 : i32
      %mul3A_92 = arith.muli %scan3A_28, %mul3A_91 : i32
      %get3A_93 = arith.constant 9 : i32
      %get3A_94 = arith.index_cast %get3A_93 : i32 to index
      %get3A_95 = arith.index_cast %mul3A_92 : i32 to index
      %get3A_96 = tpu.vector_load %arg6[%get3A_94, %get3A_95] {strides = array<i32>} : memref<16x640xf32, #tpu.memory_space<vmem>>, vector<16xf32>,
      %add3A_97 = arith.addf %add3A_90, %get3A_96 : vector<16xf32>
      %mul3A_98 = arith.constant 16 : i32
      %mul3A_99 = arith.muli %scan3A_28, %mul3A_98 : i32
      %get3A_100 = arith.constant 10 : i32
      %get3A_101 = arith.index_cast %get3A_100 : i32 to index
      %get3A_102 = arith.index_cast %mul3A_99 : i32 to index
      %get3A_103 = tpu.vector_load %arg6[%get3A_101, %get3A_102] {strides = array<i32>} : memref<16x640xf32, #tpu.memory_space<vmem>>, vector<16xf32>,
      %add3A_104 = arith.addf %add3A_97, %get3A_103 : vector<16xf32>
      %mul3A_105 = arith.constant 16 : i32
      %mul3A_106 = arith.muli %scan3A_28, %mul3A_105 : i32
      %get3A_107 = arith.constant 11 : i32
      %get3A_108 = arith.index_cast %get3A_107 : i32 to index
      %get3A_109 = arith.index_cast %mul3A_106 : i32 to index
      %get3A_110 = tpu.vector_load %arg6[%get3A_108, %get3A_109] {strides = array<i32>} : memref<16x640xf32, #tpu.memory_space<vmem>>, vector<16xf32>,
      %add3A_111 = arith.addf %add3A_104, %get3A_110 : vector<16xf32>
      %mul3A_112 = arith.constant 16 : i32
      %mul3A_113 = arith.muli %scan3A_28, %mul3A_112 : i32
      %get3A_114 = arith.constant 12 : i32
      %get3A_115 = arith.index_cast %get3A_114 : i32 to index
      %get3A_116 = arith.index_cast %mul3A_113 : i32 to index
      %get3A_117 = tpu.vector_load %arg6[%get3A_115, %get3A_116] {strides = array<i32>} : memref<16x640xf32, #tpu.memory_space<vmem>>, vector<16xf32>,
      %add3A_118 = arith.addf %add3A_111, %get3A_117 : vector<16xf32>
      %mul3A_119 = arith.constant 16 : i32
      %mul3A_120 = arith.muli %scan3A_28, %mul3A_119 : i32
      %get3A_121 = arith.constant 13 : i32
      %get3A_122 = arith.index_cast %get3A_121 : i32 to index
      %get3A_123 = arith.index_cast %mul3A_120 : i32 to index
      %get3A_124 = tpu.vector_load %arg6[%get3A_122, %get3A_123] {strides = array<i32>} : memref<16x640xf32, #tpu.memory_space<vmem>>, vector<16xf32>,
      %add3A_125 = arith.addf %add3A_118, %get3A_124 : vector<16xf32>
      %mul3A_126 = arith.constant 16 : i32
      %mul3A_127 = arith.muli %scan3A_28, %mul3A_126 : i32
      %get3A_128 = arith.constant 14 : i32
      %get3A_129 = arith.index_cast %get3A_128 : i32 to index
      %get3A_130 = arith.index_cast %mul3A_127 : i32 to index
      %get3A_131 = tpu.vector_load %arg6[%get3A_129, %get3A_130] {strides = array<i32>} : memref<16x640xf32, #tpu.memory_space<vmem>>, vector<16xf32>,
      %add3A_132 = arith.addf %add3A_125, %get3A_131 : vector<16xf32>
      %mul3A_133 = arith.constant 16 : i32
      %mul3A_134 = arith.muli %scan3A_28, %mul3A_133 : i32
      %get3A_135 = arith.constant 15 : i32
      %get3A_136 = arith.index_cast %get3A_135 : i32 to index
      %get3A_137 = arith.index_cast %mul3A_134 : i32 to index
      %get3A_138 = tpu.vector_load %arg6[%get3A_136, %get3A_137] {strides = array<i32>} : memref<16x640xf32, #tpu.memory_space<vmem>>, vector<16xf32>,
      %add3A_139 = arith.addf %add3A_132, %get3A_138 : vector<16xf32>
      %mul3A_140 = arith.constant 16 : i32
      %mul3A_141 = arith.muli %scan3A_28, %mul3A_140 : i32
      %swap3A = arith.index_cast %mul3A_141 : i32 to index
      %swap3A_142 = tpu.vector_load %arg7[%swap3A] {strides = array<i32>} : memref<640xf32, #tpu.memory_space<vmem>>, vector<16xf32>,
      tpu.vector_store %arg7[%swap3A], %add3A_139 {strides = array<i32>} : memref<640xf32, #tpu.memory_space<vmem>>, vector<16xf32>,
      %scan3A_143 = arith.constant 0 : i32
      scf.yield %scan3A_143 : i32
    }
    %scan3A_26 = arith.constant 40 : i32
    %run_scoped3A_27 = arith.constant 0 : i32
    "tpu.region"() ({
      %run_scoped3A_28 = tpu.sem_alloc : memref<!tpu.dma_semaphore, #tpu.memory_space<semaphore_mem>>
      %dma_start3A = tpu.memref_slice %arg3[%arg0, %run_scoped3A_27, %mul3A_18] : memref<2x1x10240xf32, #tpu.memory_space<hbm>> -> memref<1x1x640xf32, #tpu.memory_space<hbm>>
      %dma_start3A_29 = tpu.memref_squeeze %dma_start3A : memref<1x1x640xf32, #tpu.memory_space<hbm>> -> memref<640xf32, #tpu.memory_space<hbm>>
      %dma_start3A_30 = tpu.memref_slice %arg3[%arg0, %run_scoped3A_27, %mul3A_18] : memref<2x1x10240xf32, #tpu.memory_space<hbm>> -> memref<1x1x640xf32, #tpu.memory_space<hbm>>
      %dma_start3A_31 = tpu.memref_squeeze %dma_start3A_30 : memref<1x1x640xf32, #tpu.memory_space<hbm>> -> memref<640xf32, #tpu.memory_space<hbm>>
      tpu.enqueue_dma source(%arg7 : memref<640xf32, #tpu.memory_space<vmem>>) target(%dma_start3A_31 : memref<640xf32, #tpu.memory_space<hbm>>) target_semaphore(%run_scoped3A_28 : memref<!tpu.dma_semaphore, #tpu.memory_space<semaphore_mem>>)
      %dma_wait3A = tpu.memref_slice %arg3[%arg0, %run_scoped3A_27, %mul3A_18] : memref<2x1x10240xf32, #tpu.memory_space<hbm>> -> memref<1x1x640xf32, #tpu.memory_space<hbm>>
      %dma_wait3A_32 = tpu.memref_squeeze %dma_wait3A : memref<1x1x640xf32, #tpu.memory_space<hbm>> -> memref<640xf32, #tpu.memory_space<hbm>>
      %dma_wait3A_33 = tpu.memref_slice %arg3[%arg0, %run_scoped3A_27, %mul3A_18] : memref<2x1x10240xf32, #tpu.memory_space<hbm>> -> memref<1x1x640xf32, #tpu.memory_space<hbm>>
      %dma_wait3A_34 = tpu.memref_squeeze %dma_wait3A_33 : memref<1x1x640xf32, #tpu.memory_space<hbm>> -> memref<640xf32, #tpu.memory_space<hbm>>
      tpu.wait_dma2 semaphore(%run_scoped3A_28 : memref<!tpu.dma_semaphore, #tpu.memory_space<semaphore_mem>>) src(%arg7 : memref<640xf32, #tpu.memory_space<vmem>>) dst(%dma_wait3A_34 : memref<640xf32, #tpu.memory_space<hbm>>)
      tpu.yield
    }) : () -> ()
    return
  }
}

#map = affine_map<(d0, d1) -> (0, 0)>
#map1 = affine_map<(d0, d1) -> (0, 0, 0)>
module attributes {stable_mosaic.version = 14 : i64} {
  func.func @_seg_sum_body(%arg0: i32, %arg1: i32, %arg2: memref<10000x128xf32, #tpu.memory_space<hbm>>, %arg3: memref<32x1x10000xi32, #tpu.memory_space<hbm>>, %arg4: memref<32x125x80xi32, #tpu.memory_space<hbm>>, %arg5: memref<2x10000x128xf32, #tpu.memory_space<hbm>>, %arg6: memref<10000xi32, #tpu.memory_space<vmem>>, %arg7: memref<125x80xi32, #tpu.memory_space<vmem>>, %arg8: memref<2x80x128xf32, #tpu.memory_space<vmem>>, %arg9: memref<10000x128xf32, #tpu.memory_space<vmem_shared>>, %arg10: memref<!tpu.dma_semaphore, #tpu.memory_space<semaphore_mem>>, %arg11: memref<!tpu.dma_semaphore, #tpu.memory_space<semaphore_mem>>) attributes {dimension_semantics = [#tpu.dimension_semantics<core_parallel>, #tpu.dimension_semantics<subcore_parallel>], iteration_bounds = array<i64: 2, 16>, scalar_prefetch = 0 : i64, scratch_operands = 6 : i64, tpu.core_type = #tpu.core_type<sc_vector_subcore>, window_params = [{transform_indices = #map}, {transform_indices = #map1}, {transform_indices = #map1}, {transform_indices = #map1}]} {
    %mul3A = arith.constant 2 : i32
    %mul3A_0 = arith.muli %arg1, %mul3A : i32
    %add3A = arith.addi %mul3A_0, %arg0 : i32
    %run_scoped3A = arith.constant 0 : i32
    "tpu.region"() ({
      %run_scoped3A_58 = tpu.sem_alloc : memref<!tpu.dma_semaphore, #tpu.memory_space<semaphore_mem>>
      %dma_start3A_59 = arith.constant 0 : i32
      %dma_start3A_60 = tpu.memref_slice %arg3[%add3A, %run_scoped3A, %dma_start3A_59] : memref<32x1x10000xi32, #tpu.memory_space<hbm>> -> memref<1x1x10000xi32, #tpu.memory_space<hbm>>
      %dma_start3A_61 = tpu.memref_squeeze %dma_start3A_60 : memref<1x1x10000xi32, #tpu.memory_space<hbm>> -> memref<10000xi32, #tpu.memory_space<hbm>>
      %dma_start3A_62 = arith.constant 0 : i32
      %dma_start3A_63 = tpu.memref_slice %arg3[%add3A, %run_scoped3A, %dma_start3A_62] : memref<32x1x10000xi32, #tpu.memory_space<hbm>> -> memref<1x1x10000xi32, #tpu.memory_space<hbm>>
      %dma_start3A_64 = tpu.memref_squeeze %dma_start3A_63 : memref<1x1x10000xi32, #tpu.memory_space<hbm>> -> memref<10000xi32, #tpu.memory_space<hbm>>
      tpu.enqueue_dma source(%dma_start3A_64 : memref<10000xi32, #tpu.memory_space<hbm>>) target(%arg6 : memref<10000xi32, #tpu.memory_space<vmem>>) target_semaphore(%run_scoped3A_58 : memref<!tpu.dma_semaphore, #tpu.memory_space<semaphore_mem>>)
      %dma_wait3A_65 = arith.constant 0 : i32
      %dma_wait3A_66 = tpu.memref_slice %arg3[%add3A, %run_scoped3A, %dma_wait3A_65] : memref<32x1x10000xi32, #tpu.memory_space<hbm>> -> memref<1x1x10000xi32, #tpu.memory_space<hbm>>
      %dma_wait3A_67 = tpu.memref_squeeze %dma_wait3A_66 : memref<1x1x10000xi32, #tpu.memory_space<hbm>> -> memref<10000xi32, #tpu.memory_space<hbm>>
      %dma_wait3A_68 = arith.constant 0 : i32
      %dma_wait3A_69 = tpu.memref_slice %arg3[%add3A, %run_scoped3A, %dma_wait3A_68] : memref<32x1x10000xi32, #tpu.memory_space<hbm>> -> memref<1x1x10000xi32, #tpu.memory_space<hbm>>
      %dma_wait3A_70 = tpu.memref_squeeze %dma_wait3A_69 : memref<1x1x10000xi32, #tpu.memory_space<hbm>> -> memref<10000xi32, #tpu.memory_space<hbm>>
      tpu.wait_dma2 semaphore(%run_scoped3A_58 : memref<!tpu.dma_semaphore, #tpu.memory_space<semaphore_mem>>) src(%dma_wait3A_70 : memref<10000xi32, #tpu.memory_space<hbm>>) dst(%arg6 : memref<10000xi32, #tpu.memory_space<vmem>>)
      tpu.yield
    }) : () -> ()
    "tpu.region"() ({
      %run_scoped3A_58 = tpu.sem_alloc : memref<!tpu.dma_semaphore, #tpu.memory_space<semaphore_mem>>
      %dma_start3A_59 = arith.constant 0 : i32
      %dma_start3A_60 = arith.constant 0 : i32
      %dma_start3A_61 = tpu.memref_slice %arg4[%add3A, %dma_start3A_59, %dma_start3A_60] : memref<32x125x80xi32, #tpu.memory_space<hbm>> -> memref<1x125x80xi32, #tpu.memory_space<hbm>>
      %dma_start3A_62 = tpu.memref_squeeze %dma_start3A_61 : memref<1x125x80xi32, #tpu.memory_space<hbm>> -> memref<125x80xi32, #tpu.memory_space<hbm>>
      %dma_start3A_63 = arith.constant 0 : i32
      %dma_start3A_64 = arith.constant 0 : i32
      %dma_start3A_65 = tpu.memref_slice %arg4[%add3A, %dma_start3A_63, %dma_start3A_64] : memref<32x125x80xi32, #tpu.memory_space<hbm>> -> memref<1x125x80xi32, #tpu.memory_space<hbm>>
      %dma_start3A_66 = tpu.memref_squeeze %dma_start3A_65 : memref<1x125x80xi32, #tpu.memory_space<hbm>> -> memref<125x80xi32, #tpu.memory_space<hbm>>
      tpu.enqueue_dma source(%dma_start3A_66 : memref<125x80xi32, #tpu.memory_space<hbm>>) target(%arg7 : memref<125x80xi32, #tpu.memory_space<vmem>>) target_semaphore(%run_scoped3A_58 : memref<!tpu.dma_semaphore, #tpu.memory_space<semaphore_mem>>)
      %dma_wait3A_67 = arith.constant 0 : i32
      %dma_wait3A_68 = arith.constant 0 : i32
      %dma_wait3A_69 = tpu.memref_slice %arg4[%add3A, %dma_wait3A_67, %dma_wait3A_68] : memref<32x125x80xi32, #tpu.memory_space<hbm>> -> memref<1x125x80xi32, #tpu.memory_space<hbm>>
      %dma_wait3A_70 = tpu.memref_squeeze %dma_wait3A_69 : memref<1x125x80xi32, #tpu.memory_space<hbm>> -> memref<125x80xi32, #tpu.memory_space<hbm>>
      %dma_wait3A_71 = arith.constant 0 : i32
      %dma_wait3A_72 = arith.constant 0 : i32
      %dma_wait3A_73 = tpu.memref_slice %arg4[%add3A, %dma_wait3A_71, %dma_wait3A_72] : memref<32x125x80xi32, #tpu.memory_space<hbm>> -> memref<1x125x80xi32, #tpu.memory_space<hbm>>
      %dma_wait3A_74 = tpu.memref_squeeze %dma_wait3A_73 : memref<1x125x80xi32, #tpu.memory_space<hbm>> -> memref<125x80xi32, #tpu.memory_space<hbm>>
      tpu.wait_dma2 semaphore(%run_scoped3A_58 : memref<!tpu.dma_semaphore, #tpu.memory_space<semaphore_mem>>) src(%dma_wait3A_74 : memref<125x80xi32, #tpu.memory_space<hbm>>) dst(%arg7 : memref<125x80xi32, #tpu.memory_space<vmem>>)
      tpu.yield
    }) : () -> ()
    %broadcast_in_dim3A = arith.constant 0.000000e+00 : f32
    %broadcast_in_dim3A_1 = vector.broadcast %broadcast_in_dim3A : f32 to vector<16xf32>
    %scan3A = arith.constant 0 : i32
    %scan3A_2 = arith.constant 0 : i32
    %scan3A_3 = arith.constant 0 : i32
    %scan3A_4 = arith.constant 80 : i32
    %scan3A_5 = arith.addi %scan3A_3, %scan3A_4 : i32
    %scan3A_6 = arith.constant 1 : i32
    %scan3A_7 = scf.for %scan3A_58 = %scan3A_3 to %scan3A_5 step %scan3A_6 iter_args(%scan3A_59 = %scan3A_2) -> (i32)  : i32 {
      %swap3A = arith.constant 0 : i32
      %swap3A_60 = arith.constant 0 : i32
      %swap3A_61 = tpu.memref_slice %arg8[%scan3A, %swap3A, %swap3A_60] : memref<2x80x128xf32, #tpu.memory_space<vmem>> -> memref<1x80x128xf32, #tpu.memory_space<vmem>>
      %swap3A_62 = tpu.memref_squeeze %swap3A_61 : memref<1x80x128xf32, #tpu.memory_space<vmem>> -> memref<80x128xf32, #tpu.memory_space<vmem>>
      %swap3A_63 = arith.index_cast %scan3A_58 : i32 to index
      %swap3A_64 = arith.constant 0 : index
      %swap3A_65 = tpu.vector_load %swap3A_62[%swap3A_63, %swap3A_64] {strides = array<i32>} : memref<80x128xf32, #tpu.memory_space<vmem>>, vector<16xf32>,
      tpu.vector_store %swap3A_62[%swap3A_63, %swap3A_64], %broadcast_in_dim3A_1 {strides = array<i32>} : memref<80x128xf32, #tpu.memory_space<vmem>>, vector<16xf32>,
      %swap3A_66 = arith.constant 0 : i32
      %swap3A_67 = arith.constant 0 : i32
      %swap3A_68 = tpu.memref_slice %arg8[%scan3A, %swap3A_66, %swap3A_67] : memref<2x80x128xf32, #tpu.memory_space<vmem>> -> memref<1x80x128xf32, #tpu.memory_space<vmem>>
      %swap3A_69 = tpu.memref_squeeze %swap3A_68 : memref<1x80x128xf32, #tpu.memory_space<vmem>> -> memref<80x128xf32, #tpu.memory_space<vmem>>
      %swap3A_70 = arith.index_cast %scan3A_58 : i32 to index
      %swap3A_71 = arith.constant 16 : index
      %swap3A_72 = tpu.vector_load %swap3A_69[%swap3A_70, %swap3A_71] {strides = array<i32>} : memref<80x128xf32, #tpu.memory_space<vmem>>, vector<16xf32>,
      tpu.vector_store %swap3A_69[%swap3A_70, %swap3A_71], %broadcast_in_dim3A_1 {strides = array<i32>} : memref<80x128xf32, #tpu.memory_space<vmem>>, vector<16xf32>,
      %swap3A_73 = arith.constant 0 : i32
      %swap3A_74 = arith.constant 0 : i32
      %swap3A_75 = tpu.memref_slice %arg8[%scan3A, %swap3A_73, %swap3A_74] : memref<2x80x128xf32, #tpu.memory_space<vmem>> -> memref<1x80x128xf32, #tpu.memory_space<vmem>>
      %swap3A_76 = tpu.memref_squeeze %swap3A_75 : memref<1x80x128xf32, #tpu.memory_space<vmem>> -> memref<80x128xf32, #tpu.memory_space<vmem>>
      %swap3A_77 = arith.index_cast %scan3A_58 : i32 to index
      %swap3A_78 = arith.constant 32 : index
      %swap3A_79 = tpu.vector_load %swap3A_76[%swap3A_77, %swap3A_78] {strides = array<i32>} : memref<80x128xf32, #tpu.memory_space<vmem>>, vector<16xf32>,
      tpu.vector_store %swap3A_76[%swap3A_77, %swap3A_78], %broadcast_in_dim3A_1 {strides = array<i32>} : memref<80x128xf32, #tpu.memory_space<vmem>>, vector<16xf32>,
      %swap3A_80 = arith.constant 0 : i32
      %swap3A_81 = arith.constant 0 : i32
      %swap3A_82 = tpu.memref_slice %arg8[%scan3A, %swap3A_80, %swap3A_81] : memref<2x80x128xf32, #tpu.memory_space<vmem>> -> memref<1x80x128xf32, #tpu.memory_space<vmem>>
      %swap3A_83 = tpu.memref_squeeze %swap3A_82 : memref<1x80x128xf32, #tpu.memory_space<vmem>> -> memref<80x128xf32, #tpu.memory_space<vmem>>
      %swap3A_84 = arith.index_cast %scan3A_58 : i32 to index
      %swap3A_85 = arith.constant 48 : index
      %swap3A_86 = tpu.vector_load %swap3A_83[%swap3A_84, %swap3A_85] {strides = array<i32>} : memref<80x128xf32, #tpu.memory_space<vmem>>, vector<16xf32>,
      tpu.vector_store %swap3A_83[%swap3A_84, %swap3A_85], %broadcast_in_dim3A_1 {strides = array<i32>} : memref<80x128xf32, #tpu.memory_space<vmem>>, vector<16xf32>,
      %swap3A_87 = arith.constant 0 : i32
      %swap3A_88 = arith.constant 0 : i32
      %swap3A_89 = tpu.memref_slice %arg8[%scan3A, %swap3A_87, %swap3A_88] : memref<2x80x128xf32, #tpu.memory_space<vmem>> -> memref<1x80x128xf32, #tpu.memory_space<vmem>>
      %swap3A_90 = tpu.memref_squeeze %swap3A_89 : memref<1x80x128xf32, #tpu.memory_space<vmem>> -> memref<80x128xf32, #tpu.memory_space<vmem>>
      %swap3A_91 = arith.index_cast %scan3A_58 : i32 to index
      %swap3A_92 = arith.constant 64 : index
      %swap3A_93 = tpu.vector_load %swap3A_90[%swap3A_91, %swap3A_92] {strides = array<i32>} : memref<80x128xf32, #tpu.memory_space<vmem>>, vector<16xf32>,
      tpu.vector_store %swap3A_90[%swap3A_91, %swap3A_92], %broadcast_in_dim3A_1 {strides = array<i32>} : memref<80x128xf32, #tpu.memory_space<vmem>>, vector<16xf32>,
      %swap3A_94 = arith.constant 0 : i32
      %swap3A_95 = arith.constant 0 : i32
      %swap3A_96 = tpu.memref_slice %arg8[%scan3A, %swap3A_94, %swap3A_95] : memref<2x80x128xf32, #tpu.memory_space<vmem>> -> memref<1x80x128xf32, #tpu.memory_space<vmem>>
      %swap3A_97 = tpu.memref_squeeze %swap3A_96 : memref<1x80x128xf32, #tpu.memory_space<vmem>> -> memref<80x128xf32, #tpu.memory_space<vmem>>
      %swap3A_98 = arith.index_cast %scan3A_58 : i32 to index
      %swap3A_99 = arith.constant 80 : index
      %swap3A_100 = tpu.vector_load %swap3A_97[%swap3A_98, %swap3A_99] {strides = array<i32>} : memref<80x128xf32, #tpu.memory_space<vmem>>, vector<16xf32>,
      tpu.vector_store %swap3A_97[%swap3A_98, %swap3A_99], %broadcast_in_dim3A_1 {strides = array<i32>} : memref<80x128xf32, #tpu.memory_space<vmem>>, vector<16xf32>,
      %swap3A_101 = arith.constant 0 : i32
      %swap3A_102 = arith.constant 0 : i32
      %swap3A_103 = tpu.memref_slice %arg8[%scan3A, %swap3A_101, %swap3A_102] : memref<2x80x128xf32, #tpu.memory_space<vmem>> -> memref<1x80x128xf32, #tpu.memory_space<vmem>>
      %swap3A_104 = tpu.memref_squeeze %swap3A_103 : memref<1x80x128xf32, #tpu.memory_space<vmem>> -> memref<80x128xf32, #tpu.memory_space<vmem>>
      %swap3A_105 = arith.index_cast %scan3A_58 : i32 to index
      %swap3A_106 = arith.constant 96 : index
      %swap3A_107 = tpu.vector_load %swap3A_104[%swap3A_105, %swap3A_106] {strides = array<i32>} : memref<80x128xf32, #tpu.memory_space<vmem>>, vector<16xf32>,
      tpu.vector_store %swap3A_104[%swap3A_105, %swap3A_106], %broadcast_in_dim3A_1 {strides = array<i32>} : memref<80x128xf32, #tpu.memory_space<vmem>>, vector<16xf32>,
      %swap3A_108 = arith.constant 0 : i32
      %swap3A_109 = arith.constant 0 : i32
      %swap3A_110 = tpu.memref_slice %arg8[%scan3A, %swap3A_108, %swap3A_109] : memref<2x80x128xf32, #tpu.memory_space<vmem>> -> memref<1x80x128xf32, #tpu.memory_space<vmem>>
      %swap3A_111 = tpu.memref_squeeze %swap3A_110 : memref<1x80x128xf32, #tpu.memory_space<vmem>> -> memref<80x128xf32, #tpu.memory_space<vmem>>
      %swap3A_112 = arith.index_cast %scan3A_58 : i32 to index
      %swap3A_113 = arith.constant 112 : index
      %swap3A_114 = tpu.vector_load %swap3A_111[%swap3A_112, %swap3A_113] {strides = array<i32>} : memref<80x128xf32, #tpu.memory_space<vmem>>, vector<16xf32>,
      tpu.vector_store %swap3A_111[%swap3A_112, %swap3A_113], %broadcast_in_dim3A_1 {strides = array<i32>} : memref<80x128xf32, #tpu.memory_space<vmem>>, vector<16xf32>,
      %scan3A_115 = arith.constant 0 : i32
      scf.yield %scan3A_115 : i32
    }
    %scan3A_8 = arith.constant 80 : i32
    %mul3A_9 = arith.constant 624 : i32
    %mul3A_10 = arith.muli %arg1, %mul3A_9 : i32
    %scan3A_11 = arith.constant 0 : i32
    %scan3A_12 = arith.constant 0 : i32
    %scan3A_13 = arith.constant 0 : i32
    %scan3A_14 = arith.constant 7 : i32
    %scan3A_15 = arith.addi %scan3A_13, %scan3A_14 : i32
    %scan3A_16 = arith.constant 1 : i32
    %scan3A_17 = scf.for %scan3A_58 = %scan3A_13 to %scan3A_15 step %scan3A_16 iter_args(%scan3A_59 = %scan3A_12) -> (i32)  : i32 {
      %mul3A_60 = arith.constant 80 : i32
      %mul3A_61 = arith.muli %scan3A_58, %mul3A_60 : i32
      %add3A_62 = arith.addi %mul3A_10, %mul3A_61 : i32
      "tpu.region"() ({
        %run_scoped3A_64 = tpu.sem_alloc : memref<!tpu.dma_semaphore, #tpu.memory_space<semaphore_mem>>
        %dma_start3A_65 = arith.constant 0 : i32
        %dma_start3A_66 = arith.constant 0 : i32
        %dma_start3A_67 = tpu.memref_slice %arg8[%scan3A_11, %dma_start3A_65, %dma_start3A_66] : memref<2x80x128xf32, #tpu.memory_space<vmem>> -> memref<1x80x128xf32, #tpu.memory_space<vmem>>
        %dma_start3A_68 = tpu.memref_squeeze %dma_start3A_67 : memref<1x80x128xf32, #tpu.memory_space<vmem>> -> memref<80x128xf32, #tpu.memory_space<vmem>>
        %dma_start3A_69 = arith.constant 0 : i32
        %dma_start3A_70 = tpu.memref_slice %arg9[%add3A_62, %dma_start3A_69] : memref<10000x128xf32, #tpu.memory_space<vmem_shared>> -> memref<80x128xf32, #tpu.memory_space<vmem_shared>>
        %dma_start3A_71 = arith.constant 0 : i32
        %dma_start3A_72 = tpu.memref_slice %arg9[%add3A_62, %dma_start3A_71] : memref<10000x128xf32, #tpu.memory_space<vmem_shared>> -> memref<80x128xf32, #tpu.memory_space<vmem_shared>>
        %dma_start3A_73 = arith.constant 0 : i32
        %dma_start3A_74 = arith.constant 0 : i32
        %dma_start3A_75 = tpu.memref_slice %arg8[%scan3A_11, %dma_start3A_73, %dma_start3A_74] : memref<2x80x128xf32, #tpu.memory_space<vmem>> -> memref<1x80x128xf32, #tpu.memory_space<vmem>>
        %dma_start3A_76 = tpu.memref_squeeze %dma_start3A_75 : memref<1x80x128xf32, #tpu.memory_space<vmem>> -> memref<80x128xf32, #tpu.memory_space<vmem>>
        tpu.enqueue_dma source(%dma_start3A_76 : memref<80x128xf32, #tpu.memory_space<vmem>>) target(%dma_start3A_72 : memref<80x128xf32, #tpu.memory_space<vmem_shared>>) target_semaphore(%run_scoped3A_64 : memref<!tpu.dma_semaphore, #tpu.memory_space<semaphore_mem>>)
        %dma_wait3A_77 = arith.constant 0 : i32
        %dma_wait3A_78 = arith.constant 0 : i32
        %dma_wait3A_79 = tpu.memref_slice %arg8[%scan3A_11, %dma_wait3A_77, %dma_wait3A_78] : memref<2x80x128xf32, #tpu.memory_space<vmem>> -> memref<1x80x128xf32, #tpu.memory_space<vmem>>
        %dma_wait3A_80 = tpu.memref_squeeze %dma_wait3A_79 : memref<1x80x128xf32, #tpu.memory_space<vmem>> -> memref<80x128xf32, #tpu.memory_space<vmem>>
        %dma_wait3A_81 = arith.constant 0 : i32
        %dma_wait3A_82 = tpu.memref_slice %arg9[%add3A_62, %dma_wait3A_81] : memref<10000x128xf32, #tpu.memory_space<vmem_shared>> -> memref<80x128xf32, #tpu.memory_space<vmem_shared>>
        %dma_wait3A_83 = arith.constant 0 : i32
        %dma_wait3A_84 = tpu.memref_slice %arg9[%add3A_62, %dma_wait3A_83] : memref<10000x128xf32, #tpu.memory_space<vmem_shared>> -> memref<80x128xf32, #tpu.memory_space<vmem_shared>>
        %dma_wait3A_85 = arith.constant 0 : i32
        %dma_wait3A_86 = arith.constant 0 : i32
        %dma_wait3A_87 = tpu.memref_slice %arg8[%scan3A_11, %dma_wait3A_85, %dma_wait3A_86] : memref<2x80x128xf32, #tpu.memory_space<vmem>> -> memref<1x80x128xf32, #tpu.memory_space<vmem>>
        %dma_wait3A_88 = tpu.memref_squeeze %dma_wait3A_87 : memref<1x80x128xf32, #tpu.memory_space<vmem>> -> memref<80x128xf32, #tpu.memory_space<vmem>>
        tpu.wait_dma2 semaphore(%run_scoped3A_64 : memref<!tpu.dma_semaphore, #tpu.memory_space<semaphore_mem>>) src(%dma_wait3A_88 : memref<80x128xf32, #tpu.memory_space<vmem>>) dst(%dma_wait3A_84 : memref<80x128xf32, #tpu.memory_space<vmem_shared>>)
        tpu.yield
      }) : () -> ()
      %scan3A_63 = arith.constant 0 : i32
      scf.yield %scan3A_63 : i32
    }
    %scan3A_18 = arith.constant 7 : i32
    %add3A_19 = arith.constant 560 : i32
    %add3A_20 = arith.addi %mul3A_10, %add3A_19 : i32
    %run_scoped3A_21 = arith.constant 0 : i32
    "tpu.region"() ({
      %run_scoped3A_58 = tpu.sem_alloc : memref<!tpu.dma_semaphore, #tpu.memory_space<semaphore_mem>>
      %dma_start3A_59 = arith.constant 0 : i32
      %dma_start3A_60 = arith.constant 0 : i32
      %dma_start3A_61 = tpu.memref_slice %arg8[%run_scoped3A_21, %dma_start3A_59, %dma_start3A_60] : memref<2x80x128xf32, #tpu.memory_space<vmem>> -> memref<1x80x128xf32, #tpu.memory_space<vmem>>
      %dma_start3A_62 = tpu.memref_squeeze %dma_start3A_61 : memref<1x80x128xf32, #tpu.memory_space<vmem>> -> memref<80x128xf32, #tpu.memory_space<vmem>>
      %dma_start3A_63 = arith.constant 0 : i32
      %dma_start3A_64 = arith.constant 0 : i32
      %dma_start3A_65 = tpu.memref_slice %dma_start3A_62[%dma_start3A_63, %dma_start3A_64] : memref<80x128xf32, #tpu.memory_space<vmem>> -> memref<64x128xf32, #tpu.memory_space<vmem>>
      %dma_start3A_66 = arith.constant 0 : i32
      %dma_start3A_67 = tpu.memref_slice %arg9[%add3A_20, %dma_start3A_66] : memref<10000x128xf32, #tpu.memory_space<vmem_shared>> -> memref<64x128xf32, #tpu.memory_space<vmem_shared>>
      %dma_start3A_68 = arith.constant 0 : i32
      %dma_start3A_69 = tpu.memref_slice %arg9[%add3A_20, %dma_start3A_68] : memref<10000x128xf32, #tpu.memory_space<vmem_shared>> -> memref<64x128xf32, #tpu.memory_space<vmem_shared>>
      %dma_start3A_70 = arith.constant 0 : i32
      %dma_start3A_71 = arith.constant 0 : i32
      %dma_start3A_72 = tpu.memref_slice %arg8[%run_scoped3A_21, %dma_start3A_70, %dma_start3A_71] : memref<2x80x128xf32, #tpu.memory_space<vmem>> -> memref<1x80x128xf32, #tpu.memory_space<vmem>>
      %dma_start3A_73 = tpu.memref_squeeze %dma_start3A_72 : memref<1x80x128xf32, #tpu.memory_space<vmem>> -> memref<80x128xf32, #tpu.memory_space<vmem>>
      %dma_start3A_74 = arith.constant 0 : i32
      %dma_start3A_75 = arith.constant 0 : i32
      %dma_start3A_76 = tpu.memref_slice %dma_start3A_73[%dma_start3A_74, %dma_start3A_75] : memref<80x128xf32, #tpu.memory_space<vmem>> -> memref<64x128xf32, #tpu.memory_space<vmem>>
      tpu.enqueue_dma source(%dma_start3A_76 : memref<64x128xf32, #tpu.memory_space<vmem>>) target(%dma_start3A_69 : memref<64x128xf32, #tpu.memory_space<vmem_shared>>) target_semaphore(%run_scoped3A_58 : memref<!tpu.dma_semaphore, #tpu.memory_space<semaphore_mem>>)
      %dma_wait3A_77 = arith.constant 0 : i32
      %dma_wait3A_78 = arith.constant 0 : i32
      %dma_wait3A_79 = tpu.memref_slice %arg8[%run_scoped3A_21, %dma_wait3A_77, %dma_wait3A_78] : memref<2x80x128xf32, #tpu.memory_space<vmem>> -> memref<1x80x128xf32, #tpu.memory_space<vmem>>
      %dma_wait3A_80 = tpu.memref_squeeze %dma_wait3A_79 : memref<1x80x128xf32, #tpu.memory_space<vmem>> -> memref<80x128xf32, #tpu.memory_space<vmem>>
      %dma_wait3A_81 = arith.constant 0 : i32
      %dma_wait3A_82 = arith.constant 0 : i32
      %dma_wait3A_83 = tpu.memref_slice %dma_wait3A_80[%dma_wait3A_81, %dma_wait3A_82] : memref<80x128xf32, #tpu.memory_space<vmem>> -> memref<64x128xf32, #tpu.memory_space<vmem>>
      %dma_wait3A_84 = arith.constant 0 : i32
      %dma_wait3A_85 = tpu.memref_slice %arg9[%add3A_20, %dma_wait3A_84] : memref<10000x128xf32, #tpu.memory_space<vmem_shared>> -> memref<64x128xf32, #tpu.memory_space<vmem_shared>>
      %dma_wait3A_86 = arith.constant 0 : i32
      %dma_wait3A_87 = tpu.memref_slice %arg9[%add3A_20, %dma_wait3A_86] : memref<10000x128xf32, #tpu.memory_space<vmem_shared>> -> memref<64x128xf32, #tpu.memory_space<vmem_shared>>
      %dma_wait3A_88 = arith.constant 0 : i32
      %dma_wait3A_89 = arith.constant 0 : i32
      %dma_wait3A_90 = tpu.memref_slice %arg8[%run_scoped3A_21, %dma_wait3A_88, %dma_wait3A_89] : memref<2x80x128xf32, #tpu.memory_space<vmem>> -> memref<1x80x128xf32, #tpu.memory_space<vmem>>
      %dma_wait3A_91 = tpu.memref_squeeze %dma_wait3A_90 : memref<1x80x128xf32, #tpu.memory_space<vmem>> -> memref<80x128xf32, #tpu.memory_space<vmem>>
      %dma_wait3A_92 = arith.constant 0 : i32
      %dma_wait3A_93 = arith.constant 0 : i32
      %dma_wait3A_94 = tpu.memref_slice %dma_wait3A_91[%dma_wait3A_92, %dma_wait3A_93] : memref<80x128xf32, #tpu.memory_space<vmem>> -> memref<64x128xf32, #tpu.memory_space<vmem>>
      tpu.wait_dma2 semaphore(%run_scoped3A_58 : memref<!tpu.dma_semaphore, #tpu.memory_space<semaphore_mem>>) src(%dma_wait3A_94 : memref<64x128xf32, #tpu.memory_space<vmem>>) dst(%dma_wait3A_87 : memref<64x128xf32, #tpu.memory_space<vmem_shared>>)
      tpu.yield
    }) : () -> ()
    %eq3A = arith.constant 0 : i32
    %eq3A_22 = arith.cmpi eq, %arg1, %eq3A : i32
    %convert_element_type3A = arith.extui %eq3A_22 : i1 to i32
    %cond3A = arith.constant 0 : i32
    %cond3A_23 = arith.constant 0 : i32
    %cond3A_24 = arith.cmpi ne, %convert_element_type3A, %cond3A_23 : i32
    scf.if %cond3A_24 {
      "tpu.region"() ({
        %run_scoped3A_58 = tpu.sem_alloc : memref<!tpu.dma_semaphore, #tpu.memory_space<semaphore_mem>>
        %dma_start3A_59 = arith.constant 0 : i32
        %dma_start3A_60 = arith.constant 0 : i32
        %dma_start3A_61 = tpu.memref_slice %arg8[%cond3A, %dma_start3A_59, %dma_start3A_60] : memref<2x80x128xf32, #tpu.memory_space<vmem>> -> memref<1x80x128xf32, #tpu.memory_space<vmem>>
        %dma_start3A_62 = tpu.memref_squeeze %dma_start3A_61 : memref<1x80x128xf32, #tpu.memory_space<vmem>> -> memref<80x128xf32, #tpu.memory_space<vmem>>
        %dma_start3A_63 = arith.constant 0 : i32
        %dma_start3A_64 = arith.constant 0 : i32
        %dma_start3A_65 = tpu.memref_slice %dma_start3A_62[%dma_start3A_63, %dma_start3A_64] : memref<80x128xf32, #tpu.memory_space<vmem>> -> memref<16x128xf32, #tpu.memory_space<vmem>>
        %dma_start3A_66 = arith.constant 9984 : i32
        %dma_start3A_67 = arith.constant 0 : i32
        %dma_start3A_68 = tpu.memref_slice %arg9[%dma_start3A_66, %dma_start3A_67] : memref<10000x128xf32, #tpu.memory_space<vmem_shared>> -> memref<16x128xf32, #tpu.memory_space<vmem_shared>>
        %dma_start3A_69 = arith.constant 9984 : i32
        %dma_start3A_70 = arith.constant 0 : i32
        %dma_start3A_71 = tpu.memref_slice %arg9[%dma_start3A_69, %dma_start3A_70] : memref<10000x128xf32, #tpu.memory_space<vmem_shared>> -> memref<16x128xf32, #tpu.memory_space<vmem_shared>>
        %dma_start3A_72 = arith.constant 0 : i32
        %dma_start3A_73 = arith.constant 0 : i32
        %dma_start3A_74 = tpu.memref_slice %arg8[%cond3A, %dma_start3A_72, %dma_start3A_73] : memref<2x80x128xf32, #tpu.memory_space<vmem>> -> memref<1x80x128xf32, #tpu.memory_space<vmem>>
        %dma_start3A_75 = tpu.memref_squeeze %dma_start3A_74 : memref<1x80x128xf32, #tpu.memory_space<vmem>> -> memref<80x128xf32, #tpu.memory_space<vmem>>
        %dma_start3A_76 = arith.constant 0 : i32
        %dma_start3A_77 = arith.constant 0 : i32
        %dma_start3A_78 = tpu.memref_slice %dma_start3A_75[%dma_start3A_76, %dma_start3A_77] : memref<80x128xf32, #tpu.memory_space<vmem>> -> memref<16x128xf32, #tpu.memory_space<vmem>>
        tpu.enqueue_dma source(%dma_start3A_78 : memref<16x128xf32, #tpu.memory_space<vmem>>) target(%dma_start3A_71 : memref<16x128xf32, #tpu.memory_space<vmem_shared>>) target_semaphore(%run_scoped3A_58 : memref<!tpu.dma_semaphore, #tpu.memory_space<semaphore_mem>>)
        %dma_wait3A_79 = arith.constant 0 : i32
        %dma_wait3A_80 = arith.constant 0 : i32
        %dma_wait3A_81 = tpu.memref_slice %arg8[%cond3A, %dma_wait3A_79, %dma_wait3A_80] : memref<2x80x128xf32, #tpu.memory_space<vmem>> -> memref<1x80x128xf32, #tpu.memory_space<vmem>>
        %dma_wait3A_82 = tpu.memref_squeeze %dma_wait3A_81 : memref<1x80x128xf32, #tpu.memory_space<vmem>> -> memref<80x128xf32, #tpu.memory_space<vmem>>
        %dma_wait3A_83 = arith.constant 0 : i32
        %dma_wait3A_84 = arith.constant 0 : i32
        %dma_wait3A_85 = tpu.memref_slice %dma_wait3A_82[%dma_wait3A_83, %dma_wait3A_84] : memref<80x128xf32, #tpu.memory_space<vmem>> -> memref<16x128xf32, #tpu.memory_space<vmem>>
        %dma_wait3A_86 = arith.constant 9984 : i32
        %dma_wait3A_87 = arith.constant 0 : i32
        %dma_wait3A_88 = tpu.memref_slice %arg9[%dma_wait3A_86, %dma_wait3A_87] : memref<10000x128xf32, #tpu.memory_space<vmem_shared>> -> memref<16x128xf32, #tpu.memory_space<vmem_shared>>
        %dma_wait3A_89 = arith.constant 9984 : i32
        %dma_wait3A_90 = arith.constant 0 : i32
        %dma_wait3A_91 = tpu.memref_slice %arg9[%dma_wait3A_89, %dma_wait3A_90] : memref<10000x128xf32, #tpu.memory_space<vmem_shared>> -> memref<16x128xf32, #tpu.memory_space<vmem_shared>>
        %dma_wait3A_92 = arith.constant 0 : i32
        %dma_wait3A_93 = arith.constant 0 : i32
        %dma_wait3A_94 = tpu.memref_slice %arg8[%cond3A, %dma_wait3A_92, %dma_wait3A_93] : memref<2x80x128xf32, #tpu.memory_space<vmem>> -> memref<1x80x128xf32, #tpu.memory_space<vmem>>
        %dma_wait3A_95 = tpu.memref_squeeze %dma_wait3A_94 : memref<1x80x128xf32, #tpu.memory_space<vmem>> -> memref<80x128xf32, #tpu.memory_space<vmem>>
        %dma_wait3A_96 = arith.constant 0 : i32
        %dma_wait3A_97 = arith.constant 0 : i32
        %dma_wait3A_98 = tpu.memref_slice %dma_wait3A_95[%dma_wait3A_96, %dma_wait3A_97] : memref<80x128xf32, #tpu.memory_space<vmem>> -> memref<16x128xf32, #tpu.memory_space<vmem>>
        tpu.wait_dma2 semaphore(%run_scoped3A_58 : memref<!tpu.dma_semaphore, #tpu.memory_space<semaphore_mem>>) src(%dma_wait3A_98 : memref<16x128xf32, #tpu.memory_space<vmem>>) dst(%dma_wait3A_91 : memref<16x128xf32, #tpu.memory_space<vmem_shared>>)
        tpu.yield
      }) : () -> ()
    } else {
    }
    %barrier3A = arith.constant 0 : index
    tpu.barrier barrier_id(%barrier3A)
    %scan3A_25 = arith.constant 0 : i32
    %scan3A_26 = arith.constant 0 : i32
    %scan3A_27 = arith.constant 62 : i32
    %scan3A_28 = arith.addi %scan3A_26, %scan3A_27 : i32
    %scan3A_29 = arith.constant 1 : i32
    %scan3A_30 = scf.for %scan3A_58 = %scan3A_26 to %scan3A_28 step %scan3A_29 iter_args(%scan3A_59 = %scan3A_25) -> (i32)  : i32 {
      %mul3A_60 = arith.constant 2 : i32
      %mul3A_61 = arith.muli %scan3A_58, %mul3A_60 : i32
      %add3A_62 = arith.constant 0 : i32
      %add3A_63 = arith.addi %mul3A_61, %add3A_62 : i32
      %mul3A_64 = arith.constant 80 : i32
      %mul3A_65 = arith.muli %add3A_63, %mul3A_64 : i32
      %dma_start3A_66 = arith.constant 0 : i32
      %dma_start3A_67 = arith.constant 0 : i32
      %dma_start3A_68 = arith.constant 0 : i32
      %dma_start3A_69 = tpu.memref_slice %arg8[%dma_start3A_66, %dma_start3A_67, %dma_start3A_68] : memref<2x80x128xf32, #tpu.memory_space<vmem>> -> memref<1x80x128xf32, #tpu.memory_space<vmem>>
      %dma_start3A_70 = tpu.memref_squeeze %dma_start3A_69 : memref<1x80x128xf32, #tpu.memory_space<vmem>> -> memref<80x128xf32, #tpu.memory_space<vmem>>
      %dma_start3A_71 = tpu.memref_slice %arg6[%mul3A_65] : memref<10000xi32, #tpu.memory_space<vmem>> -> memref<80xi32, #tpu.memory_space<vmem>>
      %dma_start3A_72 = arith.constant 0 : i32
      %dma_start3A_73 = arith.constant 0 : i32
      %dma_start3A_74 = tpu.memref_slice %arg2[%dma_start3A_72, %dma_start3A_73] : memref<10000x128xf32, #tpu.memory_space<hbm>> -> memref<10000x128xf32, #tpu.memory_space<hbm>>
      tpu.enqueue_indirect_dma source(%dma_start3A_74 : memref<10000x128xf32, #tpu.memory_space<hbm>>) target(%dma_start3A_70 : memref<80x128xf32, #tpu.memory_space<vmem>>) offsets(%dma_start3A_71 : memref<80xi32, #tpu.memory_space<vmem>>) semaphore(%arg10 : memref<!tpu.dma_semaphore, #tpu.memory_space<semaphore_mem>>)
      %mul3A_75 = arith.constant 2 : i32
      %mul3A_76 = arith.muli %scan3A_58, %mul3A_75 : i32
      %add3A_77 = arith.constant 1 : i32
      %add3A_78 = arith.addi %mul3A_76, %add3A_77 : i32
      %mul3A_79 = arith.constant 80 : i32
      %mul3A_80 = arith.muli %add3A_78, %mul3A_79 : i32
      %dma_start3A_81 = arith.constant 1 : i32
      %dma_start3A_82 = arith.constant 0 : i32
      %dma_start3A_83 = arith.constant 0 : i32
      %dma_start3A_84 = tpu.memref_slice %arg8[%dma_start3A_81, %dma_start3A_82, %dma_start3A_83] : memref<2x80x128xf32, #tpu.memory_space<vmem>> -> memref<1x80x128xf32, #tpu.memory_space<vmem>>
      %dma_start3A_85 = tpu.memref_squeeze %dma_start3A_84 : memref<1x80x128xf32, #tpu.memory_space<vmem>> -> memref<80x128xf32, #tpu.memory_space<vmem>>
      %dma_start3A_86 = tpu.memref_slice %arg6[%mul3A_80] : memref<10000xi32, #tpu.memory_space<vmem>> -> memref<80xi32, #tpu.memory_space<vmem>>
      %dma_start3A_87 = arith.constant 0 : i32
      %dma_start3A_88 = arith.constant 0 : i32
      %dma_start3A_89 = tpu.memref_slice %arg2[%dma_start3A_87, %dma_start3A_88] : memref<10000x128xf32, #tpu.memory_space<hbm>> -> memref<10000x128xf32, #tpu.memory_space<hbm>>
      tpu.enqueue_indirect_dma source(%dma_start3A_89 : memref<10000x128xf32, #tpu.memory_space<hbm>>) target(%dma_start3A_85 : memref<80x128xf32, #tpu.memory_space<vmem>>) offsets(%dma_start3A_86 : memref<80xi32, #tpu.memory_space<vmem>>) semaphore(%arg11 : memref<!tpu.dma_semaphore, #tpu.memory_space<semaphore_mem>>)
      %mul3A_90 = arith.constant 2 : i32
      %mul3A_91 = arith.muli %scan3A_58, %mul3A_90 : i32
      %add3A_92 = arith.constant 0 : i32
      %add3A_93 = arith.addi %mul3A_91, %add3A_92 : i32
      %dma_wait3A_94 = arith.constant 0 : i32
      %dma_wait3A_95 = arith.constant 0 : i32
      %dma_wait3A_96 = arith.constant 0 : i32
      %dma_wait3A_97 = tpu.memref_slice %arg8[%dma_wait3A_94, %dma_wait3A_95, %dma_wait3A_96] : memref<2x80x128xf32, #tpu.memory_space<vmem>> -> memref<1x80x128xf32, #tpu.memory_space<vmem>>
      %dma_wait3A_98 = tpu.memref_squeeze %dma_wait3A_97 : memref<1x80x128xf32, #tpu.memory_space<vmem>> -> memref<80x128xf32, #tpu.memory_space<vmem>>
      %dma_wait3A_99 = tpu.memref_slice %arg6[%mul3A_65] : memref<10000xi32, #tpu.memory_space<vmem>> -> memref<80xi32, #tpu.memory_space<vmem>>
      %dma_wait3A_100 = arith.constant 0 : i32
      %dma_wait3A_101 = arith.constant 0 : i32
      %dma_wait3A_102 = tpu.memref_slice %arg2[%dma_wait3A_100, %dma_wait3A_101] : memref<10000x128xf32, #tpu.memory_space<hbm>> -> memref<10000x128xf32, #tpu.memory_space<hbm>>
      tpu.wait_indirect_dma semaphore(%arg10 : memref<!tpu.dma_semaphore, #tpu.memory_space<semaphore_mem>>) src(%dma_wait3A_102 : memref<10000x128xf32, #tpu.memory_space<hbm>>) dst(%dma_wait3A_98 : memref<80x128xf32, #tpu.memory_space<vmem>>)
      %run_scoped3A_103 = arith.constant 0 : i32
      "tpu.region"() ({
        %run_scoped3A_119 = tpu.sem_alloc : memref<!tpu.dma_semaphore, #tpu.memory_space<semaphore_mem>>
        %dma_start3A_120 = arith.constant 0 : i32
        %dma_start3A_121 = arith.constant 0 : i32
        %dma_start3A_122 = tpu.memref_slice %arg8[%run_scoped3A_103, %dma_start3A_120, %dma_start3A_121] : memref<2x80x128xf32, #tpu.memory_space<vmem>> -> memref<1x80x128xf32, #tpu.memory_space<vmem>>
        %dma_start3A_123 = tpu.memref_squeeze %dma_start3A_122 : memref<1x80x128xf32, #tpu.memory_space<vmem>> -> memref<80x128xf32, #tpu.memory_space<vmem>>
        %dma_start3A_124 = arith.constant 0 : i32
        %dma_start3A_125 = tpu.memref_slice %arg7[%add3A_93, %dma_start3A_124] : memref<125x80xi32, #tpu.memory_space<vmem>> -> memref<1x80xi32, #tpu.memory_space<vmem>>
        %dma_start3A_126 = tpu.memref_squeeze %dma_start3A_125 : memref<1x80xi32, #tpu.memory_space<vmem>> -> memref<80xi32, #tpu.memory_space<vmem>>
        %dma_start3A_127 = arith.constant 0 : i32
        %dma_start3A_128 = arith.constant 0 : i32
        %dma_start3A_129 = tpu.memref_slice %arg9[%dma_start3A_127, %dma_start3A_128] : memref<10000x128xf32, #tpu.memory_space<vmem_shared>> -> memref<10000x128xf32, #tpu.memory_space<vmem_shared>>
        tpu.enqueue_indirect_dma source(%dma_start3A_123 : memref<80x128xf32, #tpu.memory_space<vmem>>) target(%dma_start3A_129 : memref<10000x128xf32, #tpu.memory_space<vmem_shared>>) offsets(%dma_start3A_126 : memref<80xi32, #tpu.memory_space<vmem>>) semaphore(%run_scoped3A_119 : memref<!tpu.dma_semaphore, #tpu.memory_space<semaphore_mem>>) {add = true}
        %dma_wait3A_130 = arith.constant 0 : i32
        %dma_wait3A_131 = arith.constant 0 : i32
        %dma_wait3A_132 = tpu.memref_slice %arg8[%run_scoped3A_103, %dma_wait3A_130, %dma_wait3A_131] : memref<2x80x128xf32, #tpu.memory_space<vmem>> -> memref<1x80x128xf32, #tpu.memory_space<vmem>>
        %dma_wait3A_133 = tpu.memref_squeeze %dma_wait3A_132 : memref<1x80x128xf32, #tpu.memory_space<vmem>> -> memref<80x128xf32, #tpu.memory_space<vmem>>
        %dma_wait3A_134 = arith.constant 0 : i32
        %dma_wait3A_135 = tpu.memref_slice %arg7[%add3A_93, %dma_wait3A_134] : memref<125x80xi32, #tpu.memory_space<vmem>> -> memref<1x80xi32, #tpu.memory_space<vmem>>
        %dma_wait3A_136 = tpu.memref_squeeze %dma_wait3A_135 : memref<1x80xi32, #tpu.memory_space<vmem>> -> memref<80xi32, #tpu.memory_space<vmem>>
        %dma_wait3A_137 = arith.constant 0 : i32
        %dma_wait3A_138 = arith.constant 0 : i32
        %dma_wait3A_139 = tpu.memref_slice %arg9[%dma_wait3A_137, %dma_wait3A_138] : memref<10000x128xf32, #tpu.memory_space<vmem_shared>> -> memref<10000x128xf32, #tpu.memory_space<vmem_shared>>
        tpu.wait_indirect_dma semaphore(%run_scoped3A_119 : memref<!tpu.dma_semaphore, #tpu.memory_space<semaphore_mem>>) src(%dma_wait3A_133 : memref<80x128xf32, #tpu.memory_space<vmem>>) dst(%dma_wait3A_139 : memref<10000x128xf32, #tpu.memory_space<vmem_shared>>)
        tpu.yield
      }) : () -> ()
      %mul3A_104 = arith.constant 2 : i32
      %mul3A_105 = arith.muli %scan3A_58, %mul3A_104 : i32
      %add3A_106 = arith.constant 1 : i32
      %add3A_107 = arith.addi %mul3A_105, %add3A_106 : i32
      %dma_wait3A_108 = arith.constant 1 : i32
      %dma_wait3A_109 = arith.constant 0 : i32
      %dma_wait3A_110 = arith.constant 0 : i32
      %dma_wait3A_111 = tpu.memref_slice %arg8[%dma_wait3A_108, %dma_wait3A_109, %dma_wait3A_110] : memref<2x80x128xf32, #tpu.memory_space<vmem>> -> memref<1x80x128xf32, #tpu.memory_space<vmem>>
      %dma_wait3A_112 = tpu.memref_squeeze %dma_wait3A_111 : memref<1x80x128xf32, #tpu.memory_space<vmem>> -> memref<80x128xf32, #tpu.memory_space<vmem>>
      %dma_wait3A_113 = tpu.memref_slice %arg6[%mul3A_80] : memref<10000xi32, #tpu.memory_space<vmem>> -> memref<80xi32, #tpu.memory_space<vmem>>
      %dma_wait3A_114 = arith.constant 0 : i32
      %dma_wait3A_115 = arith.constant 0 : i32
      %dma_wait3A_116 = tpu.memref_slice %arg2[%dma_wait3A_114, %dma_wait3A_115] : memref<10000x128xf32, #tpu.memory_space<hbm>> -> memref<10000x128xf32, #tpu.memory_space<hbm>>
      tpu.wait_indirect_dma semaphore(%arg11 : memref<!tpu.dma_semaphore, #tpu.memory_space<semaphore_mem>>) src(%dma_wait3A_116 : memref<10000x128xf32, #tpu.memory_space<hbm>>) dst(%dma_wait3A_112 : memref<80x128xf32, #tpu.memory_space<vmem>>)
      %run_scoped3A_117 = arith.constant 1 : i32
      "tpu.region"() ({
        %run_scoped3A_119 = tpu.sem_alloc : memref<!tpu.dma_semaphore, #tpu.memory_space<semaphore_mem>>
        %dma_start3A_120 = arith.constant 0 : i32
        %dma_start3A_121 = arith.constant 0 : i32
        %dma_start3A_122 = tpu.memref_slice %arg8[%run_scoped3A_117, %dma_start3A_120, %dma_start3A_121] : memref<2x80x128xf32, #tpu.memory_space<vmem>> -> memref<1x80x128xf32, #tpu.memory_space<vmem>>
        %dma_start3A_123 = tpu.memref_squeeze %dma_start3A_122 : memref<1x80x128xf32, #tpu.memory_space<vmem>> -> memref<80x128xf32, #tpu.memory_space<vmem>>
        %dma_start3A_124 = arith.constant 0 : i32
        %dma_start3A_125 = tpu.memref_slice %arg7[%add3A_107, %dma_start3A_124] : memref<125x80xi32, #tpu.memory_space<vmem>> -> memref<1x80xi32, #tpu.memory_space<vmem>>
        %dma_start3A_126 = tpu.memref_squeeze %dma_start3A_125 : memref<1x80xi32, #tpu.memory_space<vmem>> -> memref<80xi32, #tpu.memory_space<vmem>>
        %dma_start3A_127 = arith.constant 0 : i32
        %dma_start3A_128 = arith.constant 0 : i32
        %dma_start3A_129 = tpu.memref_slice %arg9[%dma_start3A_127, %dma_start3A_128] : memref<10000x128xf32, #tpu.memory_space<vmem_shared>> -> memref<10000x128xf32, #tpu.memory_space<vmem_shared>>
        tpu.enqueue_indirect_dma source(%dma_start3A_123 : memref<80x128xf32, #tpu.memory_space<vmem>>) target(%dma_start3A_129 : memref<10000x128xf32, #tpu.memory_space<vmem_shared>>) offsets(%dma_start3A_126 : memref<80xi32, #tpu.memory_space<vmem>>) semaphore(%run_scoped3A_119 : memref<!tpu.dma_semaphore, #tpu.memory_space<semaphore_mem>>) {add = true}
        %dma_wait3A_130 = arith.constant 0 : i32
        %dma_wait3A_131 = arith.constant 0 : i32
        %dma_wait3A_132 = tpu.memref_slice %arg8[%run_scoped3A_117, %dma_wait3A_130, %dma_wait3A_131] : memref<2x80x128xf32, #tpu.memory_space<vmem>> -> memref<1x80x128xf32, #tpu.memory_space<vmem>>
        %dma_wait3A_133 = tpu.memref_squeeze %dma_wait3A_132 : memref<1x80x128xf32, #tpu.memory_space<vmem>> -> memref<80x128xf32, #tpu.memory_space<vmem>>
        %dma_wait3A_134 = arith.constant 0 : i32
        %dma_wait3A_135 = tpu.memref_slice %arg7[%add3A_107, %dma_wait3A_134] : memref<125x80xi32, #tpu.memory_space<vmem>> -> memref<1x80xi32, #tpu.memory_space<vmem>>
        %dma_wait3A_136 = tpu.memref_squeeze %dma_wait3A_135 : memref<1x80xi32, #tpu.memory_space<vmem>> -> memref<80xi32, #tpu.memory_space<vmem>>
        %dma_wait3A_137 = arith.constant 0 : i32
        %dma_wait3A_138 = arith.constant 0 : i32
        %dma_wait3A_139 = tpu.memref_slice %arg9[%dma_wait3A_137, %dma_wait3A_138] : memref<10000x128xf32, #tpu.memory_space<vmem_shared>> -> memref<10000x128xf32, #tpu.memory_space<vmem_shared>>
        tpu.wait_indirect_dma semaphore(%run_scoped3A_119 : memref<!tpu.dma_semaphore, #tpu.memory_space<semaphore_mem>>) src(%dma_wait3A_133 : memref<80x128xf32, #tpu.memory_space<vmem>>) dst(%dma_wait3A_139 : memref<10000x128xf32, #tpu.memory_space<vmem_shared>>)
        tpu.yield
      }) : () -> ()
      %scan3A_118 = arith.constant 0 : i32
      scf.yield %scan3A_118 : i32
    }
    %scan3A_31 = arith.constant 62 : i32
    %dma_start3A = arith.constant 0 : i32
    %dma_start3A_32 = arith.constant 0 : i32
    %dma_start3A_33 = arith.constant 0 : i32
    %dma_start3A_34 = tpu.memref_slice %arg8[%dma_start3A, %dma_start3A_32, %dma_start3A_33] : memref<2x80x128xf32, #tpu.memory_space<vmem>> -> memref<1x80x128xf32, #tpu.memory_space<vmem>>
    %dma_start3A_35 = tpu.memref_squeeze %dma_start3A_34 : memref<1x80x128xf32, #tpu.memory_space<vmem>> -> memref<80x128xf32, #tpu.memory_space<vmem>>
    %dma_start3A_36 = arith.constant 9920 : i32
    %dma_start3A_37 = tpu.memref_slice %arg6[%dma_start3A_36] : memref<10000xi32, #tpu.memory_space<vmem>> -> memref<80xi32, #tpu.memory_space<vmem>>
    %dma_start3A_38 = arith.constant 0 : i32
    %dma_start3A_39 = arith.constant 0 : i32
    %dma_start3A_40 = tpu.memref_slice %arg2[%dma_start3A_38, %dma_start3A_39] : memref<10000x128xf32, #tpu.memory_space<hbm>> -> memref<10000x128xf32, #tpu.memory_space<hbm>>
    tpu.enqueue_indirect_dma source(%dma_start3A_40 : memref<10000x128xf32, #tpu.memory_space<hbm>>) target(%dma_start3A_35 : memref<80x128xf32, #tpu.memory_space<vmem>>) offsets(%dma_start3A_37 : memref<80xi32, #tpu.memory_space<vmem>>) semaphore(%arg10 : memref<!tpu.dma_semaphore, #tpu.memory_space<semaphore_mem>>)
    %dma_wait3A = arith.constant 0 : i32
    %dma_wait3A_41 = arith.constant 0 : i32
    %dma_wait3A_42 = arith.constant 0 : i32
    %dma_wait3A_43 = tpu.memref_slice %arg8[%dma_wait3A, %dma_wait3A_41, %dma_wait3A_42] : memref<2x80x128xf32, #tpu.memory_space<vmem>> -> memref<1x80x128xf32, #tpu.memory_space<vmem>>
    %dma_wait3A_44 = tpu.memref_squeeze %dma_wait3A_43 : memref<1x80x128xf32, #tpu.memory_space<vmem>> -> memref<80x128xf32, #tpu.memory_space<vmem>>
    %dma_wait3A_45 = arith.constant 9920 : i32
    %dma_wait3A_46 = tpu.memref_slice %arg6[%dma_wait3A_45] : memref<10000xi32, #tpu.memory_space<vmem>> -> memref<80xi32, #tpu.memory_space<vmem>>
    %dma_wait3A_47 = arith.constant 0 : i32
    %dma_wait3A_48 = arith.constant 0 : i32
    %dma_wait3A_49 = tpu.memref_slice %arg2[%dma_wait3A_47, %dma_wait3A_48] : memref<10000x128xf32, #tpu.memory_space<hbm>> -> memref<10000x128xf32, #tpu.memory_space<hbm>>
    tpu.wait_indirect_dma semaphore(%arg10 : memref<!tpu.dma_semaphore, #tpu.memory_space<semaphore_mem>>) src(%dma_wait3A_49 : memref<10000x128xf32, #tpu.memory_space<hbm>>) dst(%dma_wait3A_44 : memref<80x128xf32, #tpu.memory_space<vmem>>)
    %run_scoped3A_50 = arith.constant 0 : i32
    %run_scoped3A_51 = arith.constant 124 : i32
    "tpu.region"() ({
      %run_scoped3A_58 = tpu.sem_alloc : memref<!tpu.dma_semaphore, #tpu.memory_space<semaphore_mem>>
      %dma_start3A_59 = arith.constant 0 : i32
      %dma_start3A_60 = arith.constant 0 : i32
      %dma_start3A_61 = tpu.memref_slice %arg8[%run_scoped3A_50, %dma_start3A_59, %dma_start3A_60] : memref<2x80x128xf32, #tpu.memory_space<vmem>> -> memref<1x80x128xf32, #tpu.memory_space<vmem>>
      %dma_start3A_62 = tpu.memref_squeeze %dma_start3A_61 : memref<1x80x128xf32, #tpu.memory_space<vmem>> -> memref<80x128xf32, #tpu.memory_space<vmem>>
      %dma_start3A_63 = arith.constant 0 : i32
      %dma_start3A_64 = tpu.memref_slice %arg7[%run_scoped3A_51, %dma_start3A_63] : memref<125x80xi32, #tpu.memory_space<vmem>> -> memref<1x80xi32, #tpu.memory_space<vmem>>
      %dma_start3A_65 = tpu.memref_squeeze %dma_start3A_64 : memref<1x80xi32, #tpu.memory_space<vmem>> -> memref<80xi32, #tpu.memory_space<vmem>>
      %dma_start3A_66 = arith.constant 0 : i32
      %dma_start3A_67 = arith.constant 0 : i32
      %dma_start3A_68 = tpu.memref_slice %arg9[%dma_start3A_66, %dma_start3A_67] : memref<10000x128xf32, #tpu.memory_space<vmem_shared>> -> memref<10000x128xf32, #tpu.memory_space<vmem_shared>>
      tpu.enqueue_indirect_dma source(%dma_start3A_62 : memref<80x128xf32, #tpu.memory_space<vmem>>) target(%dma_start3A_68 : memref<10000x128xf32, #tpu.memory_space<vmem_shared>>) offsets(%dma_start3A_65 : memref<80xi32, #tpu.memory_space<vmem>>) semaphore(%run_scoped3A_58 : memref<!tpu.dma_semaphore, #tpu.memory_space<semaphore_mem>>) {add = true}
      %dma_wait3A_69 = arith.constant 0 : i32
      %dma_wait3A_70 = arith.constant 0 : i32
      %dma_wait3A_71 = tpu.memref_slice %arg8[%run_scoped3A_50, %dma_wait3A_69, %dma_wait3A_70] : memref<2x80x128xf32, #tpu.memory_space<vmem>> -> memref<1x80x128xf32, #tpu.memory_space<vmem>>
      %dma_wait3A_72 = tpu.memref_squeeze %dma_wait3A_71 : memref<1x80x128xf32, #tpu.memory_space<vmem>> -> memref<80x128xf32, #tpu.memory_space<vmem>>
      %dma_wait3A_73 = arith.constant 0 : i32
      %dma_wait3A_74 = tpu.memref_slice %arg7[%run_scoped3A_51, %dma_wait3A_73] : memref<125x80xi32, #tpu.memory_space<vmem>> -> memref<1x80xi32, #tpu.memory_space<vmem>>
      %dma_wait3A_75 = tpu.memref_squeeze %dma_wait3A_74 : memref<1x80xi32, #tpu.memory_space<vmem>> -> memref<80xi32, #tpu.memory_space<vmem>>
      %dma_wait3A_76 = arith.constant 0 : i32
      %dma_wait3A_77 = arith.constant 0 : i32
      %dma_wait3A_78 = tpu.memref_slice %arg9[%dma_wait3A_76, %dma_wait3A_77] : memref<10000x128xf32, #tpu.memory_space<vmem_shared>> -> memref<10000x128xf32, #tpu.memory_space<vmem_shared>>
      tpu.wait_indirect_dma semaphore(%run_scoped3A_58 : memref<!tpu.dma_semaphore, #tpu.memory_space<semaphore_mem>>) src(%dma_wait3A_72 : memref<80x128xf32, #tpu.memory_space<vmem>>) dst(%dma_wait3A_78 : memref<10000x128xf32, #tpu.memory_space<vmem_shared>>)
      tpu.yield
    }) : () -> ()
    %barrier3A_52 = arith.constant 0 : index
    tpu.barrier barrier_id(%barrier3A_52)
    "tpu.region"() ({
      %run_scoped3A_58 = tpu.sem_alloc : memref<!tpu.dma_semaphore, #tpu.memory_space<semaphore_mem>>
      %dma_start3A_59 = arith.constant 0 : i32
      %dma_start3A_60 = tpu.memref_slice %arg5[%arg0, %mul3A_10, %dma_start3A_59] : memref<2x10000x128xf32, #tpu.memory_space<hbm>> -> memref<1x624x128xf32, #tpu.memory_space<hbm>>
      %dma_start3A_61 = tpu.memref_squeeze %dma_start3A_60 : memref<1x624x128xf32, #tpu.memory_space<hbm>> -> memref<624x128xf32, #tpu.memory_space<hbm>>
      %dma_start3A_62 = arith.constant 0 : i32
      %dma_start3A_63 = tpu.memref_slice %arg9[%mul3A_10, %dma_start3A_62] : memref<10000x128xf32, #tpu.memory_space<vmem_shared>> -> memref<624x128xf32, #tpu.memory_space<vmem_shared>>
      tpu.enqueue_dma source(%dma_start3A_63 : memref<624x128xf32, #tpu.memory_space<vmem_shared>>) target(%dma_start3A_61 : memref<624x128xf32, #tpu.memory_space<hbm>>) target_semaphore(%run_scoped3A_58 : memref<!tpu.dma_semaphore, #tpu.memory_space<semaphore_mem>>)
      %dma_wait3A_64 = arith.constant 0 : i32
      %dma_wait3A_65 = tpu.memref_slice %arg5[%arg0, %mul3A_10, %dma_wait3A_64] : memref<2x10000x128xf32, #tpu.memory_space<hbm>> -> memref<1x624x128xf32, #tpu.memory_space<hbm>>
      %dma_wait3A_66 = tpu.memref_squeeze %dma_wait3A_65 : memref<1x624x128xf32, #tpu.memory_space<hbm>> -> memref<624x128xf32, #tpu.memory_space<hbm>>
      %dma_wait3A_67 = arith.constant 0 : i32
      %dma_wait3A_68 = tpu.memref_slice %arg9[%mul3A_10, %dma_wait3A_67] : memref<10000x128xf32, #tpu.memory_space<vmem_shared>> -> memref<624x128xf32, #tpu.memory_space<vmem_shared>>
      tpu.wait_dma2 semaphore(%run_scoped3A_58 : memref<!tpu.dma_semaphore, #tpu.memory_space<semaphore_mem>>) src(%dma_wait3A_68 : memref<624x128xf32, #tpu.memory_space<vmem_shared>>) dst(%dma_wait3A_66 : memref<624x128xf32, #tpu.memory_space<hbm>>)
      tpu.yield
    }) : () -> ()
    %eq3A_53 = arith.constant 0 : i32
    %eq3A_54 = arith.cmpi eq, %arg1, %eq3A_53 : i32
    %convert_element_type3A_55 = arith.extui %eq3A_54 : i1 to i32
    %cond3A_56 = arith.constant 0 : i32
    %cond3A_57 = arith.cmpi ne, %convert_element_type3A_55, %cond3A_56 : i32
    scf.if %cond3A_57 {
      "tpu.region"() ({
        %run_scoped3A_58 = tpu.sem_alloc : memref<!tpu.dma_semaphore, #tpu.memory_space<semaphore_mem>>
        %dma_start3A_59 = arith.constant 9984 : i32
        %dma_start3A_60 = arith.constant 0 : i32
        %dma_start3A_61 = tpu.memref_slice %arg5[%arg0, %dma_start3A_59, %dma_start3A_60] : memref<2x10000x128xf32, #tpu.memory_space<hbm>> -> memref<1x16x128xf32, #tpu.memory_space<hbm>>
        %dma_start3A_62 = tpu.memref_squeeze %dma_start3A_61 : memref<1x16x128xf32, #tpu.memory_space<hbm>> -> memref<16x128xf32, #tpu.memory_space<hbm>>
        %dma_start3A_63 = arith.constant 9984 : i32
        %dma_start3A_64 = arith.constant 0 : i32
        %dma_start3A_65 = tpu.memref_slice %arg9[%dma_start3A_63, %dma_start3A_64] : memref<10000x128xf32, #tpu.memory_space<vmem_shared>> -> memref<16x128xf32, #tpu.memory_space<vmem_shared>>
        tpu.enqueue_dma source(%dma_start3A_65 : memref<16x128xf32, #tpu.memory_space<vmem_shared>>) target(%dma_start3A_62 : memref<16x128xf32, #tpu.memory_space<hbm>>) target_semaphore(%run_scoped3A_58 : memref<!tpu.dma_semaphore, #tpu.memory_space<semaphore_mem>>)
        %dma_wait3A_66 = arith.constant 9984 : i32
        %dma_wait3A_67 = arith.constant 0 : i32
        %dma_wait3A_68 = tpu.memref_slice %arg5[%arg0, %dma_wait3A_66, %dma_wait3A_67] : memref<2x10000x128xf32, #tpu.memory_space<hbm>> -> memref<1x16x128xf32, #tpu.memory_space<hbm>>
        %dma_wait3A_69 = tpu.memref_squeeze %dma_wait3A_68 : memref<1x16x128xf32, #tpu.memory_space<hbm>> -> memref<16x128xf32, #tpu.memory_space<hbm>>
        %dma_wait3A_70 = arith.constant 9984 : i32
        %dma_wait3A_71 = arith.constant 0 : i32
        %dma_wait3A_72 = tpu.memref_slice %arg9[%dma_wait3A_70, %dma_wait3A_71] : memref<10000x128xf32, #tpu.memory_space<vmem_shared>> -> memref<16x128xf32, #tpu.memory_space<vmem_shared>>
        tpu.wait_dma2 semaphore(%run_scoped3A_58 : memref<!tpu.dma_semaphore, #tpu.memory_space<semaphore_mem>>) src(%dma_wait3A_72 : memref<16x128xf32, #tpu.memory_space<vmem_shared>>) dst(%dma_wait3A_69 : memref<16x128xf32, #tpu.memory_space<hbm>>)
        tpu.yield
      }) : () -> ()
    } else {
    }
    return
  }
}

#map = affine_map<(d0, d1) -> (0, 0)>
#map1 = affine_map<(d0, d1) -> (0, 0, 0)>
module attributes {stable_mosaic.version = 14 : i64} {
  func.func @_seg_sum_body(%arg0: i32, %arg1: i32, %arg2: memref<10000x128xf32, #tpu.memory_space<hbm>>, %arg3: memref<32x1x10000xi32, #tpu.memory_space<hbm>>, %arg4: memref<32x125x80xi32, #tpu.memory_space<hbm>>, %arg5: memref<2x10000x128xf32, #tpu.memory_space<hbm>>, %arg6: memref<10000xi32, #tpu.memory_space<vmem>>, %arg7: memref<125x80xi32, #tpu.memory_space<vmem>>, %arg8: memref<2x80x128xf32, #tpu.memory_space<vmem>>, %arg9: memref<10000x128xf32, #tpu.memory_space<vmem_shared>>, %arg10: memref<!tpu.dma_semaphore, #tpu.memory_space<semaphore_mem>>, %arg11: memref<!tpu.dma_semaphore, #tpu.memory_space<semaphore_mem>>) attributes {dimension_semantics = [#tpu.dimension_semantics<core_parallel>, #tpu.dimension_semantics<subcore_parallel>], iteration_bounds = array<i64: 2, 16>, scalar_prefetch = 0 : i64, scratch_operands = 6 : i64, tpu.core_type = #tpu.core_type<sc_vector_subcore>, window_params = [{transform_indices = #map}, {transform_indices = #map1}, {transform_indices = #map1}, {transform_indices = #map1}]} {
    %mul3A = arith.constant 2 : i32
    %mul3A_0 = arith.muli %arg1, %mul3A : i32
    %add3A = arith.addi %mul3A_0, %arg0 : i32
    %run_scoped3A = arith.constant 0 : i32
    "tpu.region"() ({
      %run_scoped3A_58 = tpu.sem_alloc : memref<!tpu.dma_semaphore, #tpu.memory_space<semaphore_mem>>
      %dma_start3A_59 = arith.constant 0 : i32
      %dma_start3A_60 = tpu.memref_slice %arg3[%add3A, %run_scoped3A, %dma_start3A_59] : memref<32x1x10000xi32, #tpu.memory_space<hbm>> -> memref<1x1x10000xi32, #tpu.memory_space<hbm>>
      %dma_start3A_61 = tpu.memref_squeeze %dma_start3A_60 : memref<1x1x10000xi32, #tpu.memory_space<hbm>> -> memref<10000xi32, #tpu.memory_space<hbm>>
      %dma_start3A_62 = arith.constant 0 : i32
      %dma_start3A_63 = tpu.memref_slice %arg3[%add3A, %run_scoped3A, %dma_start3A_62] : memref<32x1x10000xi32, #tpu.memory_space<hbm>> -> memref<1x1x10000xi32, #tpu.memory_space<hbm>>
      %dma_start3A_64 = tpu.memref_squeeze %dma_start3A_63 : memref<1x1x10000xi32, #tpu.memory_space<hbm>> -> memref<10000xi32, #tpu.memory_space<hbm>>
      tpu.enqueue_dma source(%dma_start3A_64 : memref<10000xi32, #tpu.memory_space<hbm>>) target(%arg6 : memref<10000xi32, #tpu.memory_space<vmem>>) target_semaphore(%run_scoped3A_58 : memref<!tpu.dma_semaphore, #tpu.memory_space<semaphore_mem>>)
      %dma_wait3A_65 = arith.constant 0 : i32
      %dma_wait3A_66 = tpu.memref_slice %arg3[%add3A, %run_scoped3A, %dma_wait3A_65] : memref<32x1x10000xi32, #tpu.memory_space<hbm>> -> memref<1x1x10000xi32, #tpu.memory_space<hbm>>
      %dma_wait3A_67 = tpu.memref_squeeze %dma_wait3A_66 : memref<1x1x10000xi32, #tpu.memory_space<hbm>> -> memref<10000xi32, #tpu.memory_space<hbm>>
      %dma_wait3A_68 = arith.constant 0 : i32
      %dma_wait3A_69 = tpu.memref_slice %arg3[%add3A, %run_scoped3A, %dma_wait3A_68] : memref<32x1x10000xi32, #tpu.memory_space<hbm>> -> memref<1x1x10000xi32, #tpu.memory_space<hbm>>
      %dma_wait3A_70 = tpu.memref_squeeze %dma_wait3A_69 : memref<1x1x10000xi32, #tpu.memory_space<hbm>> -> memref<10000xi32, #tpu.memory_space<hbm>>
      tpu.wait_dma2 semaphore(%run_scoped3A_58 : memref<!tpu.dma_semaphore, #tpu.memory_space<semaphore_mem>>) src(%dma_wait3A_70 : memref<10000xi32, #tpu.memory_space<hbm>>) dst(%arg6 : memref<10000xi32, #tpu.memory_space<vmem>>)
      tpu.yield
    }) : () -> ()
    "tpu.region"() ({
      %run_scoped3A_58 = tpu.sem_alloc : memref<!tpu.dma_semaphore, #tpu.memory_space<semaphore_mem>>
      %dma_start3A_59 = arith.constant 0 : i32
      %dma_start3A_60 = arith.constant 0 : i32
      %dma_start3A_61 = tpu.memref_slice %arg4[%add3A, %dma_start3A_59, %dma_start3A_60] : memref<32x125x80xi32, #tpu.memory_space<hbm>> -> memref<1x125x80xi32, #tpu.memory_space<hbm>>
      %dma_start3A_62 = tpu.memref_squeeze %dma_start3A_61 : memref<1x125x80xi32, #tpu.memory_space<hbm>> -> memref<125x80xi32, #tpu.memory_space<hbm>>
      %dma_start3A_63 = arith.constant 0 : i32
      %dma_start3A_64 = arith.constant 0 : i32
      %dma_start3A_65 = tpu.memref_slice %arg4[%add3A, %dma_start3A_63, %dma_start3A_64] : memref<32x125x80xi32, #tpu.memory_space<hbm>> -> memref<1x125x80xi32, #tpu.memory_space<hbm>>
      %dma_start3A_66 = tpu.memref_squeeze %dma_start3A_65 : memref<1x125x80xi32, #tpu.memory_space<hbm>> -> memref<125x80xi32, #tpu.memory_space<hbm>>
      tpu.enqueue_dma source(%dma_start3A_66 : memref<125x80xi32, #tpu.memory_space<hbm>>) target(%arg7 : memref<125x80xi32, #tpu.memory_space<vmem>>) target_semaphore(%run_scoped3A_58 : memref<!tpu.dma_semaphore, #tpu.memory_space<semaphore_mem>>)
      %dma_wait3A_67 = arith.constant 0 : i32
      %dma_wait3A_68 = arith.constant 0 : i32
      %dma_wait3A_69 = tpu.memref_slice %arg4[%add3A, %dma_wait3A_67, %dma_wait3A_68] : memref<32x125x80xi32, #tpu.memory_space<hbm>> -> memref<1x125x80xi32, #tpu.memory_space<hbm>>
      %dma_wait3A_70 = tpu.memref_squeeze %dma_wait3A_69 : memref<1x125x80xi32, #tpu.memory_space<hbm>> -> memref<125x80xi32, #tpu.memory_space<hbm>>
      %dma_wait3A_71 = arith.constant 0 : i32
      %dma_wait3A_72 = arith.constant 0 : i32
      %dma_wait3A_73 = tpu.memref_slice %arg4[%add3A, %dma_wait3A_71, %dma_wait3A_72] : memref<32x125x80xi32, #tpu.memory_space<hbm>> -> memref<1x125x80xi32, #tpu.memory_space<hbm>>
      %dma_wait3A_74 = tpu.memref_squeeze %dma_wait3A_73 : memref<1x125x80xi32, #tpu.memory_space<hbm>> -> memref<125x80xi32, #tpu.memory_space<hbm>>
      tpu.wait_dma2 semaphore(%run_scoped3A_58 : memref<!tpu.dma_semaphore, #tpu.memory_space<semaphore_mem>>) src(%dma_wait3A_74 : memref<125x80xi32, #tpu.memory_space<hbm>>) dst(%arg7 : memref<125x80xi32, #tpu.memory_space<vmem>>)
      tpu.yield
    }) : () -> ()
    %broadcast_in_dim3A = arith.constant 0.000000e+00 : f32
    %broadcast_in_dim3A_1 = vector.broadcast %broadcast_in_dim3A : f32 to vector<16xf32>
    %scan3A = arith.constant 0 : i32
    %scan3A_2 = arith.constant 0 : i32
    %scan3A_3 = arith.constant 0 : i32
    %scan3A_4 = arith.constant 80 : i32
    %scan3A_5 = arith.addi %scan3A_3, %scan3A_4 : i32
    %scan3A_6 = arith.constant 1 : i32
    %scan3A_7 = scf.for %scan3A_58 = %scan3A_3 to %scan3A_5 step %scan3A_6 iter_args(%scan3A_59 = %scan3A_2) -> (i32)  : i32 {
      %swap3A = arith.constant 0 : i32
      %swap3A_60 = arith.constant 0 : i32
      %swap3A_61 = tpu.memref_slice %arg8[%scan3A, %swap3A, %swap3A_60] : memref<2x80x128xf32, #tpu.memory_space<vmem>> -> memref<1x80x128xf32, #tpu.memory_space<vmem>>
      %swap3A_62 = tpu.memref_squeeze %swap3A_61 : memref<1x80x128xf32, #tpu.memory_space<vmem>> -> memref<80x128xf32, #tpu.memory_space<vmem>>
      %swap3A_63 = arith.index_cast %scan3A_58 : i32 to index
      %swap3A_64 = arith.constant 0 : index
      %swap3A_65 = tpu.vector_load %swap3A_62[%swap3A_63, %swap3A_64] {strides = array<i32>} : memref<80x128xf32, #tpu.memory_space<vmem>>, vector<16xf32>,
      tpu.vector_store %swap3A_62[%swap3A_63, %swap3A_64], %broadcast_in_dim3A_1 {strides = array<i32>} : memref<80x128xf32, #tpu.memory_space<vmem>>, vector<16xf32>,
      %swap3A_66 = arith.constant 0 : i32
      %swap3A_67 = arith.constant 0 : i32
      %swap3A_68 = tpu.memref_slice %arg8[%scan3A, %swap3A_66, %swap3A_67] : memref<2x80x128xf32, #tpu.memory_space<vmem>> -> memref<1x80x128xf32, #tpu.memory_space<vmem>>
      %swap3A_69 = tpu.memref_squeeze %swap3A_68 : memref<1x80x128xf32, #tpu.memory_space<vmem>> -> memref<80x128xf32, #tpu.memory_space<vmem>>
      %swap3A_70 = arith.index_cast %scan3A_58 : i32 to index
      %swap3A_71 = arith.constant 16 : index
      %swap3A_72 = tpu.vector_load %swap3A_69[%swap3A_70, %swap3A_71] {strides = array<i32>} : memref<80x128xf32, #tpu.memory_space<vmem>>, vector<16xf32>,
      tpu.vector_store %swap3A_69[%swap3A_70, %swap3A_71], %broadcast_in_dim3A_1 {strides = array<i32>} : memref<80x128xf32, #tpu.memory_space<vmem>>, vector<16xf32>,
      %swap3A_73 = arith.constant 0 : i32
      %swap3A_74 = arith.constant 0 : i32
      %swap3A_75 = tpu.memref_slice %arg8[%scan3A, %swap3A_73, %swap3A_74] : memref<2x80x128xf32, #tpu.memory_space<vmem>> -> memref<1x80x128xf32, #tpu.memory_space<vmem>>
      %swap3A_76 = tpu.memref_squeeze %swap3A_75 : memref<1x80x128xf32, #tpu.memory_space<vmem>> -> memref<80x128xf32, #tpu.memory_space<vmem>>
      %swap3A_77 = arith.index_cast %scan3A_58 : i32 to index
      %swap3A_78 = arith.constant 32 : index
      %swap3A_79 = tpu.vector_load %swap3A_76[%swap3A_77, %swap3A_78] {strides = array<i32>} : memref<80x128xf32, #tpu.memory_space<vmem>>, vector<16xf32>,
      tpu.vector_store %swap3A_76[%swap3A_77, %swap3A_78], %broadcast_in_dim3A_1 {strides = array<i32>} : memref<80x128xf32, #tpu.memory_space<vmem>>, vector<16xf32>,
      %swap3A_80 = arith.constant 0 : i32
      %swap3A_81 = arith.constant 0 : i32
      %swap3A_82 = tpu.memref_slice %arg8[%scan3A, %swap3A_80, %swap3A_81] : memref<2x80x128xf32, #tpu.memory_space<vmem>> -> memref<1x80x128xf32, #tpu.memory_space<vmem>>
      %swap3A_83 = tpu.memref_squeeze %swap3A_82 : memref<1x80x128xf32, #tpu.memory_space<vmem>> -> memref<80x128xf32, #tpu.memory_space<vmem>>
      %swap3A_84 = arith.index_cast %scan3A_58 : i32 to index
      %swap3A_85 = arith.constant 48 : index
      %swap3A_86 = tpu.vector_load %swap3A_83[%swap3A_84, %swap3A_85] {strides = array<i32>} : memref<80x128xf32, #tpu.memory_space<vmem>>, vector<16xf32>,
      tpu.vector_store %swap3A_83[%swap3A_84, %swap3A_85], %broadcast_in_dim3A_1 {strides = array<i32>} : memref<80x128xf32, #tpu.memory_space<vmem>>, vector<16xf32>,
      %swap3A_87 = arith.constant 0 : i32
      %swap3A_88 = arith.constant 0 : i32
      %swap3A_89 = tpu.memref_slice %arg8[%scan3A, %swap3A_87, %swap3A_88] : memref<2x80x128xf32, #tpu.memory_space<vmem>> -> memref<1x80x128xf32, #tpu.memory_space<vmem>>
      %swap3A_90 = tpu.memref_squeeze %swap3A_89 : memref<1x80x128xf32, #tpu.memory_space<vmem>> -> memref<80x128xf32, #tpu.memory_space<vmem>>
      %swap3A_91 = arith.index_cast %scan3A_58 : i32 to index
      %swap3A_92 = arith.constant 64 : index
      %swap3A_93 = tpu.vector_load %swap3A_90[%swap3A_91, %swap3A_92] {strides = array<i32>} : memref<80x128xf32, #tpu.memory_space<vmem>>, vector<16xf32>,
      tpu.vector_store %swap3A_90[%swap3A_91, %swap3A_92], %broadcast_in_dim3A_1 {strides = array<i32>} : memref<80x128xf32, #tpu.memory_space<vmem>>, vector<16xf32>,
      %swap3A_94 = arith.constant 0 : i32
      %swap3A_95 = arith.constant 0 : i32
      %swap3A_96 = tpu.memref_slice %arg8[%scan3A, %swap3A_94, %swap3A_95] : memref<2x80x128xf32, #tpu.memory_space<vmem>> -> memref<1x80x128xf32, #tpu.memory_space<vmem>>
      %swap3A_97 = tpu.memref_squeeze %swap3A_96 : memref<1x80x128xf32, #tpu.memory_space<vmem>> -> memref<80x128xf32, #tpu.memory_space<vmem>>
      %swap3A_98 = arith.index_cast %scan3A_58 : i32 to index
      %swap3A_99 = arith.constant 80 : index
      %swap3A_100 = tpu.vector_load %swap3A_97[%swap3A_98, %swap3A_99] {strides = array<i32>} : memref<80x128xf32, #tpu.memory_space<vmem>>, vector<16xf32>,
      tpu.vector_store %swap3A_97[%swap3A_98, %swap3A_99], %broadcast_in_dim3A_1 {strides = array<i32>} : memref<80x128xf32, #tpu.memory_space<vmem>>, vector<16xf32>,
      %swap3A_101 = arith.constant 0 : i32
      %swap3A_102 = arith.constant 0 : i32
      %swap3A_103 = tpu.memref_slice %arg8[%scan3A, %swap3A_101, %swap3A_102] : memref<2x80x128xf32, #tpu.memory_space<vmem>> -> memref<1x80x128xf32, #tpu.memory_space<vmem>>
      %swap3A_104 = tpu.memref_squeeze %swap3A_103 : memref<1x80x128xf32, #tpu.memory_space<vmem>> -> memref<80x128xf32, #tpu.memory_space<vmem>>
      %swap3A_105 = arith.index_cast %scan3A_58 : i32 to index
      %swap3A_106 = arith.constant 96 : index
      %swap3A_107 = tpu.vector_load %swap3A_104[%swap3A_105, %swap3A_106] {strides = array<i32>} : memref<80x128xf32, #tpu.memory_space<vmem>>, vector<16xf32>,
      tpu.vector_store %swap3A_104[%swap3A_105, %swap3A_106], %broadcast_in_dim3A_1 {strides = array<i32>} : memref<80x128xf32, #tpu.memory_space<vmem>>, vector<16xf32>,
      %swap3A_108 = arith.constant 0 : i32
      %swap3A_109 = arith.constant 0 : i32
      %swap3A_110 = tpu.memref_slice %arg8[%scan3A, %swap3A_108, %swap3A_109] : memref<2x80x128xf32, #tpu.memory_space<vmem>> -> memref<1x80x128xf32, #tpu.memory_space<vmem>>
      %swap3A_111 = tpu.memref_squeeze %swap3A_110 : memref<1x80x128xf32, #tpu.memory_space<vmem>> -> memref<80x128xf32, #tpu.memory_space<vmem>>
      %swap3A_112 = arith.index_cast %scan3A_58 : i32 to index
      %swap3A_113 = arith.constant 112 : index
      %swap3A_114 = tpu.vector_load %swap3A_111[%swap3A_112, %swap3A_113] {strides = array<i32>} : memref<80x128xf32, #tpu.memory_space<vmem>>, vector<16xf32>,
      tpu.vector_store %swap3A_111[%swap3A_112, %swap3A_113], %broadcast_in_dim3A_1 {strides = array<i32>} : memref<80x128xf32, #tpu.memory_space<vmem>>, vector<16xf32>,
      %scan3A_115 = arith.constant 0 : i32
      scf.yield %scan3A_115 : i32
    }
    %scan3A_8 = arith.constant 80 : i32
    %mul3A_9 = arith.constant 624 : i32
    %mul3A_10 = arith.muli %arg1, %mul3A_9 : i32
    %scan3A_11 = arith.constant 0 : i32
    %scan3A_12 = arith.constant 0 : i32
    %scan3A_13 = arith.constant 0 : i32
    %scan3A_14 = arith.constant 7 : i32
    %scan3A_15 = arith.addi %scan3A_13, %scan3A_14 : i32
    %scan3A_16 = arith.constant 1 : i32
    %scan3A_17 = scf.for %scan3A_58 = %scan3A_13 to %scan3A_15 step %scan3A_16 iter_args(%scan3A_59 = %scan3A_12) -> (i32)  : i32 {
      %mul3A_60 = arith.constant 80 : i32
      %mul3A_61 = arith.muli %scan3A_58, %mul3A_60 : i32
      %add3A_62 = arith.addi %mul3A_10, %mul3A_61 : i32
      "tpu.region"() ({
        %run_scoped3A_64 = tpu.sem_alloc : memref<!tpu.dma_semaphore, #tpu.memory_space<semaphore_mem>>
        %dma_start3A_65 = arith.constant 0 : i32
        %dma_start3A_66 = arith.constant 0 : i32
        %dma_start3A_67 = tpu.memref_slice %arg8[%scan3A_11, %dma_start3A_65, %dma_start3A_66] : memref<2x80x128xf32, #tpu.memory_space<vmem>> -> memref<1x80x128xf32, #tpu.memory_space<vmem>>
        %dma_start3A_68 = tpu.memref_squeeze %dma_start3A_67 : memref<1x80x128xf32, #tpu.memory_space<vmem>> -> memref<80x128xf32, #tpu.memory_space<vmem>>
        %dma_start3A_69 = arith.constant 0 : i32
        %dma_start3A_70 = tpu.memref_slice %arg9[%add3A_62, %dma_start3A_69] : memref<10000x128xf32, #tpu.memory_space<vmem_shared>> -> memref<80x128xf32, #tpu.memory_space<vmem_shared>>
        %dma_start3A_71 = arith.constant 0 : i32
        %dma_start3A_72 = tpu.memref_slice %arg9[%add3A_62, %dma_start3A_71] : memref<10000x128xf32, #tpu.memory_space<vmem_shared>> -> memref<80x128xf32, #tpu.memory_space<vmem_shared>>
        %dma_start3A_73 = arith.constant 0 : i32
        %dma_start3A_74 = arith.constant 0 : i32
        %dma_start3A_75 = tpu.memref_slice %arg8[%scan3A_11, %dma_start3A_73, %dma_start3A_74] : memref<2x80x128xf32, #tpu.memory_space<vmem>> -> memref<1x80x128xf32, #tpu.memory_space<vmem>>
        %dma_start3A_76 = tpu.memref_squeeze %dma_start3A_75 : memref<1x80x128xf32, #tpu.memory_space<vmem>> -> memref<80x128xf32, #tpu.memory_space<vmem>>
        tpu.enqueue_dma source(%dma_start3A_76 : memref<80x128xf32, #tpu.memory_space<vmem>>) target(%dma_start3A_72 : memref<80x128xf32, #tpu.memory_space<vmem_shared>>) target_semaphore(%run_scoped3A_64 : memref<!tpu.dma_semaphore, #tpu.memory_space<semaphore_mem>>)
        %dma_wait3A_77 = arith.constant 0 : i32
        %dma_wait3A_78 = arith.constant 0 : i32
        %dma_wait3A_79 = tpu.memref_slice %arg8[%scan3A_11, %dma_wait3A_77, %dma_wait3A_78] : memref<2x80x128xf32, #tpu.memory_space<vmem>> -> memref<1x80x128xf32, #tpu.memory_space<vmem>>
        %dma_wait3A_80 = tpu.memref_squeeze %dma_wait3A_79 : memref<1x80x128xf32, #tpu.memory_space<vmem>> -> memref<80x128xf32, #tpu.memory_space<vmem>>
        %dma_wait3A_81 = arith.constant 0 : i32
        %dma_wait3A_82 = tpu.memref_slice %arg9[%add3A_62, %dma_wait3A_81] : memref<10000x128xf32, #tpu.memory_space<vmem_shared>> -> memref<80x128xf32, #tpu.memory_space<vmem_shared>>
        %dma_wait3A_83 = arith.constant 0 : i32
        %dma_wait3A_84 = tpu.memref_slice %arg9[%add3A_62, %dma_wait3A_83] : memref<10000x128xf32, #tpu.memory_space<vmem_shared>> -> memref<80x128xf32, #tpu.memory_space<vmem_shared>>
        %dma_wait3A_85 = arith.constant 0 : i32
        %dma_wait3A_86 = arith.constant 0 : i32
        %dma_wait3A_87 = tpu.memref_slice %arg8[%scan3A_11, %dma_wait3A_85, %dma_wait3A_86] : memref<2x80x128xf32, #tpu.memory_space<vmem>> -> memref<1x80x128xf32, #tpu.memory_space<vmem>>
        %dma_wait3A_88 = tpu.memref_squeeze %dma_wait3A_87 : memref<1x80x128xf32, #tpu.memory_space<vmem>> -> memref<80x128xf32, #tpu.memory_space<vmem>>
        tpu.wait_dma2 semaphore(%run_scoped3A_64 : memref<!tpu.dma_semaphore, #tpu.memory_space<semaphore_mem>>) src(%dma_wait3A_88 : memref<80x128xf32, #tpu.memory_space<vmem>>) dst(%dma_wait3A_84 : memref<80x128xf32, #tpu.memory_space<vmem_shared>>)
        tpu.yield
      }) : () -> ()
      %scan3A_63 = arith.constant 0 : i32
      scf.yield %scan3A_63 : i32
    }
    %scan3A_18 = arith.constant 7 : i32
    %add3A_19 = arith.constant 560 : i32
    %add3A_20 = arith.addi %mul3A_10, %add3A_19 : i32
    %run_scoped3A_21 = arith.constant 0 : i32
    "tpu.region"() ({
      %run_scoped3A_58 = tpu.sem_alloc : memref<!tpu.dma_semaphore, #tpu.memory_space<semaphore_mem>>
      %dma_start3A_59 = arith.constant 0 : i32
      %dma_start3A_60 = arith.constant 0 : i32
      %dma_start3A_61 = tpu.memref_slice %arg8[%run_scoped3A_21, %dma_start3A_59, %dma_start3A_60] : memref<2x80x128xf32, #tpu.memory_space<vmem>> -> memref<1x80x128xf32, #tpu.memory_space<vmem>>
      %dma_start3A_62 = tpu.memref_squeeze %dma_start3A_61 : memref<1x80x128xf32, #tpu.memory_space<vmem>> -> memref<80x128xf32, #tpu.memory_space<vmem>>
      %dma_start3A_63 = arith.constant 0 : i32
      %dma_start3A_64 = arith.constant 0 : i32
      %dma_start3A_65 = tpu.memref_slice %dma_start3A_62[%dma_start3A_63, %dma_start3A_64] : memref<80x128xf32, #tpu.memory_space<vmem>> -> memref<64x128xf32, #tpu.memory_space<vmem>>
      %dma_start3A_66 = arith.constant 0 : i32
      %dma_start3A_67 = tpu.memref_slice %arg9[%add3A_20, %dma_start3A_66] : memref<10000x128xf32, #tpu.memory_space<vmem_shared>> -> memref<64x128xf32, #tpu.memory_space<vmem_shared>>
      %dma_start3A_68 = arith.constant 0 : i32
      %dma_start3A_69 = tpu.memref_slice %arg9[%add3A_20, %dma_start3A_68] : memref<10000x128xf32, #tpu.memory_space<vmem_shared>> -> memref<64x128xf32, #tpu.memory_space<vmem_shared>>
      %dma_start3A_70 = arith.constant 0 : i32
      %dma_start3A_71 = arith.constant 0 : i32
      %dma_start3A_72 = tpu.memref_slice %arg8[%run_scoped3A_21, %dma_start3A_70, %dma_start3A_71] : memref<2x80x128xf32, #tpu.memory_space<vmem>> -> memref<1x80x128xf32, #tpu.memory_space<vmem>>
      %dma_start3A_73 = tpu.memref_squeeze %dma_start3A_72 : memref<1x80x128xf32, #tpu.memory_space<vmem>> -> memref<80x128xf32, #tpu.memory_space<vmem>>
      %dma_start3A_74 = arith.constant 0 : i32
      %dma_start3A_75 = arith.constant 0 : i32
      %dma_start3A_76 = tpu.memref_slice %dma_start3A_73[%dma_start3A_74, %dma_start3A_75] : memref<80x128xf32, #tpu.memory_space<vmem>> -> memref<64x128xf32, #tpu.memory_space<vmem>>
      tpu.enqueue_dma source(%dma_start3A_76 : memref<64x128xf32, #tpu.memory_space<vmem>>) target(%dma_start3A_69 : memref<64x128xf32, #tpu.memory_space<vmem_shared>>) target_semaphore(%run_scoped3A_58 : memref<!tpu.dma_semaphore, #tpu.memory_space<semaphore_mem>>)
      %dma_wait3A_77 = arith.constant 0 : i32
      %dma_wait3A_78 = arith.constant 0 : i32
      %dma_wait3A_79 = tpu.memref_slice %arg8[%run_scoped3A_21, %dma_wait3A_77, %dma_wait3A_78] : memref<2x80x128xf32, #tpu.memory_space<vmem>> -> memref<1x80x128xf32, #tpu.memory_space<vmem>>
      %dma_wait3A_80 = tpu.memref_squeeze %dma_wait3A_79 : memref<1x80x128xf32, #tpu.memory_space<vmem>> -> memref<80x128xf32, #tpu.memory_space<vmem>>
      %dma_wait3A_81 = arith.constant 0 : i32
      %dma_wait3A_82 = arith.constant 0 : i32
      %dma_wait3A_83 = tpu.memref_slice %dma_wait3A_80[%dma_wait3A_81, %dma_wait3A_82] : memref<80x128xf32, #tpu.memory_space<vmem>> -> memref<64x128xf32, #tpu.memory_space<vmem>>
      %dma_wait3A_84 = arith.constant 0 : i32
      %dma_wait3A_85 = tpu.memref_slice %arg9[%add3A_20, %dma_wait3A_84] : memref<10000x128xf32, #tpu.memory_space<vmem_shared>> -> memref<64x128xf32, #tpu.memory_space<vmem_shared>>
      %dma_wait3A_86 = arith.constant 0 : i32
      %dma_wait3A_87 = tpu.memref_slice %arg9[%add3A_20, %dma_wait3A_86] : memref<10000x128xf32, #tpu.memory_space<vmem_shared>> -> memref<64x128xf32, #tpu.memory_space<vmem_shared>>
      %dma_wait3A_88 = arith.constant 0 : i32
      %dma_wait3A_89 = arith.constant 0 : i32
      %dma_wait3A_90 = tpu.memref_slice %arg8[%run_scoped3A_21, %dma_wait3A_88, %dma_wait3A_89] : memref<2x80x128xf32, #tpu.memory_space<vmem>> -> memref<1x80x128xf32, #tpu.memory_space<vmem>>
      %dma_wait3A_91 = tpu.memref_squeeze %dma_wait3A_90 : memref<1x80x128xf32, #tpu.memory_space<vmem>> -> memref<80x128xf32, #tpu.memory_space<vmem>>
      %dma_wait3A_92 = arith.constant 0 : i32
      %dma_wait3A_93 = arith.constant 0 : i32
      %dma_wait3A_94 = tpu.memref_slice %dma_wait3A_91[%dma_wait3A_92, %dma_wait3A_93] : memref<80x128xf32, #tpu.memory_space<vmem>> -> memref<64x128xf32, #tpu.memory_space<vmem>>
      tpu.wait_dma2 semaphore(%run_scoped3A_58 : memref<!tpu.dma_semaphore, #tpu.memory_space<semaphore_mem>>) src(%dma_wait3A_94 : memref<64x128xf32, #tpu.memory_space<vmem>>) dst(%dma_wait3A_87 : memref<64x128xf32, #tpu.memory_space<vmem_shared>>)
      tpu.yield
    }) : () -> ()
    %eq3A = arith.constant 0 : i32
    %eq3A_22 = arith.cmpi eq, %arg1, %eq3A : i32
    %convert_element_type3A = arith.extui %eq3A_22 : i1 to i32
    %cond3A = arith.constant 0 : i32
    %cond3A_23 = arith.constant 0 : i32
    %cond3A_24 = arith.cmpi ne, %convert_element_type3A, %cond3A_23 : i32
    scf.if %cond3A_24 {
      "tpu.region"() ({
        %run_scoped3A_58 = tpu.sem_alloc : memref<!tpu.dma_semaphore, #tpu.memory_space<semaphore_mem>>
        %dma_start3A_59 = arith.constant 0 : i32
        %dma_start3A_60 = arith.constant 0 : i32
        %dma_start3A_61 = tpu.memref_slice %arg8[%cond3A, %dma_start3A_59, %dma_start3A_60] : memref<2x80x128xf32, #tpu.memory_space<vmem>> -> memref<1x80x128xf32, #tpu.memory_space<vmem>>
        %dma_start3A_62 = tpu.memref_squeeze %dma_start3A_61 : memref<1x80x128xf32, #tpu.memory_space<vmem>> -> memref<80x128xf32, #tpu.memory_space<vmem>>
        %dma_start3A_63 = arith.constant 0 : i32
        %dma_start3A_64 = arith.constant 0 : i32
        %dma_start3A_65 = tpu.memref_slice %dma_start3A_62[%dma_start3A_63, %dma_start3A_64] : memref<80x128xf32, #tpu.memory_space<vmem>> -> memref<16x128xf32, #tpu.memory_space<vmem>>
        %dma_start3A_66 = arith.constant 9984 : i32
        %dma_start3A_67 = arith.constant 0 : i32
        %dma_start3A_68 = tpu.memref_slice %arg9[%dma_start3A_66, %dma_start3A_67] : memref<10000x128xf32, #tpu.memory_space<vmem_shared>> -> memref<16x128xf32, #tpu.memory_space<vmem_shared>>
        %dma_start3A_69 = arith.constant 9984 : i32
        %dma_start3A_70 = arith.constant 0 : i32
        %dma_start3A_71 = tpu.memref_slice %arg9[%dma_start3A_69, %dma_start3A_70] : memref<10000x128xf32, #tpu.memory_space<vmem_shared>> -> memref<16x128xf32, #tpu.memory_space<vmem_shared>>
        %dma_start3A_72 = arith.constant 0 : i32
        %dma_start3A_73 = arith.constant 0 : i32
        %dma_start3A_74 = tpu.memref_slice %arg8[%cond3A, %dma_start3A_72, %dma_start3A_73] : memref<2x80x128xf32, #tpu.memory_space<vmem>> -> memref<1x80x128xf32, #tpu.memory_space<vmem>>
        %dma_start3A_75 = tpu.memref_squeeze %dma_start3A_74 : memref<1x80x128xf32, #tpu.memory_space<vmem>> -> memref<80x128xf32, #tpu.memory_space<vmem>>
        %dma_start3A_76 = arith.constant 0 : i32
        %dma_start3A_77 = arith.constant 0 : i32
        %dma_start3A_78 = tpu.memref_slice %dma_start3A_75[%dma_start3A_76, %dma_start3A_77] : memref<80x128xf32, #tpu.memory_space<vmem>> -> memref<16x128xf32, #tpu.memory_space<vmem>>
        tpu.enqueue_dma source(%dma_start3A_78 : memref<16x128xf32, #tpu.memory_space<vmem>>) target(%dma_start3A_71 : memref<16x128xf32, #tpu.memory_space<vmem_shared>>) target_semaphore(%run_scoped3A_58 : memref<!tpu.dma_semaphore, #tpu.memory_space<semaphore_mem>>)
        %dma_wait3A_79 = arith.constant 0 : i32
        %dma_wait3A_80 = arith.constant 0 : i32
        %dma_wait3A_81 = tpu.memref_slice %arg8[%cond3A, %dma_wait3A_79, %dma_wait3A_80] : memref<2x80x128xf32, #tpu.memory_space<vmem>> -> memref<1x80x128xf32, #tpu.memory_space<vmem>>
        %dma_wait3A_82 = tpu.memref_squeeze %dma_wait3A_81 : memref<1x80x128xf32, #tpu.memory_space<vmem>> -> memref<80x128xf32, #tpu.memory_space<vmem>>
        %dma_wait3A_83 = arith.constant 0 : i32
        %dma_wait3A_84 = arith.constant 0 : i32
        %dma_wait3A_85 = tpu.memref_slice %dma_wait3A_82[%dma_wait3A_83, %dma_wait3A_84] : memref<80x128xf32, #tpu.memory_space<vmem>> -> memref<16x128xf32, #tpu.memory_space<vmem>>
        %dma_wait3A_86 = arith.constant 9984 : i32
        %dma_wait3A_87 = arith.constant 0 : i32
        %dma_wait3A_88 = tpu.memref_slice %arg9[%dma_wait3A_86, %dma_wait3A_87] : memref<10000x128xf32, #tpu.memory_space<vmem_shared>> -> memref<16x128xf32, #tpu.memory_space<vmem_shared>>
        %dma_wait3A_89 = arith.constant 9984 : i32
        %dma_wait3A_90 = arith.constant 0 : i32
        %dma_wait3A_91 = tpu.memref_slice %arg9[%dma_wait3A_89, %dma_wait3A_90] : memref<10000x128xf32, #tpu.memory_space<vmem_shared>> -> memref<16x128xf32, #tpu.memory_space<vmem_shared>>
        %dma_wait3A_92 = arith.constant 0 : i32
        %dma_wait3A_93 = arith.constant 0 : i32
        %dma_wait3A_94 = tpu.memref_slice %arg8[%cond3A, %dma_wait3A_92, %dma_wait3A_93] : memref<2x80x128xf32, #tpu.memory_space<vmem>> -> memref<1x80x128xf32, #tpu.memory_space<vmem>>
        %dma_wait3A_95 = tpu.memref_squeeze %dma_wait3A_94 : memref<1x80x128xf32, #tpu.memory_space<vmem>> -> memref<80x128xf32, #tpu.memory_space<vmem>>
        %dma_wait3A_96 = arith.constant 0 : i32
        %dma_wait3A_97 = arith.constant 0 : i32
        %dma_wait3A_98 = tpu.memref_slice %dma_wait3A_95[%dma_wait3A_96, %dma_wait3A_97] : memref<80x128xf32, #tpu.memory_space<vmem>> -> memref<16x128xf32, #tpu.memory_space<vmem>>
        tpu.wait_dma2 semaphore(%run_scoped3A_58 : memref<!tpu.dma_semaphore, #tpu.memory_space<semaphore_mem>>) src(%dma_wait3A_98 : memref<16x128xf32, #tpu.memory_space<vmem>>) dst(%dma_wait3A_91 : memref<16x128xf32, #tpu.memory_space<vmem_shared>>)
        tpu.yield
      }) : () -> ()
    } else {
    }
    %barrier3A = arith.constant 0 : index
    tpu.barrier barrier_id(%barrier3A)
    %scan3A_25 = arith.constant 0 : i32
    %scan3A_26 = arith.constant 0 : i32
    %scan3A_27 = arith.constant 62 : i32
    %scan3A_28 = arith.addi %scan3A_26, %scan3A_27 : i32
    %scan3A_29 = arith.constant 1 : i32
    %scan3A_30 = scf.for %scan3A_58 = %scan3A_26 to %scan3A_28 step %scan3A_29 iter_args(%scan3A_59 = %scan3A_25) -> (i32)  : i32 {
      %mul3A_60 = arith.constant 2 : i32
      %mul3A_61 = arith.muli %scan3A_58, %mul3A_60 : i32
      %add3A_62 = arith.constant 0 : i32
      %add3A_63 = arith.addi %mul3A_61, %add3A_62 : i32
      %mul3A_64 = arith.constant 80 : i32
      %mul3A_65 = arith.muli %add3A_63, %mul3A_64 : i32
      %dma_start3A_66 = arith.constant 0 : i32
      %dma_start3A_67 = arith.constant 0 : i32
      %dma_start3A_68 = arith.constant 0 : i32
      %dma_start3A_69 = tpu.memref_slice %arg8[%dma_start3A_66, %dma_start3A_67, %dma_start3A_68] : memref<2x80x128xf32, #tpu.memory_space<vmem>> -> memref<1x80x128xf32, #tpu.memory_space<vmem>>
      %dma_start3A_70 = tpu.memref_squeeze %dma_start3A_69 : memref<1x80x128xf32, #tpu.memory_space<vmem>> -> memref<80x128xf32, #tpu.memory_space<vmem>>
      %dma_start3A_71 = tpu.memref_slice %arg6[%mul3A_65] : memref<10000xi32, #tpu.memory_space<vmem>> -> memref<80xi32, #tpu.memory_space<vmem>>
      %dma_start3A_72 = arith.constant 0 : i32
      %dma_start3A_73 = arith.constant 0 : i32
      %dma_start3A_74 = tpu.memref_slice %arg2[%dma_start3A_72, %dma_start3A_73] : memref<10000x128xf32, #tpu.memory_space<hbm>> -> memref<10000x128xf32, #tpu.memory_space<hbm>>
      tpu.enqueue_indirect_dma source(%dma_start3A_74 : memref<10000x128xf32, #tpu.memory_space<hbm>>) target(%dma_start3A_70 : memref<80x128xf32, #tpu.memory_space<vmem>>) offsets(%dma_start3A_71 : memref<80xi32, #tpu.memory_space<vmem>>) semaphore(%arg10 : memref<!tpu.dma_semaphore, #tpu.memory_space<semaphore_mem>>)
      %mul3A_75 = arith.constant 2 : i32
      %mul3A_76 = arith.muli %scan3A_58, %mul3A_75 : i32
      %add3A_77 = arith.constant 1 : i32
      %add3A_78 = arith.addi %mul3A_76, %add3A_77 : i32
      %mul3A_79 = arith.constant 80 : i32
      %mul3A_80 = arith.muli %add3A_78, %mul3A_79 : i32
      %dma_start3A_81 = arith.constant 1 : i32
      %dma_start3A_82 = arith.constant 0 : i32
      %dma_start3A_83 = arith.constant 0 : i32
      %dma_start3A_84 = tpu.memref_slice %arg8[%dma_start3A_81, %dma_start3A_82, %dma_start3A_83] : memref<2x80x128xf32, #tpu.memory_space<vmem>> -> memref<1x80x128xf32, #tpu.memory_space<vmem>>
      %dma_start3A_85 = tpu.memref_squeeze %dma_start3A_84 : memref<1x80x128xf32, #tpu.memory_space<vmem>> -> memref<80x128xf32, #tpu.memory_space<vmem>>
      %dma_start3A_86 = tpu.memref_slice %arg6[%mul3A_80] : memref<10000xi32, #tpu.memory_space<vmem>> -> memref<80xi32, #tpu.memory_space<vmem>>
      %dma_start3A_87 = arith.constant 0 : i32
      %dma_start3A_88 = arith.constant 0 : i32
      %dma_start3A_89 = tpu.memref_slice %arg2[%dma_start3A_87, %dma_start3A_88] : memref<10000x128xf32, #tpu.memory_space<hbm>> -> memref<10000x128xf32, #tpu.memory_space<hbm>>
      tpu.enqueue_indirect_dma source(%dma_start3A_89 : memref<10000x128xf32, #tpu.memory_space<hbm>>) target(%dma_start3A_85 : memref<80x128xf32, #tpu.memory_space<vmem>>) offsets(%dma_start3A_86 : memref<80xi32, #tpu.memory_space<vmem>>) semaphore(%arg11 : memref<!tpu.dma_semaphore, #tpu.memory_space<semaphore_mem>>)
      %mul3A_90 = arith.constant 2 : i32
      %mul3A_91 = arith.muli %scan3A_58, %mul3A_90 : i32
      %add3A_92 = arith.constant 0 : i32
      %add3A_93 = arith.addi %mul3A_91, %add3A_92 : i32
      %dma_wait3A_94 = arith.constant 0 : i32
      %dma_wait3A_95 = arith.constant 0 : i32
      %dma_wait3A_96 = arith.constant 0 : i32
      %dma_wait3A_97 = tpu.memref_slice %arg8[%dma_wait3A_94, %dma_wait3A_95, %dma_wait3A_96] : memref<2x80x128xf32, #tpu.memory_space<vmem>> -> memref<1x80x128xf32, #tpu.memory_space<vmem>>
      %dma_wait3A_98 = tpu.memref_squeeze %dma_wait3A_97 : memref<1x80x128xf32, #tpu.memory_space<vmem>> -> memref<80x128xf32, #tpu.memory_space<vmem>>
      %dma_wait3A_99 = tpu.memref_slice %arg6[%mul3A_65] : memref<10000xi32, #tpu.memory_space<vmem>> -> memref<80xi32, #tpu.memory_space<vmem>>
      %dma_wait3A_100 = arith.constant 0 : i32
      %dma_wait3A_101 = arith.constant 0 : i32
      %dma_wait3A_102 = tpu.memref_slice %arg2[%dma_wait3A_100, %dma_wait3A_101] : memref<10000x128xf32, #tpu.memory_space<hbm>> -> memref<10000x128xf32, #tpu.memory_space<hbm>>
      tpu.wait_indirect_dma semaphore(%arg10 : memref<!tpu.dma_semaphore, #tpu.memory_space<semaphore_mem>>) src(%dma_wait3A_102 : memref<10000x128xf32, #tpu.memory_space<hbm>>) dst(%dma_wait3A_98 : memref<80x128xf32, #tpu.memory_space<vmem>>)
      %run_scoped3A_103 = arith.constant 0 : i32
      "tpu.region"() ({
        %run_scoped3A_119 = tpu.sem_alloc : memref<!tpu.dma_semaphore, #tpu.memory_space<semaphore_mem>>
        %dma_start3A_120 = arith.constant 0 : i32
        %dma_start3A_121 = arith.constant 0 : i32
        %dma_start3A_122 = tpu.memref_slice %arg8[%run_scoped3A_103, %dma_start3A_120, %dma_start3A_121] : memref<2x80x128xf32, #tpu.memory_space<vmem>> -> memref<1x80x128xf32, #tpu.memory_space<vmem>>
        %dma_start3A_123 = tpu.memref_squeeze %dma_start3A_122 : memref<1x80x128xf32, #tpu.memory_space<vmem>> -> memref<80x128xf32, #tpu.memory_space<vmem>>
        %dma_start3A_124 = arith.constant 0 : i32
        %dma_start3A_125 = tpu.memref_slice %arg7[%add3A_93, %dma_start3A_124] : memref<125x80xi32, #tpu.memory_space<vmem>> -> memref<1x80xi32, #tpu.memory_space<vmem>>
        %dma_start3A_126 = tpu.memref_squeeze %dma_start3A_125 : memref<1x80xi32, #tpu.memory_space<vmem>> -> memref<80xi32, #tpu.memory_space<vmem>>
        %dma_start3A_127 = arith.constant 0 : i32
        %dma_start3A_128 = arith.constant 0 : i32
        %dma_start3A_129 = tpu.memref_slice %arg9[%dma_start3A_127, %dma_start3A_128] : memref<10000x128xf32, #tpu.memory_space<vmem_shared>> -> memref<10000x128xf32, #tpu.memory_space<vmem_shared>>
        tpu.enqueue_indirect_dma source(%dma_start3A_123 : memref<80x128xf32, #tpu.memory_space<vmem>>) target(%dma_start3A_129 : memref<10000x128xf32, #tpu.memory_space<vmem_shared>>) offsets(%dma_start3A_126 : memref<80xi32, #tpu.memory_space<vmem>>) semaphore(%run_scoped3A_119 : memref<!tpu.dma_semaphore, #tpu.memory_space<semaphore_mem>>) {add = true}
        %dma_wait3A_130 = arith.constant 0 : i32
        %dma_wait3A_131 = arith.constant 0 : i32
        %dma_wait3A_132 = tpu.memref_slice %arg8[%run_scoped3A_103, %dma_wait3A_130, %dma_wait3A_131] : memref<2x80x128xf32, #tpu.memory_space<vmem>> -> memref<1x80x128xf32, #tpu.memory_space<vmem>>
        %dma_wait3A_133 = tpu.memref_squeeze %dma_wait3A_132 : memref<1x80x128xf32, #tpu.memory_space<vmem>> -> memref<80x128xf32, #tpu.memory_space<vmem>>
        %dma_wait3A_134 = arith.constant 0 : i32
        %dma_wait3A_135 = tpu.memref_slice %arg7[%add3A_93, %dma_wait3A_134] : memref<125x80xi32, #tpu.memory_space<vmem>> -> memref<1x80xi32, #tpu.memory_space<vmem>>
        %dma_wait3A_136 = tpu.memref_squeeze %dma_wait3A_135 : memref<1x80xi32, #tpu.memory_space<vmem>> -> memref<80xi32, #tpu.memory_space<vmem>>
        %dma_wait3A_137 = arith.constant 0 : i32
        %dma_wait3A_138 = arith.constant 0 : i32
        %dma_wait3A_139 = tpu.memref_slice %arg9[%dma_wait3A_137, %dma_wait3A_138] : memref<10000x128xf32, #tpu.memory_space<vmem_shared>> -> memref<10000x128xf32, #tpu.memory_space<vmem_shared>>
        tpu.wait_indirect_dma semaphore(%run_scoped3A_119 : memref<!tpu.dma_semaphore, #tpu.memory_space<semaphore_mem>>) src(%dma_wait3A_133 : memref<80x128xf32, #tpu.memory_space<vmem>>) dst(%dma_wait3A_139 : memref<10000x128xf32, #tpu.memory_space<vmem_shared>>)
        tpu.yield
      }) : () -> ()
      %mul3A_104 = arith.constant 2 : i32
      %mul3A_105 = arith.muli %scan3A_58, %mul3A_104 : i32
      %add3A_106 = arith.constant 1 : i32
      %add3A_107 = arith.addi %mul3A_105, %add3A_106 : i32
      %dma_wait3A_108 = arith.constant 1 : i32
      %dma_wait3A_109 = arith.constant 0 : i32
      %dma_wait3A_110 = arith.constant 0 : i32
      %dma_wait3A_111 = tpu.memref_slice %arg8[%dma_wait3A_108, %dma_wait3A_109, %dma_wait3A_110] : memref<2x80x128xf32, #tpu.memory_space<vmem>> -> memref<1x80x128xf32, #tpu.memory_space<vmem>>
      %dma_wait3A_112 = tpu.memref_squeeze %dma_wait3A_111 : memref<1x80x128xf32, #tpu.memory_space<vmem>> -> memref<80x128xf32, #tpu.memory_space<vmem>>
      %dma_wait3A_113 = tpu.memref_slice %arg6[%mul3A_80] : memref<10000xi32, #tpu.memory_space<vmem>> -> memref<80xi32, #tpu.memory_space<vmem>>
      %dma_wait3A_114 = arith.constant 0 : i32
      %dma_wait3A_115 = arith.constant 0 : i32
      %dma_wait3A_116 = tpu.memref_slice %arg2[%dma_wait3A_114, %dma_wait3A_115] : memref<10000x128xf32, #tpu.memory_space<hbm>> -> memref<10000x128xf32, #tpu.memory_space<hbm>>
      tpu.wait_indirect_dma semaphore(%arg11 : memref<!tpu.dma_semaphore, #tpu.memory_space<semaphore_mem>>) src(%dma_wait3A_116 : memref<10000x128xf32, #tpu.memory_space<hbm>>) dst(%dma_wait3A_112 : memref<80x128xf32, #tpu.memory_space<vmem>>)
      %run_scoped3A_117 = arith.constant 1 : i32
      "tpu.region"() ({
        %run_scoped3A_119 = tpu.sem_alloc : memref<!tpu.dma_semaphore, #tpu.memory_space<semaphore_mem>>
        %dma_start3A_120 = arith.constant 0 : i32
        %dma_start3A_121 = arith.constant 0 : i32
        %dma_start3A_122 = tpu.memref_slice %arg8[%run_scoped3A_117, %dma_start3A_120, %dma_start3A_121] : memref<2x80x128xf32, #tpu.memory_space<vmem>> -> memref<1x80x128xf32, #tpu.memory_space<vmem>>
        %dma_start3A_123 = tpu.memref_squeeze %dma_start3A_122 : memref<1x80x128xf32, #tpu.memory_space<vmem>> -> memref<80x128xf32, #tpu.memory_space<vmem>>
        %dma_start3A_124 = arith.constant 0 : i32
        %dma_start3A_125 = tpu.memref_slice %arg7[%add3A_107, %dma_start3A_124] : memref<125x80xi32, #tpu.memory_space<vmem>> -> memref<1x80xi32, #tpu.memory_space<vmem>>
        %dma_start3A_126 = tpu.memref_squeeze %dma_start3A_125 : memref<1x80xi32, #tpu.memory_space<vmem>> -> memref<80xi32, #tpu.memory_space<vmem>>
        %dma_start3A_127 = arith.constant 0 : i32
        %dma_start3A_128 = arith.constant 0 : i32
        %dma_start3A_129 = tpu.memref_slice %arg9[%dma_start3A_127, %dma_start3A_128] : memref<10000x128xf32, #tpu.memory_space<vmem_shared>> -> memref<10000x128xf32, #tpu.memory_space<vmem_shared>>
        tpu.enqueue_indirect_dma source(%dma_start3A_123 : memref<80x128xf32, #tpu.memory_space<vmem>>) target(%dma_start3A_129 : memref<10000x128xf32, #tpu.memory_space<vmem_shared>>) offsets(%dma_start3A_126 : memref<80xi32, #tpu.memory_space<vmem>>) semaphore(%run_scoped3A_119 : memref<!tpu.dma_semaphore, #tpu.memory_space<semaphore_mem>>) {add = true}
        %dma_wait3A_130 = arith.constant 0 : i32
        %dma_wait3A_131 = arith.constant 0 : i32
        %dma_wait3A_132 = tpu.memref_slice %arg8[%run_scoped3A_117, %dma_wait3A_130, %dma_wait3A_131] : memref<2x80x128xf32, #tpu.memory_space<vmem>> -> memref<1x80x128xf32, #tpu.memory_space<vmem>>
        %dma_wait3A_133 = tpu.memref_squeeze %dma_wait3A_132 : memref<1x80x128xf32, #tpu.memory_space<vmem>> -> memref<80x128xf32, #tpu.memory_space<vmem>>
        %dma_wait3A_134 = arith.constant 0 : i32
        %dma_wait3A_135 = tpu.memref_slice %arg7[%add3A_107, %dma_wait3A_134] : memref<125x80xi32, #tpu.memory_space<vmem>> -> memref<1x80xi32, #tpu.memory_space<vmem>>
        %dma_wait3A_136 = tpu.memref_squeeze %dma_wait3A_135 : memref<1x80xi32, #tpu.memory_space<vmem>> -> memref<80xi32, #tpu.memory_space<vmem>>
        %dma_wait3A_137 = arith.constant 0 : i32
        %dma_wait3A_138 = arith.constant 0 : i32
        %dma_wait3A_139 = tpu.memref_slice %arg9[%dma_wait3A_137, %dma_wait3A_138] : memref<10000x128xf32, #tpu.memory_space<vmem_shared>> -> memref<10000x128xf32, #tpu.memory_space<vmem_shared>>
        tpu.wait_indirect_dma semaphore(%run_scoped3A_119 : memref<!tpu.dma_semaphore, #tpu.memory_space<semaphore_mem>>) src(%dma_wait3A_133 : memref<80x128xf32, #tpu.memory_space<vmem>>) dst(%dma_wait3A_139 : memref<10000x128xf32, #tpu.memory_space<vmem_shared>>)
        tpu.yield
      }) : () -> ()
      %scan3A_118 = arith.constant 0 : i32
      scf.yield %scan3A_118 : i32
    }
    %scan3A_31 = arith.constant 62 : i32
    %dma_start3A = arith.constant 0 : i32
    %dma_start3A_32 = arith.constant 0 : i32
    %dma_start3A_33 = arith.constant 0 : i32
    %dma_start3A_34 = tpu.memref_slice %arg8[%dma_start3A, %dma_start3A_32, %dma_start3A_33] : memref<2x80x128xf32, #tpu.memory_space<vmem>> -> memref<1x80x128xf32, #tpu.memory_space<vmem>>
    %dma_start3A_35 = tpu.memref_squeeze %dma_start3A_34 : memref<1x80x128xf32, #tpu.memory_space<vmem>> -> memref<80x128xf32, #tpu.memory_space<vmem>>
    %dma_start3A_36 = arith.constant 9920 : i32
    %dma_start3A_37 = tpu.memref_slice %arg6[%dma_start3A_36] : memref<10000xi32, #tpu.memory_space<vmem>> -> memref<80xi32, #tpu.memory_space<vmem>>
    %dma_start3A_38 = arith.constant 0 : i32
    %dma_start3A_39 = arith.constant 0 : i32
    %dma_start3A_40 = tpu.memref_slice %arg2[%dma_start3A_38, %dma_start3A_39] : memref<10000x128xf32, #tpu.memory_space<hbm>> -> memref<10000x128xf32, #tpu.memory_space<hbm>>
    tpu.enqueue_indirect_dma source(%dma_start3A_40 : memref<10000x128xf32, #tpu.memory_space<hbm>>) target(%dma_start3A_35 : memref<80x128xf32, #tpu.memory_space<vmem>>) offsets(%dma_start3A_37 : memref<80xi32, #tpu.memory_space<vmem>>) semaphore(%arg10 : memref<!tpu.dma_semaphore, #tpu.memory_space<semaphore_mem>>)
    %dma_wait3A = arith.constant 0 : i32
    %dma_wait3A_41 = arith.constant 0 : i32
    %dma_wait3A_42 = arith.constant 0 : i32
    %dma_wait3A_43 = tpu.memref_slice %arg8[%dma_wait3A, %dma_wait3A_41, %dma_wait3A_42] : memref<2x80x128xf32, #tpu.memory_space<vmem>> -> memref<1x80x128xf32, #tpu.memory_space<vmem>>
    %dma_wait3A_44 = tpu.memref_squeeze %dma_wait3A_43 : memref<1x80x128xf32, #tpu.memory_space<vmem>> -> memref<80x128xf32, #tpu.memory_space<vmem>>
    %dma_wait3A_45 = arith.constant 9920 : i32
    %dma_wait3A_46 = tpu.memref_slice %arg6[%dma_wait3A_45] : memref<10000xi32, #tpu.memory_space<vmem>> -> memref<80xi32, #tpu.memory_space<vmem>>
    %dma_wait3A_47 = arith.constant 0 : i32
    %dma_wait3A_48 = arith.constant 0 : i32
    %dma_wait3A_49 = tpu.memref_slice %arg2[%dma_wait3A_47, %dma_wait3A_48] : memref<10000x128xf32, #tpu.memory_space<hbm>> -> memref<10000x128xf32, #tpu.memory_space<hbm>>
    tpu.wait_indirect_dma semaphore(%arg10 : memref<!tpu.dma_semaphore, #tpu.memory_space<semaphore_mem>>) src(%dma_wait3A_49 : memref<10000x128xf32, #tpu.memory_space<hbm>>) dst(%dma_wait3A_44 : memref<80x128xf32, #tpu.memory_space<vmem>>)
    %run_scoped3A_50 = arith.constant 0 : i32
    %run_scoped3A_51 = arith.constant 124 : i32
    "tpu.region"() ({
      %run_scoped3A_58 = tpu.sem_alloc : memref<!tpu.dma_semaphore, #tpu.memory_space<semaphore_mem>>
      %dma_start3A_59 = arith.constant 0 : i32
      %dma_start3A_60 = arith.constant 0 : i32
      %dma_start3A_61 = tpu.memref_slice %arg8[%run_scoped3A_50, %dma_start3A_59, %dma_start3A_60] : memref<2x80x128xf32, #tpu.memory_space<vmem>> -> memref<1x80x128xf32, #tpu.memory_space<vmem>>
      %dma_start3A_62 = tpu.memref_squeeze %dma_start3A_61 : memref<1x80x128xf32, #tpu.memory_space<vmem>> -> memref<80x128xf32, #tpu.memory_space<vmem>>
      %dma_start3A_63 = arith.constant 0 : i32
      %dma_start3A_64 = tpu.memref_slice %arg7[%run_scoped3A_51, %dma_start3A_63] : memref<125x80xi32, #tpu.memory_space<vmem>> -> memref<1x80xi32, #tpu.memory_space<vmem>>
      %dma_start3A_65 = tpu.memref_squeeze %dma_start3A_64 : memref<1x80xi32, #tpu.memory_space<vmem>> -> memref<80xi32, #tpu.memory_space<vmem>>
      %dma_start3A_66 = arith.constant 0 : i32
      %dma_start3A_67 = arith.constant 0 : i32
      %dma_start3A_68 = tpu.memref_slice %arg9[%dma_start3A_66, %dma_start3A_67] : memref<10000x128xf32, #tpu.memory_space<vmem_shared>> -> memref<10000x128xf32, #tpu.memory_space<vmem_shared>>
      tpu.enqueue_indirect_dma source(%dma_start3A_62 : memref<80x128xf32, #tpu.memory_space<vmem>>) target(%dma_start3A_68 : memref<10000x128xf32, #tpu.memory_space<vmem_shared>>) offsets(%dma_start3A_65 : memref<80xi32, #tpu.memory_space<vmem>>) semaphore(%run_scoped3A_58 : memref<!tpu.dma_semaphore, #tpu.memory_space<semaphore_mem>>) {add = true}
      %dma_wait3A_69 = arith.constant 0 : i32
      %dma_wait3A_70 = arith.constant 0 : i32
      %dma_wait3A_71 = tpu.memref_slice %arg8[%run_scoped3A_50, %dma_wait3A_69, %dma_wait3A_70] : memref<2x80x128xf32, #tpu.memory_space<vmem>> -> memref<1x80x128xf32, #tpu.memory_space<vmem>>
      %dma_wait3A_72 = tpu.memref_squeeze %dma_wait3A_71 : memref<1x80x128xf32, #tpu.memory_space<vmem>> -> memref<80x128xf32, #tpu.memory_space<vmem>>
      %dma_wait3A_73 = arith.constant 0 : i32
      %dma_wait3A_74 = tpu.memref_slice %arg7[%run_scoped3A_51, %dma_wait3A_73] : memref<125x80xi32, #tpu.memory_space<vmem>> -> memref<1x80xi32, #tpu.memory_space<vmem>>
      %dma_wait3A_75 = tpu.memref_squeeze %dma_wait3A_74 : memref<1x80xi32, #tpu.memory_space<vmem>> -> memref<80xi32, #tpu.memory_space<vmem>>
      %dma_wait3A_76 = arith.constant 0 : i32
      %dma_wait3A_77 = arith.constant 0 : i32
      %dma_wait3A_78 = tpu.memref_slice %arg9[%dma_wait3A_76, %dma_wait3A_77] : memref<10000x128xf32, #tpu.memory_space<vmem_shared>> -> memref<10000x128xf32, #tpu.memory_space<vmem_shared>>
      tpu.wait_indirect_dma semaphore(%run_scoped3A_58 : memref<!tpu.dma_semaphore, #tpu.memory_space<semaphore_mem>>) src(%dma_wait3A_72 : memref<80x128xf32, #tpu.memory_space<vmem>>) dst(%dma_wait3A_78 : memref<10000x128xf32, #tpu.memory_space<vmem_shared>>)
      tpu.yield
    }) : () -> ()
    %barrier3A_52 = arith.constant 0 : index
    tpu.barrier barrier_id(%barrier3A_52)
    "tpu.region"() ({
      %run_scoped3A_58 = tpu.sem_alloc : memref<!tpu.dma_semaphore, #tpu.memory_space<semaphore_mem>>
      %dma_start3A_59 = arith.constant 0 : i32
      %dma_start3A_60 = tpu.memref_slice %arg5[%arg0, %mul3A_10, %dma_start3A_59] : memref<2x10000x128xf32, #tpu.memory_space<hbm>> -> memref<1x624x128xf32, #tpu.memory_space<hbm>>
      %dma_start3A_61 = tpu.memref_squeeze %dma_start3A_60 : memref<1x624x128xf32, #tpu.memory_space<hbm>> -> memref<624x128xf32, #tpu.memory_space<hbm>>
      %dma_start3A_62 = arith.constant 0 : i32
      %dma_start3A_63 = tpu.memref_slice %arg9[%mul3A_10, %dma_start3A_62] : memref<10000x128xf32, #tpu.memory_space<vmem_shared>> -> memref<624x128xf32, #tpu.memory_space<vmem_shared>>
      tpu.enqueue_dma source(%dma_start3A_63 : memref<624x128xf32, #tpu.memory_space<vmem_shared>>) target(%dma_start3A_61 : memref<624x128xf32, #tpu.memory_space<hbm>>) target_semaphore(%run_scoped3A_58 : memref<!tpu.dma_semaphore, #tpu.memory_space<semaphore_mem>>)
      %dma_wait3A_64 = arith.constant 0 : i32
      %dma_wait3A_65 = tpu.memref_slice %arg5[%arg0, %mul3A_10, %dma_wait3A_64] : memref<2x10000x128xf32, #tpu.memory_space<hbm>> -> memref<1x624x128xf32, #tpu.memory_space<hbm>>
      %dma_wait3A_66 = tpu.memref_squeeze %dma_wait3A_65 : memref<1x624x128xf32, #tpu.memory_space<hbm>> -> memref<624x128xf32, #tpu.memory_space<hbm>>
      %dma_wait3A_67 = arith.constant 0 : i32
      %dma_wait3A_68 = tpu.memref_slice %arg9[%mul3A_10, %dma_wait3A_67] : memref<10000x128xf32, #tpu.memory_space<vmem_shared>> -> memref<624x128xf32, #tpu.memory_space<vmem_shared>>
      tpu.wait_dma2 semaphore(%run_scoped3A_58 : memref<!tpu.dma_semaphore, #tpu.memory_space<semaphore_mem>>) src(%dma_wait3A_68 : memref<624x128xf32, #tpu.memory_space<vmem_shared>>) dst(%dma_wait3A_66 : memref<624x128xf32, #tpu.memory_space<hbm>>)
      tpu.yield
    }) : () -> ()
    %eq3A_53 = arith.constant 0 : i32
    %eq3A_54 = arith.cmpi eq, %arg1, %eq3A_53 : i32
    %convert_element_type3A_55 = arith.extui %eq3A_54 : i1 to i32
    %cond3A_56 = arith.constant 0 : i32
    %cond3A_57 = arith.cmpi ne, %convert_element_type3A_55, %cond3A_56 : i32
    scf.if %cond3A_57 {
      "tpu.region"() ({
        %run_scoped3A_58 = tpu.sem_alloc : memref<!tpu.dma_semaphore, #tpu.memory_space<semaphore_mem>>
        %dma_start3A_59 = arith.constant 9984 : i32
        %dma_start3A_60 = arith.constant 0 : i32
        %dma_start3A_61 = tpu.memref_slice %arg5[%arg0, %dma_start3A_59, %dma_start3A_60] : memref<2x10000x128xf32, #tpu.memory_space<hbm>> -> memref<1x16x128xf32, #tpu.memory_space<hbm>>
        %dma_start3A_62 = tpu.memref_squeeze %dma_start3A_61 : memref<1x16x128xf32, #tpu.memory_space<hbm>> -> memref<16x128xf32, #tpu.memory_space<hbm>>
        %dma_start3A_63 = arith.constant 9984 : i32
        %dma_start3A_64 = arith.constant 0 : i32
        %dma_start3A_65 = tpu.memref_slice %arg9[%dma_start3A_63, %dma_start3A_64] : memref<10000x128xf32, #tpu.memory_space<vmem_shared>> -> memref<16x128xf32, #tpu.memory_space<vmem_shared>>
        tpu.enqueue_dma source(%dma_start3A_65 : memref<16x128xf32, #tpu.memory_space<vmem_shared>>) target(%dma_start3A_62 : memref<16x128xf32, #tpu.memory_space<hbm>>) target_semaphore(%run_scoped3A_58 : memref<!tpu.dma_semaphore, #tpu.memory_space<semaphore_mem>>)
        %dma_wait3A_66 = arith.constant 9984 : i32
        %dma_wait3A_67 = arith.constant 0 : i32
        %dma_wait3A_68 = tpu.memref_slice %arg5[%arg0, %dma_wait3A_66, %dma_wait3A_67] : memref<2x10000x128xf32, #tpu.memory_space<hbm>> -> memref<1x16x128xf32, #tpu.memory_space<hbm>>
        %dma_wait3A_69 = tpu.memref_squeeze %dma_wait3A_68 : memref<1x16x128xf32, #tpu.memory_space<hbm>> -> memref<16x128xf32, #tpu.memory_space<hbm>>
        %dma_wait3A_70 = arith.constant 9984 : i32
        %dma_wait3A_71 = arith.constant 0 : i32
        %dma_wait3A_72 = tpu.memref_slice %arg9[%dma_wait3A_70, %dma_wait3A_71] : memref<10000x128xf32, #tpu.memory_space<vmem_shared>> -> memref<16x128xf32, #tpu.memory_space<vmem_shared>>
        tpu.wait_dma2 semaphore(%run_scoped3A_58 : memref<!tpu.dma_semaphore, #tpu.memory_space<semaphore_mem>>) src(%dma_wait3A_72 : memref<16x128xf32, #tpu.memory_space<vmem_shared>>) dst(%dma_wait3A_69 : memref<16x128xf32, #tpu.memory_space<hbm>>)
        tpu.yield
      }) : () -> ()
    } else {
    }
    return
  }
}

module attributes {stable_mosaic.version = 14 : i64} {
  func.func @_mm_kernel(%arg0: i32, %arg1: memref<1000x128xf32, #tpu.memory_space<vmem>>, %arg2: memref<128x128xf32, #tpu.memory_space<vmem>>, %arg3: memref<1x128xf32, #tpu.memory_space<vmem>>, %arg4: memref<1000x128xf32, #tpu.memory_space<vmem>>) attributes {dimension_semantics = [#tpu.dimension_semantics<arbitrary>], iteration_bounds = array<i64: 10>, scalar_prefetch = 0 : i64, scratch_operands = 0 : i64, tpu.core_type = #tpu.core_type<tc>, window_params = [{transform_indices = @transform_0, window_bounds = array<i64: 1000, 128>}, {pipeline_mode = #tpu.pipeline_mode<synchronous>, transform_indices = @transform_1, window_bounds = array<i64: 128, 128>}, {pipeline_mode = #tpu.pipeline_mode<synchronous>, transform_indices = @transform_2, window_bounds = array<i64: 1, 128>}, {transform_indices = @transform_3, window_bounds = array<i64: 1000, 128>}]} {
    %get3A = arith.constant 0 : index
    %get3A_0 = arith.constant 0 : index
    %get3A_1 = vector.load %arg1[%get3A, %get3A_0] : memref<1000x128xf32, #tpu.memory_space<vmem>>, vector<1000x128xf32>
    %get3A_2 = arith.constant 0 : index
    %get3A_3 = arith.constant 0 : index
    %get3A_4 = vector.load %arg2[%get3A_2, %get3A_3] : memref<128x128xf32, #tpu.memory_space<vmem>>, vector<128x128xf32>
    %dot_general3A = arith.constant dense<0.000000e+00> : vector<1000x128xf32>
    %dot_general3A_5 = tpu.matmul %get3A_1, %get3A_4, %dot_general3A {dimension_numbers = #tpu.dot_dimension_numbers<[1], [1], [0], [0], [0, 0, 1, 0], [], []>, transpose_lhs_hint = false} : vector<1000x128xf32>, vector<128x128xf32>, vector<1000x128xf32> -> vector<1000x128xf32>
    %get3A_6 = arith.constant 0 : index
    %get3A_7 = arith.constant 0 : index
    %get3A_8 = vector.load %arg3[%get3A_6, %get3A_7] : memref<1x128xf32, #tpu.memory_space<vmem>>, vector<1x128xf32>
    %add3A = vector.broadcast %get3A_8 : vector<1x128xf32> to vector<1000x128xf32>
    %add3A_9 = arith.addf %dot_general3A_5, %add3A : vector<1000x128xf32>
    %swap3A = arith.constant 0 : index
    %swap3A_10 = arith.constant 0 : index
    %swap3A_11 = vector.load %arg4[%swap3A, %swap3A_10] : memref<1000x128xf32, #tpu.memory_space<vmem>>, vector<1000x128xf32>
    tpu.vector_store %arg4[%swap3A, %swap3A_10], %add3A_9 {strides = array<i32>} : memref<1000x128xf32, #tpu.memory_space<vmem>>, vector<1000x128xf32>,
    return
  }
  func.func @transform_0(%arg0: i32) -> (i32, i32) {
    %c0_i32 = arith.constant 0 : i32
    %c0_i32_0 = arith.constant 0 : i32
    return %arg0, %c0_i32 : i32, i32
  }
  func.func @transform_1(%arg0: i32) -> (i32, i32) {
    %c0_i32 = arith.constant 0 : i32
    %c0_i32_0 = arith.constant 0 : i32
    %c0_i32_1 = arith.constant 0 : i32
    return %c0_i32, %c0_i32_0 : i32, i32
  }
  func.func @transform_2(%arg0: i32) -> (i32, i32) {
    %c0_i32 = arith.constant 0 : i32
    %c0_i32_0 = arith.constant 0 : i32
    %c0_i32_1 = arith.constant 0 : i32
    return %c0_i32, %c0_i32_0 : i32, i32
  }
  func.func @transform_3(%arg0: i32) -> (i32, i32) {
    %c0_i32 = arith.constant 0 : i32
    %c0_i32_0 = arith.constant 0 : i32
    return %arg0, %c0_i32 : i32, i32
  }
}

module attributes {stable_mosaic.version = 14 : i64} {
  func.func @_add_kernel(%arg0: i32, %arg1: memref<1000x128xf32, #tpu.memory_space<vmem>>, %arg2: memref<1000x128xf32, #tpu.memory_space<vmem>>, %arg3: memref<1000x128xf32, #tpu.memory_space<vmem>>) attributes {dimension_semantics = [#tpu.dimension_semantics<arbitrary>], iteration_bounds = array<i64: 10>, scalar_prefetch = 0 : i64, scratch_operands = 0 : i64, tpu.core_type = #tpu.core_type<tc>, window_params = [{transform_indices = @transform_0, window_bounds = array<i64: 1000, 128>}, {transform_indices = @transform_1, window_bounds = array<i64: 1000, 128>}, {transform_indices = @transform_2, window_bounds = array<i64: 1000, 128>}]} {
    %get3A = arith.constant 0 : index
    %get3A_0 = arith.constant 0 : index
    %get3A_1 = vector.load %arg1[%get3A, %get3A_0] : memref<1000x128xf32, #tpu.memory_space<vmem>>, vector<1000x128xf32>
    %get3A_2 = arith.constant 0 : index
    %get3A_3 = arith.constant 0 : index
    %get3A_4 = vector.load %arg2[%get3A_2, %get3A_3] : memref<1000x128xf32, #tpu.memory_space<vmem>>, vector<1000x128xf32>
    %add3A = arith.addf %get3A_1, %get3A_4 : vector<1000x128xf32>
    %swap3A = arith.constant 0 : index
    %swap3A_5 = arith.constant 0 : index
    %swap3A_6 = vector.load %arg3[%swap3A, %swap3A_5] : memref<1000x128xf32, #tpu.memory_space<vmem>>, vector<1000x128xf32>
    tpu.vector_store %arg3[%swap3A, %swap3A_5], %add3A {strides = array<i32>} : memref<1000x128xf32, #tpu.memory_space<vmem>>, vector<1000x128xf32>,
    return
  }
  func.func @transform_0(%arg0: i32) -> (i32, i32) {
    %c0_i32 = arith.constant 0 : i32
    %c0_i32_0 = arith.constant 0 : i32
    return %arg0, %c0_i32 : i32, i32
  }
  func.func @transform_1(%arg0: i32) -> (i32, i32) {
    %c0_i32 = arith.constant 0 : i32
    %c0_i32_0 = arith.constant 0 : i32
    return %arg0, %c0_i32 : i32, i32
  }
  func.func @transform_2(%arg0: i32) -> (i32, i32) {
    %c0_i32 = arith.constant 0 : i32
    %c0_i32_0 = arith.constant 0 : i32
    return %arg0, %c0_i32 : i32, i32
  }
}

module attributes {stable_mosaic.version = 14 : i64} {
  func.func @_final_kernel(%arg0: i32, %arg1: memref<1000x128xf32, #tpu.memory_space<vmem>>, %arg2: memref<1000x128xf32, #tpu.memory_space<vmem>>, %arg3: memref<1000x128xf32, #tpu.memory_space<vmem>>, %arg4: memref<1000x1xf32, #tpu.memory_space<vmem>>, %arg5: memref<1000x1xf32, #tpu.memory_space<vmem>>, %arg6: memref<1000x128xf32, #tpu.memory_space<vmem>>) attributes {dimension_semantics = [#tpu.dimension_semantics<arbitrary>], iteration_bounds = array<i64: 10>, scalar_prefetch = 0 : i64, scratch_operands = 0 : i64, tpu.core_type = #tpu.core_type<tc>, window_params = [{transform_indices = @transform_0, window_bounds = array<i64: 1000, 128>}, {transform_indices = @transform_1, window_bounds = array<i64: 1000, 128>}, {transform_indices = @transform_2, window_bounds = array<i64: 1000, 128>}, {transform_indices = @transform_3, window_bounds = array<i64: 1000, 1>}, {transform_indices = @transform_4, window_bounds = array<i64: 1000, 1>}, {transform_indices = @transform_5, window_bounds = array<i64: 1000, 128>}]} {
    %get3A = arith.constant 0 : index
    %get3A_0 = arith.constant 0 : index
    %get3A_1 = vector.load %arg4[%get3A, %get3A_0] : memref<1000x1xf32, #tpu.memory_space<vmem>>, vector<1000x1xf32>
    %get3A_2 = arith.constant 0 : index
    %get3A_3 = arith.constant 0 : index
    %get3A_4 = vector.load %arg5[%get3A_2, %get3A_3] : memref<1000x1xf32, #tpu.memory_space<vmem>>, vector<1000x1xf32>
    %add3A = arith.addf %get3A_1, %get3A_4 : vector<1000x1xf32>
    %max3A = arith.constant 1.000000e+00 : f32
    %max3A_5 = vector.broadcast %max3A : f32 to vector<1000x1xf32>
    %max3A_6 = arith.maximumf %add3A, %max3A_5 : vector<1000x1xf32>
    %get3A_7 = arith.constant 0 : index
    %get3A_8 = arith.constant 0 : index
    %get3A_9 = vector.load %arg1[%get3A_7, %get3A_8] : memref<1000x128xf32, #tpu.memory_space<vmem>>, vector<1000x128xf32>
    %get3A_10 = arith.constant 0 : index
    %get3A_11 = arith.constant 0 : index
    %get3A_12 = vector.load %arg2[%get3A_10, %get3A_11] : memref<1000x128xf32, #tpu.memory_space<vmem>>, vector<1000x128xf32>
    %get3A_13 = arith.constant 0 : index
    %get3A_14 = arith.constant 0 : index
    %get3A_15 = vector.load %arg3[%get3A_13, %get3A_14] : memref<1000x128xf32, #tpu.memory_space<vmem>>, vector<1000x128xf32>
    %add3A_16 = arith.addf %get3A_12, %get3A_15 : vector<1000x128xf32>
    %div3A = vector.broadcast %max3A_6 : vector<1000x1xf32> to vector<1000x128xf32>
    %div3A_17 = arith.divf %add3A_16, %div3A : vector<1000x128xf32>
    %add3A_18 = arith.addf %get3A_9, %div3A_17 : vector<1000x128xf32>
    %swap3A = arith.constant 0 : index
    %swap3A_19 = arith.constant 0 : index
    %swap3A_20 = vector.load %arg6[%swap3A, %swap3A_19] : memref<1000x128xf32, #tpu.memory_space<vmem>>, vector<1000x128xf32>
    tpu.vector_store %arg6[%swap3A, %swap3A_19], %add3A_18 {strides = array<i32>} : memref<1000x128xf32, #tpu.memory_space<vmem>>, vector<1000x128xf32>,
    return
  }
  func.func @transform_0(%arg0: i32) -> (i32, i32) {
    %c0_i32 = arith.constant 0 : i32
    %c0_i32_0 = arith.constant 0 : i32
    return %arg0, %c0_i32 : i32, i32
  }
  func.func @transform_1(%arg0: i32) -> (i32, i32) {
    %c0_i32 = arith.constant 0 : i32
    %c0_i32_0 = arith.constant 0 : i32
    return %arg0, %c0_i32 : i32, i32
  }
  func.func @transform_2(%arg0: i32) -> (i32, i32) {
    %c0_i32 = arith.constant 0 : i32
    %c0_i32_0 = arith.constant 0 : i32
    return %arg0, %c0_i32 : i32, i32
  }
  func.func @transform_3(%arg0: i32) -> (i32, i32) {
    %c0_i32 = arith.constant 0 : i32
    %c0_i32_0 = arith.constant 0 : i32
    return %arg0, %c0_i32 : i32, i32
  }
  func.func @transform_4(%arg0: i32) -> (i32, i32) {
    %c0_i32 = arith.constant 0 : i32
    %c0_i32_0 = arith.constant 0 : i32
    return %arg0, %c0_i32 : i32, i32
  }
  func.func @transform_5(%arg0: i32) -> (i32, i32) {
    %c0_i32 = arith.constant 0 : i32
    %c0_i32_0 = arith.constant 0 : i32
    return %arg0, %c0_i32 : i32, i32
  }
}

</mosaic_0001>

<sc_bundles>
// kernel: kernel.11.cloned.1.call-start
scs
__scs_entry_jumppad:
0x0: {  	(pc) =	sbr.rel $0x88, $3  }
0x1: {  	(tag) =	ssettag $0x0;
	lr =	simm.s32 $0x1  }
0x2: {  	[smem:$0x3F9C] =	sst lr;
	_ =	strace $0xD0000000  }
0x3: {  	_ = 	snop  }
0x4: {  	_ = 	snop  }
0x5: {  	_ = 	snop  }
0x6: {  	_ = 	snop  }
0x7: {  	_ = 	snop  }
__scs_overlays_trampoline_lowered:
0x8: {  	[smem:$0x3FAB] =	sst s0  }
0x9: {  	[smem:$0x3FAC] =	sst s1  }
0xa: {  	[smem:$0x3FAD] =	sst s2  }
0xb: {  	[smem:$0x3FAE] =	sst s3  }
0xc: {  	[smem:$0x3FAF] =	sst s4  }
0xd: {  	[smem:$0x3FB0] =	sst s5  }
0xe: {  	[smem:$0x3FB1] =	sst s6  }
0xf: {  	[smem:$0x3FB2] =	sst s7  }
0x10: {  	[smem:$0x3FB3] =	sst s8  }
0x11: {  	[smem:$0x3FB4] =	sst s9;
	s0 =	simm.s32 @!p0 $0x0  }
0x12: {  	s1 =	sld [smem:$0x3F9A];
	s0 =	simm.s32 @p0 $0x1  }
0x13: {  	[smem:$0x3FB5] =	sst s0;
	s0 =	simm.s32 @!p1 $0x0  }
0x14: {  	s2 =	sld [smem:$0x3F99];
	s0 =	simm.s32 @p1 $0x1  }
0x15: {  	[smem:$0x3FB6] =	sst s0;
	s0 =	simm.s32 @!p2 $0x0  }
0x16: {  	s3 =	sld [smem:$0x3FDB];
	s0 =	simm.s32 @p2 $0x1  }
0x17: {  	s4 =	simm.s32 $0x1BF5;
	[smem:$0x3FB8] =	sst s0  }
0x18: {  	s0 =	sld [smem:$0x3F9B];
	_ =	swait.ge [sflag:s4], $0x0  }
0x19: {  	s7 =	sld [smem:$0x3F9C]  }
0x1a: {  	s8 =	sadd.s32 $0xFFFFE003, lr  }
0x1b: {  	s9 =	sadd.s32 $0xFFFFFEF7, lr;
	s5 =	simm.s32 $0xFFFFFFFF;
	p2 =	slt.u32 s8, $0xFFFFF086  }
0x1c: {  	p1 =	slt.u32 s9, $0xF7A;
	s5 =	simm.s32 @!p2 $0x0  }
0x1d: {  	s5 =	simm.s32 @p1 $0x1;
	p0 =	seq.s32 s7, s2  }
0x1e: {  	s7 =	smul.u32 @!p0 $0xF7A, s2;
	p2 =	seq.s32 @!p0 s5, $0x0  }
0x1f: {  	s9 =	smul.u32 $0xF7A, s1;
	s8 =	simm.s32 @!p0 $0x1BF5;
	p2 =	por !p2, p0  }
0x20: {  	[sflag:s8] =	ssyncset.s32 @!p0 $0xFFFFF086;
	s6 =	sadd.s32 @!p0 s3, s7;
	s7 =	simm.s32 @!p0 $0x108  }
0x21: {  	s3 =	sadd.s32 s3, s9;
	s6 =	sadd.s32 @!p0 $0x88, s6;
	s7 =	simm.s32 @p2 $0x1082  }
0x22: {  	[simem:s7], [sflag:s8] =	dma.local @!p0 [hbm:s6], $0xF7A  }
0x23: {  	s9 =	sor.u32 $0xD0000000, s2;
	s6 =	simm.s32 $0x108;
	_ =	swait.ge @!p0 [sflag:s8], $0x0  }
0x24: {  	s3 =	sadd.s32 $0x88, s3;
	s6 =	simm.s32 @!p1 $0x1082;
	[sflag:s4] =	ssyncset.s32 $0xFFFFF086  }
0x25: {  	[simem:s6], [sflag:s4] =	dma.local [hbm:s3], $0xF7A  }
0x26: {  	[smem:$0x3F9C] =	sst s1;
	(tag) =	ssettag s2;
	_ =	strace s9  }
0x27: {  	s1 =	sld [smem:$0x3FAC]  }
0x28: {  	s2 =	sld [smem:$0x3FAD]  }
0x29: {  	s4 =	sld [smem:$0x3FAF]  }
0x2a: {  	p0 =	seq.s32 s5, $0x0;
	s5 =	sld [smem:$0x3FB0]  }
0x2b: {  	s6 =	sld [smem:$0x3FB1]  }
0x2c: {  	s7 =	sld [smem:$0x3FB2]  }
0x2d: {  	s3 =	simm.s32 $0x108;
	s8 =	sld [smem:$0x3FB3]  }
0x2e: {  	s3 =	simm.s32 @!p0 $0x1082;
	s9 =	sld [smem:$0x3FB4]  }
0x2f: {  	lr =	sadd.s32 s0, s3;
	s0 =	sld [smem:$0x3FAB]  }
0x30: {  	s3 =	sld [smem:$0x3FAE]  }
0x31: {  	[smem:$0x3FB7] =	sst s10  }
0x32: {  	s10 =	sld [smem:$0x3FB5];
	_ =	sdelay $0x3  }
0x33: {  	p0 =	seq.s32 s10, $0x1;
	s10 =	sld [smem:$0x3FB7];
	_ =	sdelay $0x3  }
0x34: {  	[smem:$0x3FB7] =	sst s10  }
0x35: {  	s10 =	sld [smem:$0x3FB6];
	_ =	sdelay $0x3  }
0x36: {  	p1 =	seq.s32 s10, $0x1;
	s10 =	sld [smem:$0x3FB7];
	_ =	sdelay $0x3  }
0x37: {  	[smem:$0x3FB7] =	sst s10  }
0x38: {  	s10 =	sld [smem:$0x3FB8]  }
0x39: {  	_ = 	snop;
	(pc) =	sbr.ind lr, $3  }
0x3a: {  	_ = 	snop  }
0x3b: {  	_ = 	snop  }
0x3c: {  	p2 =	seq.s32 s10, $0x1;
	s10 =	sld [smem:$0x3FB7]  }
0x3d: {  	_ =	shalt  }
0x3e: {  	_ =	shalt  }
0x3f: {  	_ =	shalt  }
0x40: {  	_ =	shalt  }
0x41: {  	_ =	shalt  }
0x42: {  	_ =	shalt  }
0x43: {  	_ =	shalt  }
0x44: {  	_ =	shalt  }
0x45: {  	_ =	shalt  }
0x46: {  	_ =	shalt  }
0x47: {  	_ =	shalt  }
0x48: {  	_ =	shalt  }
0x49: {  	_ =	shalt  }
0x4a: {  	_ =	shalt  }
0x4b: {  	_ =	shalt  }
0x4c: {  	_ =	shalt  }
0x4d: {  	_ =	shalt  }
0x4e: {  	_ =	shalt  }
0x4f: {  	_ =	shalt  }
0x50: {  	_ =	shalt  }
0x51: {  	_ =	shalt  }
0x52: {  	_ =	shalt  }
0x53: {  	_ =	shalt  }
0x54: {  	_ =	shalt  }
0x55: {  	_ =	shalt  }
0x56: {  	_ =	shalt  }
0x57: {  	_ =	shalt  }
0x58: {  	_ =	shalt  }
0x59: {  	_ =	shalt  }
0x5a: {  	_ =	shalt  }
0x5b: {  	_ =	shalt  }
0x5c: {  	_ =	shalt  }
0x5d: {  	_ =	shalt  }
0x5e: {  	_ =	shalt  }
0x5f: {  	_ =	shalt  }
0x60: {  	_ =	shalt  }
0x61: {  	_ =	shalt  }
0x62: {  	_ =	shalt  }
0x63: {  	_ =	shalt  }
0x64: {  	_ =	shalt  }
0x65: {  	_ =	shalt  }
0x66: {  	_ =	shalt  }
0x67: {  	_ =	shalt  }
0x68: {  	_ =	shalt  }
0x69: {  	_ =	shalt  }
0x6a: {  	_ =	shalt  }
0x6b: {  	_ =	shalt  }
0x6c: {  	_ =	shalt  }
0x6d: {  	_ =	shalt  }
0x6e: {  	_ =	shalt  }
0x6f: {  	_ =	shalt  }
0x70: {  	_ =	shalt  }
0x71: {  	_ =	shalt  }
0x72: {  	_ =	shalt  }
0x73: {  	_ =	shalt  }
0x74: {  	_ =	shalt  }
0x75: {  	_ =	shalt  }
0x76: {  	_ =	shalt  }
0x77: {  	_ =	shalt  }
0x78: {  	_ =	shalt  }
0x79: {  	_ =	shalt  }
0x7a: {  	_ =	shalt  }
0x7b: {  	_ =	shalt  }
0x7c: {  	_ =	shalt  }
0x7d: {  	_ =	shalt  }
0x7e: {  	_ =	shalt  }
0x7f: {  	_ =	shalt  }
0x80: {  	_ =	shalt  }
0x81: {  	_ =	shalt  }
0x82: {  	_ =	shalt  }
0x83: {  	_ =	shalt  }
0x84: {  	_ =	shalt  }
0x85: {  	_ =	shalt  }
0x86: {  	_ =	shalt  }
0x87: {  	_ =	shalt  }
.Lfunc_end0:
.L_simem_size_0:
called_computation.1_lowered:
.L_overlay_start_0:
0x88: {  	s2 =	sld [smem:$0x3FD9]  }
0x89: {  	s3 =	sld [smem:$0x3FFE];
	_ =	sdelay $0x1  }
0x8a: {  	s1 =	srdreg.scid  }
0x8b: {  	s0 =	sand.u32 $0x1, s1  }
0x8c: {  	s17 =	sshll.u32 s0, $0xA;
	s2 =	sadd.s32 s3, s2  }
0x8d: {  	s2 =	sadd.s32 s2, s17  }
0x8e: {  	[smem:$0x3FC3] =	sst s2  }
0x8f: {  	_ = 	snop  }
0x90: {  	s2 =	sld [smem:$0x3FD0];
	(tm) =	ssettm $0x1  }
0x91: {  	s18 =	sld [smem:$0x3FFB];
	_ =	sdelay $0x3  }
0x92: {  	_ =	strace s18  }
0x93: {  	s3 =	sld [smem:$0x3FFC];
	_ =	sdelay $0x3  }
0x94: {  	_ =	strace s3  }
0x95: {  	s3 =	sld [smem:$0x3FFD];
	_ =	sdelay $0x3  }
0x96: {  	_ =	strace s3  }
0x97: {  	_ =	strace $0x8FFFFFFF  }
0x98: {  	s19 =	sld [smem:$0x3FDB];
	_ =	sdelay $0x1  }
0x99: {  	s4 =	simm.s32 $_scs_section_size  }
0x9a: {  	s5 =	simm.s32 $_size__tile_overlayer_lowered;
	s6 =	simm.s32 $_tile_overlayer_lowered  }
0x9b: {  	s22 =	simm.s32 $0x1BFF;
	s21 =	sshll.u32 s6, $0x1;
	s3 =	sadd.s32 s4, s19  }
0x9c: {  	s7 =	simm.s32 $0x0;
	s20 =	sshll.u32 s5, $0x1;
	s5 =	sadd.s32 s21, s3  }
0x9d: {  	[timem:s7], [sflag:s22] =	dma.local [hbm:s5], s20  }
0x9e: {  	_ =	swait.ge [sflag:s22], s20  }
0x9f: {  	s4 =	ssub.s32 $0x0, s20;
	[sflag:s22] =	ssyncset.done $0x0  }
0xa0: {  	[sflag:s22] =	ssyncadd.s32 s4;
	_ =	sdelay $0x1  }
0xa1: {  	s23 =	simm.s32 $0x1B8B  }
0xa2: {  	_ =	swait.ge [sflag:s23], $0x1  }
0xa3: {  	[sflag:s23] =	ssyncset.done $0x0  }
0xa4: {  	s25 =	simm.s32 $0x1B8E;
	s24 =	sld [smem:$0x3FFE];
	[sflag:s23] =	ssyncadd.s32 $0xFFFFFFFF  }
0xa5: {  	s26 =	simm.s32 $execute0_lowered;
	[smem:$0x3FD2] =	sst s25  }
0xa6: {  	s5 =	sshll.u32 s26, $0x1;
	_ =	strace $0x80000046;
	[dreg:$0x1] =	wrdreg $0xFFFFFFFF  }
0xa7: {  	s28 =	simm.s32 $_size_execute0_lowered;
	s3 =	sadd.s32 s3, s5;
	[dreg:$0x0] =	wrdreg $0x0  }
0xa8: {  	s5 =	sshll.u32 s28, $0x1;
	[dreg:$0x2] =	wrdreg s3  }
0xa9: {  	[dreg:$0x3] =	wrdreg s5  }
0xaa: {  	[dreg:$0x4] =	wrdreg $0xC0  }
0xab: {  	_ =	task [dreg:s7], $0x5FFFF  }
0xac: {  	[dreg:$0x1] =	wrdreg $0xFFFFFFFF  }
0xad: {  	[dreg:$0x0] =	wrdreg $0x60  }
0xae: {  	[dreg:$0x2] =	wrdreg s2  }
0xaf: {  	[dreg:$0x3] =	wrdreg s24  }
0xb0: {  	[dreg:$0x4] =	wrdreg $0xB7800  }
0xb1: {  	[dreg:$0x5] =	wrdreg $0xA  }
0xb2: {  	_ =	task.clear_ibuf [dreg:s7], $0x6FFFF;
	_ =	strace $0x90000046  }
0xb3: {  	s29 =	simm.s32 $0xA;
	_ =	strace $0x80000048  }
0xb4: {  	_ =	swait.ge [sflag:s29], $0x1  }
0xb5: {  	[sflag:s29] =	ssyncadd.s32 $0xFFFFFFFF  }
0xb6: {  	_ =	strace $0x90000048  }
0xb7: {  	_ =	sfence  }
0xb8: {  	s30 =	sld [smem:$0x0];
	_ =	sdelay $0x2  }
0xb9: {  	s31 =	sshll.u32 s1, $0xD;
	s1 =	sshrl.u32 s1, $0x2  }
0xba: {  	s3 =	sand.u32 $0x4000, s31;
	s1 =	sadd.s32 s1, s30  }
0xbb: {  	s0 =	sor.u32 s3, s0;
	s1 =	sshll.u32 s1, $0x11  }
0xbc: {  	s0 =	sor.u32 s1, s0  }
0xbd: {  	s0 =	sadd.s32 $0x8F2B, s0  }
0xbe: {  	[sflag:s0] =	ssyncadd.remote.s32 $0x1  }
0xbf: {  	_ =	sfence.sel $0xFFFF  }
0xc0: {  	[dreg:$0x0] =	wrdreg $0xFFFFFFFF;
	(pc) =	sbr.abs _section_cstart, $3  }
0xc1: {  	[dreg:$0x1] =	wrdreg $0xFFFFFFFF  }
0xc2: {  	_ =	task.clear_ibuf [dreg:s7], $0x2FFFF;
	_ =	strace $0x9FFFFFFF  }
0xc3: {  	(tm) =	ssettm $0x7FFFFFFF  }
tec
execute0_lowered:
.L_overlay_start_1:
0x0: {  	(tag) =	ssettag $0x1  }
0x1: {  	s0 =	rddreg [dreg:$0x0]  }
0x2: {  	s2 =	srdreg.scid;
	s5 =	rddreg [dreg:$0x1]  }
0x3: {  	s1 =	stileid.u32;
	s3 =	rddreg [dreg:$0x2];
	s19 =	simm.s32 $0x3  }
0x4: {  	s21 =	simm.s32 $0x6780;
	s22 =	simm.s32 $0x50;
	s23 =	simm.s32 $0x8F80  }
0x5: {  	s24 =	simm.s32 $0x1;
	s28 =	simm.s32 $0x6580;
	s29 =	simm.s32 $0x0  }
0x6: {  	s2 =	sand.u32 $0x1, s2;
	s4 =	sshll.u32 s1, $0x1;
	s9 =	smul.u32 $0x4E000, s1  }
0x7: {  	s11 =	sadd.s32 $0x1C600, s5;
	s25 =	smul.u32 $0x13800, s1;
	s6 =	sor.u32 s2, s4  }
0x8: {  	s4 =	simm.s32 $0x0;
	s8 =	ssub.s32 $0x2, s2;
	s2 =	smul.u32 $0x138800, s2  }
0x9: {  	p0 =	sne.s32 s1, $0x0;
	s7 =	smul.u32 $0x4F0, s6;
	[smem:$0x7FF] =	sst s4  }
0xa: {  	s6 =	sshll.u32 s6, $0xB;
	s10 =	sshrl.u32 s8, $0x1;
	s26 =	sshrl.u32 s9, $0x2  }
0xb: {  	s9 =	sadd.s32 $0x138000, s3;
	_ =	strace $0x80000047;
	s6 =	sadd.s32 s6, s5  }
0xc: {  	s12 =	ssub.s32 s8, s10;
	s30 =	sadd.s32 s25, s2;
	s2 =	sshrl.u32 s2, $0x3  }
0xd: {  	s25 =	simm.s32 $0x2;
	s7 =	sadd.s32 s7, s5;
	s6 =	sadd.s32 $0x2800, s6  }
0xe: {  	s31 =	sshrl.u32 s30, $0x3;
	s2 =	sadd.s32 s11, s2;
	s12 =	smax.u32 s12, $0x1  }
0xf: {  	s5 =	sadd.s32 $0x12800, s7;
	s7 =	sadd.s32 s26, s3;
	s10 =	sadd.s32 s11, s31  }
0x10: {  	s11 =	sadd.s32 $0x27000, s2;
	s26 =	simm.s32 $0x26C0;
	s8 =	sadd.s32 $0x11800, s7  }
0x11: {  	s13 =	sadd.s32 $0x2800, s7;
	s14 =	sadd.s32 $0x5000, s7;
	s15 =	sadd.s32 $0x7800, s7  }
0x12: {  	v0 =	vimm.f32 $0.0e+00;
	s16 =	sadd.s32 $0xA000, s7;
	s17 =	sadd.s32 $0xC800, s7;
	s18 =	sadd.s32 $0xF000, s7  }
.LBB2_1:
0x13: {  	[tilespmem:s4], [sflag:$0x3] =	stream.linear.gather [hbm4b:s5+s4], $0x2780, $0x38;
	[tilespmem:$0x1F000] =	vst v63  }
0x14: {  	_ =	swait.ge [sflag:s19], $0x2780  }
0x15: {  	[sflag:s19] =	ssyncset.done $0x0  }
0x16: {  	s1 =	simm.s32 $0x2780;
	[sflag:s19] =	ssyncadd.s32 $0xFFFFD880  }
0x17: {  	[tilespmem:s1], [sflag:$0x3] =	stream.linear.gather [hbm4b:s6+s4], $0x3E80, $0x38;
	[tilespmem:$0x1F000] =	vst v63  }
0x18: {  	_ =	swait.ge [sflag:s19], $0x3E80  }
0x19: {  	[sflag:s19] =	ssyncset.done $0x0  }
0x1a: {  	s30 =	simm.s32 $0x0;
	s31 =	simm.s32 $0x200;
	[sflag:s19] =	ssyncadd.s32 $0xFFFFC180  }
.LBB2_2:
0x1b: {  	p1 =	sne.s32 s31, $0x9E00;
	[tilespmem:s30+$0x67F0] =	vst v0  }
0x1c: {  	[tilespmem:s30+$0x6780] =	vst v0  }
0x1d: {  	[tilespmem:s30+$0x6790] =	vst v0  }
.Ltmp0:
0x1e: {  	[tilespmem:s30+$0x67A0] =	vst v0;
	(pc) =	sbr.rel @p1 .LBB2_2-.Ltmp0, $4  }
0x1f: {  	[tilespmem:s30+$0x67B0] =	vst v0  }
0x20: {  	[tilespmem:s30+$0x67C0] =	vst v0  }
0x21: {  	[tilespmem:s30+$0x67D0] =	vst v0  }
0x22: {  	[tilespmem:s30+$0x67E0] =	vst v0;
	s30 =	sshra.s32 s31, $0x2;
	s31 =	sadd.s32 $0x200, s31  }
0x23: {  	[tilespmem:s30+$0x67F0] =	vst v0  }
0x24: {  	[tilespmem:s30+$0x6780] =	vst v0  }
0x25: {  	[tilespmem:s30+$0x6790] =	vst v0  }
0x26: {  	[tilespmem:s30+$0x67A0] =	vst v0  }
0x27: {  	[tilespmem:s30+$0x67B0] =	vst v0  }
0x28: {  	[tilespmem:s30+$0x67C0] =	vst v0  }
0x29: {  	[tilespmem:s30+$0x67D0] =	vst v0  }
0x2a: {  	[tilespmem:s30+$0x67E0] =	vst v0  }
0x2b: {  	[spmem:s7] =	stream.linear.scatter [tilespmem:s21], [sflag:$0x3], $0x2800, $0x38;
	[tilespmem:$0x1F000] =	vst v63  }
0x2c: {  	_ =	swait.ge [sflag:s19], $0x2800  }
0x2d: {  	[sflag:s19] =	ssyncset.done $0x0  }
0x2e: {  	[sflag:s19] =	ssyncadd.s32 $0xFFFFD800  }
0x2f: {  	[spmem:s13] =	stream.linear.scatter [tilespmem:s21], [sflag:$0x3], $0x2800, $0x38;
	[tilespmem:$0x1F000] =	vst v63  }
0x30: {  	_ =	swait.ge [sflag:s19], $0x2800  }
0x31: {  	[sflag:s19] =	ssyncset.done $0x0  }
0x32: {  	[sflag:s19] =	ssyncadd.s32 $0xFFFFD800  }
0x33: {  	[spmem:s14] =	stream.linear.scatter [tilespmem:s21], [sflag:$0x3], $0x2800, $0x38;
	[tilespmem:$0x1F000] =	vst v63  }
0x34: {  	_ =	swait.ge [sflag:s19], $0x2800  }
0x35: {  	[sflag:s19] =	ssyncset.done $0x0  }
0x36: {  	[sflag:s19] =	ssyncadd.s32 $0xFFFFD800  }
0x37: {  	[spmem:s15] =	stream.linear.scatter [tilespmem:s21], [sflag:$0x3], $0x2800, $0x38;
	[tilespmem:$0x1F000] =	vst v63  }
0x38: {  	_ =	swait.ge [sflag:s19], $0x2800  }
0x39: {  	[sflag:s19] =	ssyncset.done $0x0  }
0x3a: {  	[sflag:s19] =	ssyncadd.s32 $0xFFFFD800  }
0x3b: {  	[spmem:s16] =	stream.linear.scatter [tilespmem:s21], [sflag:$0x3], $0x2800, $0x38;
	[tilespmem:$0x1F000] =	vst v63  }
0x3c: {  	_ =	swait.ge [sflag:s19], $0x2800  }
0x3d: {  	[sflag:s19] =	ssyncset.done $0x0  }
0x3e: {  	[sflag:s19] =	ssyncadd.s32 $0xFFFFD800  }
0x3f: {  	[spmem:s17] =	stream.linear.scatter [tilespmem:s21], [sflag:$0x3], $0x2800, $0x38;
	[tilespmem:$0x1F000] =	vst v63  }
0x40: {  	_ =	swait.ge [sflag:s19], $0x2800  }
0x41: {  	[sflag:s19] =	ssyncset.done $0x0  }
0x42: {  	[sflag:s19] =	ssyncadd.s32 $0xFFFFD800  }
0x43: {  	[spmem:s18] =	stream.linear.scatter [tilespmem:s21], [sflag:$0x3], $0x2800, $0x38;
	[tilespmem:$0x1F000] =	vst v63  }
0x44: {  	_ =	swait.ge [sflag:s19], $0x2800  }
0x45: {  	[sflag:s19] =	ssyncset.done $0x0  }
0x46: {  	[sflag:s19] =	ssyncadd.s32 $0xFFFFD800  }
0x47: {  	[spmem:s8] =	stream.linear.scatter [tilespmem:s21], [sflag:$0x3], $0x2000, $0x38;
	[tilespmem:$0x1F000] =	vst v63  }
0x48: {  	_ =	swait.ge [sflag:s19], $0x2000  }
0x49: {  	[sflag:s19] =	ssyncset.done $0x0  }
0x4a: {  	s2 =	simm.s32 @!p0 $0x6780;
	[sflag:s19] =	ssyncadd.s32 $0xFFFFE000  }
0x4b: {  	[spmem:s9] =	stream.linear.scatter @!p0 [tilespmem:s2], [sflag:$0x3], $0x800, $0x38;
	[tilespmem:$0x1F000] =	vst v63  }
0x4c: {  	s2 =	simm.s32 @!p0 $0x3  }
0x4d: {  	_ =	swait.ge @!p0 [sflag:s2], $0x800  }
0x4e: {  	[sflag:s2] =	ssyncset.done @!p0 $0x0  }
0x4f: {  	[sflag:s2] =	ssyncadd.s32 @!p0 $0xFFFFF800  }
0x50: {  	s1 =	simm.s32 $0x0;
	[bflag:$0x0] =	sbarrier.arrive $0xFFFF  }
0x51: {  	[tilespmem:s21], [sflag:$0x1] =	stream.indirect.gather [hbm4b:s0+s22], $0x80, s1, s22, $0xb8;
	[tilespmem:$0x1F000] =	vst v63  }
0x52: {  	s20 =	simm.s32 $0x50  }
0x53: {  	[tilespmem:s23], [sflag:$0x2] =	stream.indirect.gather [hbm4b:s0+s22], $0x80, s20, s22, $0xb8;
	[tilespmem:$0x1F000] =	vst v63  }
0x54: {  	_ =	swait.ge [sflag:s24], $0x2800  }
0x55: {  	[sflag:s24] =	ssyncset.done $0x0  }
0x56: {  	s1 =	simm.s32 $0x2780;
	[sflag:s24] =	ssyncadd.s32 $0xFFFFD800  }
0x57: {  	[spmem:s3] =	stream.indirect.scatter.add.f32 [tilespmem:s21], [sflag:$0x3], $0x80, s1, s22, $0xb8;
	[tilespmem:$0x1F000] =	vst v63  }
0x58: {  	_ =	swait.ge [sflag:s19], $0x2800  }
0x59: {  	[sflag:s19] =	ssyncset.done $0x0  }
0x5a: {  	[sflag:s19] =	ssyncadd.s32 $0xFFFFD800  }
0x5b: {  	_ =	swait.ge [sflag:s25], $0x2800  }
0x5c: {  	[sflag:s25] =	ssyncset.done $0x0  }
0x5d: {  	s20 =	simm.s32 $0x2800;
	[sflag:s25] =	ssyncadd.s32 $0xFFFFD800  }
0x5e: {  	[spmem:s3] =	stream.indirect.scatter.add.f32 [tilespmem:s23], [sflag:$0x3], $0x80, s20, s22, $0xb8;
	[tilespmem:$0x1F000] =	vst v63  }
0x5f: {  	s31 =	simm.s32 $0x280;
	_ =	swait.ge [sflag:s19], $0x2800  }
0x60: {  	s30 =	simm.s32 $0x2880;
	s2 =	simm.s32 $0x500;
	[sflag:s19] =	ssyncset.done $0x0  }
.LBB2_4:
0x61: {  	s1 =	sshra.s32 s31, $0x2  }
0x62: {  	[sflag:s19] =	ssyncadd.s32 $0xFFFFD800;
	s31 =	smov.u32 s2;
	s20 =	sadd.s32 $0x280, s2  }
0x63: {  	[tilespmem:s21], [sflag:$0x1] =	stream.indirect.gather [hbm4b:s0+s22], $0x80, s1, s22, $0xb8;
	[tilespmem:$0x1F000] =	vst v63  }
0x64: {  	p1 =	sne.s32 s2, $0x9880;
	s1 =	sadd.s32 $0x50, s1  }
0x65: {  	[tilespmem:s23], [sflag:$0x2] =	stream.indirect.gather [hbm4b:s0+s22], $0x80, s1, s22, $0xb8;
	[tilespmem:$0x1F000] =	vst v63  }
0x66: {  	_ =	swait.ge [sflag:s24], $0x2800  }
0x67: {  	[sflag:s24] =	ssyncset.done $0x0  }
0x68: {  	[sflag:s24] =	ssyncadd.s32 $0xFFFFD800  }
0x69: {  	[spmem:s3] =	stream.indirect.scatter.add.f32 [tilespmem:s21], [sflag:$0x3], $0x80, s30, s22, $0xb8;
	[tilespmem:$0x1F000] =	vst v63  }
0x6a: {  	_ =	swait.ge [sflag:s19], $0x2800  }
0x6b: {  	[sflag:s19] =	ssyncset.done $0x0  }
0x6c: {  	[sflag:s19] =	ssyncadd.s32 $0xFFFFD800  }
0x6d: {  	_ =	swait.ge [sflag:s25], $0x2800  }
.Ltmp1:
0x6e: {  	[sflag:s25] =	ssyncset.done $0x0;
	(pc) =	sbr.rel @p1 .LBB2_4-.Ltmp1, $4  }
0x6f: {  	s1 =	sadd.s32 $0x80, s30;
	[sflag:s25] =	ssyncadd.s32 $0xFFFFD800  }
0x70: {  	[spmem:s3] =	stream.indirect.scatter.add.f32 [tilespmem:s23], [sflag:$0x3], $0x80, s1, s22, $0xb8;
	[tilespmem:$0x1F000] =	vst v63  }
0x71: {  	_ =	swait.ge [sflag:s19], $0x2800  }
0x72: {  	s2 =	smov.u32 s20;
	s30 =	sadd.s32 $0x100, s30;
	[sflag:s19] =	ssyncset.done $0x0  }
0x73: {  	s1 =	sshra.s32 s31, $0x2;
	[sflag:s19] =	ssyncadd.s32 $0xFFFFD800  }
0x74: {  	[tilespmem:s21], [sflag:$0x1] =	stream.indirect.gather [hbm4b:s0+s22], $0x80, s1, s22, $0xb8;
	[tilespmem:$0x1F000] =	vst v63  }
0x75: {  	s1 =	sadd.s32 $0x50, s1  }
0x76: {  	[tilespmem:s23], [sflag:$0x2] =	stream.indirect.gather [hbm4b:s0+s22], $0x80, s1, s22, $0xb8;
	[tilespmem:$0x1F000] =	vst v63  }
0x77: {  	_ =	swait.ge [sflag:s24], $0x2800  }
0x78: {  	[sflag:s24] =	ssyncset.done $0x0  }
0x79: {  	[sflag:s24] =	ssyncadd.s32 $0xFFFFD800  }
0x7a: {  	[spmem:s3] =	stream.indirect.scatter.add.f32 [tilespmem:s21], [sflag:$0x3], $0x80, s30, s22, $0xb8;
	[tilespmem:$0x1F000] =	vst v63  }
0x7b: {  	_ =	swait.ge [sflag:s19], $0x2800  }
0x7c: {  	[sflag:s19] =	ssyncset.done $0x0  }
0x7d: {  	[sflag:s19] =	ssyncadd.s32 $0xFFFFD800  }
0x7e: {  	_ =	swait.ge [sflag:s25], $0x2800  }
0x7f: {  	[sflag:s25] =	ssyncset.done $0x0  }
0x80: {  	s30 =	sadd.s32 $0x80, s30;
	[sflag:s25] =	ssyncadd.s32 $0xFFFFD800  }
0x81: {  	[spmem:s3] =	stream.indirect.scatter.add.f32 [tilespmem:s23], [sflag:$0x3], $0x80, s30, s22, $0xb8;
	[tilespmem:$0x1F000] =	vst v63  }
0x82: {  	_ =	swait.ge [sflag:s19], $0x2800  }
0x83: {  	[sflag:s19] =	ssyncset.done $0x0  }
0x84: {  	[sflag:s19] =	ssyncadd.s32 $0xFFFFD800  }
0x85: {  	[tilespmem:s21], [sflag:$0x1] =	stream.indirect.gather [hbm4b:s0+s22], $0x80, s26, s22, $0xb8;
	[tilespmem:$0x1F000] =	vst v63  }
0x86: {  	_ =	swait.ge [sflag:s24], $0x2800  }
0x87: {  	[sflag:s24] =	ssyncset.done $0x0  }
0x88: {  	[sflag:s24] =	ssyncadd.s32 $0xFFFFD800  }
0x89: {  	[spmem:s3] =	stream.indirect.scatter.add.f32 [tilespmem:s21], [sflag:$0x3], $0x80, s28, s22, $0xb8;
	[tilespmem:$0x1F000] =	vst v63  }
0x8a: {  	_ =	swait.ge [sflag:s19], $0x2800  }
0x8b: {  	s31 =	stileid.u32;
	[sflag:s19] =	ssyncset.done $0x0  }
0x8c: {  	s1 =	sshll.u32 s31, $0x6;
	[sflag:s19] =	ssyncadd.s32 $0xFFFFD800  }
0x8d: {  	s2 =	sshrl.u32 s7, $0x3;
	s1 =	sor.u32 $0x1C03, s1;
	[bflag:$0x0] =	sbarrier.arrive $0xFFFF  }
0x8e: {  	[hbm:s10], [sflag:s1] =	dma.local [spmem:s2], $0x2700  }
0x8f: {  	_ =	swait.ge [sflag:s19], $0x2700  }
0x90: {  	s29 =	sadd.s32 $0x1, s29;
	[sflag:s19] =	ssyncset.done $0x0  }
0x91: {  	p1 =	sne.s32 s29, s12;
	s2 =	sshrl.u32 @!p0 s9, $0x3;
	[sflag:s19] =	ssyncadd.s32 $0xFFFFD900  }
0x92: {  	[hbm:s11], [sflag:s1] =	dma.local @!p0 [spmem:s2], $0x100  }
.Ltmp2:
0x93: {  	_ = 	snop;
	(pc) =	sbr.rel @p1 .LBB2_1-.Ltmp2, $4  }
0x94: {  	s1 =	simm.s32 @!p0 $0x3  }
0x95: {  	_ =	swait.ge @!p0 [sflag:s1], $0x100  }
0x96: {  	[sflag:s1] =	ssyncset.done @!p0 $0x0  }
0x97: {  	[sflag:s1] =	ssyncadd.s32 @!p0 $0xFFFFFF00  }
0x98: {  	_ =	sfence.sel $0x180000  }
0x99: {  	[bflag:$0x0] =	sbarrier.arrive $0xFFFF  }
0x9a: {  	_ =	strace $0x90000047  }
0x9b: {  	[bflag:$0x2] =	sbarrier.arrive $0xFFFF  }
0x9c: {  	s0 =	rddreg [dreg:$0x3]  }
0x9d: {  	s0 =	sadd.s32 @!p0 $0x100000, s0  }
0x9e: {  	[sflag:s0] =	ssyncadd.tile.s32 @!p0 $0x1;
	_ =	shalt  }
.Lfunc_end2:
_tile_overlayer_lowered:
.L_overlay_start_2:
0x9f: {  	(tag) =	ssettag $0x2  }
0xa0: {  	s0 =	rddreg [dreg:$0x0];
	s2 =	stileid.u32  }
0xa1: {  	s1 =	rddreg [dreg:$0x1];
	p0 =	sne.s32 s2, $0x0  }
0xa2: {  	s3 =	rddreg [dreg:$0x2];
	[bflag:$0x3] =	sbarrier.arrive $0xFFFF;
	s2 =	simm.s32 @!p0 $0x1C03  }
0xa3: {  	[timem:s3], [sflag:s2] =	dma.local @!p0 [hbm:s0], s1  }
0xa4: {  	s0 =	simm.s32 @!p0 $0x3  }
0xa5: {  	_ =	swait.ge @!p0 [sflag:s0], s1  }
0xa6: {  	s1 =	ssub.s32 @!p0 $0x0, s1;
	[sflag:s0] =	ssyncset.done @!p0 $0x0  }
0xa7: {  	[sflag:s0] =	ssyncadd.s32 @!p0 s1  }
0xa8: {  	[bflag:$0x3] =	sbarrier.arrive $0xFFFF  }
0xa9: {  	_ =	shalt  }

// kernel: kernel.14.cloned.1.call-start
scs
__scs_entry_jumppad:
0x0: {  	(pc) =	sbr.rel $0x88, $3  }
0x1: {  	(tag) =	ssettag $0x0;
	lr =	simm.s32 $0x1  }
0x2: {  	[smem:$0x3F9C] =	sst lr;
	_ =	strace $0xD0000000  }
0x3: {  	_ = 	snop  }
0x4: {  	_ = 	snop  }
0x5: {  	_ = 	snop  }
0x6: {  	_ = 	snop  }
0x7: {  	_ = 	snop  }
__scs_overlays_trampoline_lowered:
0x8: {  	[smem:$0x3FAB] =	sst s0  }
0x9: {  	[smem:$0x3FAC] =	sst s1  }
0xa: {  	[smem:$0x3FAD] =	sst s2  }
0xb: {  	[smem:$0x3FAE] =	sst s3  }
0xc: {  	[smem:$0x3FAF] =	sst s4  }
0xd: {  	[smem:$0x3FB0] =	sst s5  }
0xe: {  	[smem:$0x3FB1] =	sst s6  }
0xf: {  	[smem:$0x3FB2] =	sst s7  }
0x10: {  	[smem:$0x3FB3] =	sst s8  }
0x11: {  	[smem:$0x3FB4] =	sst s9;
	s0 =	simm.s32 @!p0 $0x0  }
0x12: {  	s1 =	sld [smem:$0x3F9A];
	s0 =	simm.s32 @p0 $0x1  }
0x13: {  	[smem:$0x3FB5] =	sst s0;
	s0 =	simm.s32 @!p1 $0x0  }
0x14: {  	s2 =	sld [smem:$0x3F99];
	s0 =	simm.s32 @p1 $0x1  }
0x15: {  	[smem:$0x3FB6] =	sst s0;
	s0 =	simm.s32 @!p2 $0x0  }
0x16: {  	s3 =	sld [smem:$0x3FDB];
	s0 =	simm.s32 @p2 $0x1  }
0x17: {  	s4 =	simm.s32 $0x1BF5;
	[smem:$0x3FB8] =	sst s0  }
0x18: {  	s0 =	sld [smem:$0x3F9B];
	_ =	swait.ge [sflag:s4], $0x0  }
0x19: {  	s7 =	sld [smem:$0x3F9C]  }
0x1a: {  	s8 =	sadd.s32 $0xFFFFE003, lr  }
0x1b: {  	s9 =	sadd.s32 $0xFFFFFEF7, lr;
	s5 =	simm.s32 $0xFFFFFFFF;
	p2 =	slt.u32 s8, $0xFFFFF086  }
0x1c: {  	p1 =	slt.u32 s9, $0xF7A;
	s5 =	simm.s32 @!p2 $0x0  }
0x1d: {  	s5 =	simm.s32 @p1 $0x1;
	p0 =	seq.s32 s7, s2  }
0x1e: {  	s7 =	smul.u32 @!p0 $0xF7A, s2;
	p2 =	seq.s32 @!p0 s5, $0x0  }
0x1f: {  	s9 =	smul.u32 $0xF7A, s1;
	s8 =	simm.s32 @!p0 $0x1BF5;
	p2 =	por !p2, p0  }
0x20: {  	[sflag:s8] =	ssyncset.s32 @!p0 $0xFFFFF086;
	s6 =	sadd.s32 @!p0 s3, s7;
	s7 =	simm.s32 @!p0 $0x108  }
0x21: {  	s3 =	sadd.s32 s3, s9;
	s6 =	sadd.s32 @!p0 $0x88, s6;
	s7 =	simm.s32 @p2 $0x1082  }
0x22: {  	[simem:s7], [sflag:s8] =	dma.local @!p0 [hbm:s6], $0xF7A  }
0x23: {  	s9 =	sor.u32 $0xD0000000, s2;
	s6 =	simm.s32 $0x108;
	_ =	swait.ge @!p0 [sflag:s8], $0x0  }
0x24: {  	s3 =	sadd.s32 $0x88, s3;
	s6 =	simm.s32 @!p1 $0x1082;
	[sflag:s4] =	ssyncset.s32 $0xFFFFF086  }
0x25: {  	[simem:s6], [sflag:s4] =	dma.local [hbm:s3], $0xF7A  }
0x26: {  	[smem:$0x3F9C] =	sst s1;
	(tag) =	ssettag s2;
	_ =	strace s9  }
0x27: {  	s1 =	sld [smem:$0x3FAC]  }
0x28: {  	s2 =	sld [smem:$0x3FAD]  }
0x29: {  	s4 =	sld [smem:$0x3FAF]  }
0x2a: {  	p0 =	seq.s32 s5, $0x0;
	s5 =	sld [smem:$0x3FB0]  }
0x2b: {  	s6 =	sld [smem:$0x3FB1]  }
0x2c: {  	s7 =	sld [smem:$0x3FB2]  }
0x2d: {  	s3 =	simm.s32 $0x108;
	s8 =	sld [smem:$0x3FB3]  }
0x2e: {  	s3 =	simm.s32 @!p0 $0x1082;
	s9 =	sld [smem:$0x3FB4]  }
0x2f: {  	lr =	sadd.s32 s0, s3;
	s0 =	sld [smem:$0x3FAB]  }
0x30: {  	s3 =	sld [smem:$0x3FAE]  }
0x31: {  	[smem:$0x3FB7] =	sst s10  }
0x32: {  	s10 =	sld [smem:$0x3FB5];
	_ =	sdelay $0x3  }
0x33: {  	p0 =	seq.s32 s10, $0x1;
	s10 =	sld [smem:$0x3FB7];
	_ =	sdelay $0x3  }
0x34: {  	[smem:$0x3FB7] =	sst s10  }
0x35: {  	s10 =	sld [smem:$0x3FB6];
	_ =	sdelay $0x3  }
0x36: {  	p1 =	seq.s32 s10, $0x1;
	s10 =	sld [smem:$0x3FB7];
	_ =	sdelay $0x3  }
0x37: {  	[smem:$0x3FB7] =	sst s10  }
0x38: {  	s10 =	sld [smem:$0x3FB8]  }
0x39: {  	_ = 	snop;
	(pc) =	sbr.ind lr, $3  }
0x3a: {  	_ = 	snop  }
0x3b: {  	_ = 	snop  }
0x3c: {  	p2 =	seq.s32 s10, $0x1;
	s10 =	sld [smem:$0x3FB7]  }
0x3d: {  	_ =	shalt  }
0x3e: {  	_ =	shalt  }
0x3f: {  	_ =	shalt  }
0x40: {  	_ =	shalt  }
0x41: {  	_ =	shalt  }
0x42: {  	_ =	shalt  }
0x43: {  	_ =	shalt  }
0x44: {  	_ =	shalt  }
0x45: {  	_ =	shalt  }
0x46: {  	_ =	shalt  }
0x47: {  	_ =	shalt  }
0x48: {  	_ =	shalt  }
0x49: {  	_ =	shalt  }
0x4a: {  	_ =	shalt  }
0x4b: {  	_ =	shalt  }
0x4c: {  	_ =	shalt  }
0x4d: {  	_ =	shalt  }
0x4e: {  	_ =	shalt  }
0x4f: {  	_ =	shalt  }
0x50: {  	_ =	shalt  }
0x51: {  	_ =	shalt  }
0x52: {  	_ =	shalt  }
0x53: {  	_ =	shalt  }
0x54: {  	_ =	shalt  }
0x55: {  	_ =	shalt  }
0x56: {  	_ =	shalt  }
0x57: {  	_ =	shalt  }
0x58: {  	_ =	shalt  }
0x59: {  	_ =	shalt  }
0x5a: {  	_ =	shalt  }
0x5b: {  	_ =	shalt  }
0x5c: {  	_ =	shalt  }
0x5d: {  	_ =	shalt  }
0x5e: {  	_ =	shalt  }
0x5f: {  	_ =	shalt  }
0x60: {  	_ =	shalt  }
0x61: {  	_ =	shalt  }
0x62: {  	_ =	shalt  }
0x63: {  	_ =	shalt  }
0x64: {  	_ =	shalt  }
0x65: {  	_ =	shalt  }
0x66: {  	_ =	shalt  }
0x67: {  	_ =	shalt  }
0x68: {  	_ =	shalt  }
0x69: {  	_ =	shalt  }
0x6a: {  	_ =	shalt  }
0x6b: {  	_ =	shalt  }
0x6c: {  	_ =	shalt  }
0x6d: {  	_ =	shalt  }
0x6e: {  	_ =	shalt  }
0x6f: {  	_ =	shalt  }
0x70: {  	_ =	shalt  }
0x71: {  	_ =	shalt  }
0x72: {  	_ =	shalt  }
0x73: {  	_ =	shalt  }
0x74: {  	_ =	shalt  }
0x75: {  	_ =	shalt  }
0x76: {  	_ =	shalt  }
0x77: {  	_ =	shalt  }
0x78: {  	_ =	shalt  }
0x79: {  	_ =	shalt  }
0x7a: {  	_ =	shalt  }
0x7b: {  	_ =	shalt  }
0x7c: {  	_ =	shalt  }
0x7d: {  	_ =	shalt  }
0x7e: {  	_ =	shalt  }
0x7f: {  	_ =	shalt  }
0x80: {  	_ =	shalt  }
0x81: {  	_ =	shalt  }
0x82: {  	_ =	shalt  }
0x83: {  	_ =	shalt  }
0x84: {  	_ =	shalt  }
0x85: {  	_ =	shalt  }
0x86: {  	_ =	shalt  }
0x87: {  	_ =	shalt  }
.Lfunc_end0:
.L_simem_size_0:
called_computation.2_lowered:
.L_overlay_start_0:
0x88: {  	s2 =	sld [smem:$0x3FD9]  }
0x89: {  	s3 =	sld [smem:$0x3FFE];
	_ =	sdelay $0x1  }
0x8a: {  	s1 =	srdreg.scid  }
0x8b: {  	s0 =	sand.u32 $0x1, s1  }
0x8c: {  	s17 =	sshll.u32 s0, $0xA;
	s2 =	sadd.s32 s3, s2  }
0x8d: {  	s2 =	sadd.s32 s2, s17  }
0x8e: {  	[smem:$0x3FC3] =	sst s2  }
0x8f: {  	_ = 	snop  }
0x90: {  	(tm) =	ssettm $0x1  }
0x91: {  	s18 =	sld [smem:$0x3FFB];
	_ =	sdelay $0x3  }
0x92: {  	_ =	strace s18  }
0x93: {  	s2 =	sld [smem:$0x3FFC];
	_ =	sdelay $0x3  }
0x94: {  	_ =	strace s2  }
0x95: {  	s2 =	sld [smem:$0x3FFD];
	_ =	sdelay $0x3  }
0x96: {  	_ =	strace s2  }
0x97: {  	_ =	strace $0x8FFFFFFF  }
0x98: {  	s19 =	sld [smem:$0x3FDB];
	_ =	sdelay $0x1  }
0x99: {  	s20 =	simm.s32 $_scs_section_size  }
0x9a: {  	s4 =	simm.s32 $_size__tile_overlayer_lowered;
	s5 =	simm.s32 $_tile_overlayer_lowered  }
0x9b: {  	s6 =	simm.s32 $0x1BFF;
	s21 =	sshll.u32 s5, $0x1;
	s3 =	sadd.s32 s20, s19  }
0x9c: {  	s22 =	simm.s32 $0x0;
	s4 =	sshll.u32 s4, $0x1;
	s5 =	sadd.s32 s21, s3  }
0x9d: {  	[timem:s22], [sflag:s6] =	dma.local [hbm:s5], s4  }
0x9e: {  	_ =	swait.ge [sflag:s6], s4  }
0x9f: {  	s4 =	ssub.s32 $0x0, s4;
	[sflag:s6] =	ssyncset.done $0x0  }
0xa0: {  	[sflag:s6] =	ssyncadd.s32 s4;
	_ =	sdelay $0x1  }
0xa1: {  	s23 =	simm.s32 $0x1B8B  }
0xa2: {  	_ =	swait.ge [sflag:s23], $0x1  }
0xa3: {  	[sflag:s23] =	ssyncset.done $0x0  }
0xa4: {  	[sflag:s23] =	ssyncadd.s32 $0xFFFFFFFF  }
0xa5: {  	s4 =	sld [smem:$0x0]  }
0xa6: {  	s5 =	sand.u32 $0xFFFFFFFE, s1  }
0xa7: {  	p0 =	sne.s32 s1, s5  }
0xa8: {  	s5 =	sshll.u32 @p0 s5, $0xE  }
0xa9: {  	s5 =	sadd.s32 @p0 $0x11B8D, s5;
	s6 =	sshll.u32 @p0 s4, $0x11  }
0xaa: {  	s5 =	sor.u32 @p0 s6, s5  }
0xab: {  	[sflag:s5] =	ssyncadd.remote.s32 @p0 $0x1;
	_ =	sdelay $0x1  }
0xac: {  	s5 =	simm.s32 @p0 $0x1B8D  }
0xad: {  	_ =	swait.eq @p0 [sflag:s5], $0x1  }
0xae: {  	[sflag:s5] =	ssyncadd.s32 @p0 $0xFFFFFFFF  }
0xaf: {  	s6 =	sshll.u32 @!p0 s1, $0xE  }
0xb0: {  	s6 =	sor.u32 @!p0 $0x4000, s6;
	s5 =	simm.s32 @!p0 $0x1B8D  }
0xb1: {  	s4 =	sshll.u32 @!p0 s4, $0x11;
	s6 =	sadd.s32 @!p0 $0x11B8D, s6;
	_ =	swait.eq @!p0 [sflag:s5], $0x1  }
0xb2: {  	s4 =	sor.u32 @!p0 s4, s6;
	[sflag:s5] =	ssyncadd.s32 @!p0 $0xFFFFFFFF  }
0xb3: {  	s25 =	simm.s32 $0x1B8E;
	s24 =	sld [smem:$0x3FFE];
	[sflag:s4] =	ssyncadd.remote.s32 @!p0 $0x1  }
0xb4: {  	s26 =	simm.s32 $execute0_lowered;
	[smem:$0x3FD2] =	sst s25  }
0xb5: {  	s5 =	sshll.u32 s26, $0x1;
	_ =	strace $0x8000004C;
	[dreg:$0x1] =	wrdreg $0xFFFFFFFF  }
0xb6: {  	s28 =	simm.s32 $_size_execute0_lowered;
	s3 =	sadd.s32 s3, s5;
	[dreg:$0x0] =	wrdreg $0x0  }
0xb7: {  	s5 =	sshll.u32 s28, $0x1;
	[dreg:$0x2] =	wrdreg s3  }
0xb8: {  	[dreg:$0x3] =	wrdreg s5  }
0xb9: {  	[dreg:$0x4] =	wrdreg $0xC0  }
0xba: {  	_ =	task [dreg:s22], $0x5FFFF  }
0xbb: {  	[dreg:$0x1] =	wrdreg $0xFFFFFFFF  }
0xbc: {  	[dreg:$0x0] =	wrdreg $0x60  }
0xbd: {  	[dreg:$0x2] =	wrdreg s24  }
0xbe: {  	[dreg:$0x3] =	wrdreg $0xB7800  }
0xbf: {  	[dreg:$0x4] =	wrdreg $0xA  }
0xc0: {  	_ =	task.clear_ibuf [dreg:s22], $0x5FFFF;
	_ =	strace $0x9000004C  }
0xc1: {  	s29 =	simm.s32 $0xA;
	_ =	strace $0x8000004E  }
0xc2: {  	_ =	swait.ge [sflag:s29], $0x1  }
0xc3: {  	[sflag:s29] =	ssyncadd.s32 $0xFFFFFFFF  }
0xc4: {  	_ =	strace $0x9000004E  }
0xc5: {  	_ =	sfence  }
0xc6: {  	s30 =	sld [smem:$0x0];
	_ =	sdelay $0x2  }
0xc7: {  	s31 =	sshll.u32 s1, $0xD;
	s1 =	sshrl.u32 s1, $0x2  }
0xc8: {  	s4 =	sand.u32 $0x4000, s31;
	s1 =	sadd.s32 s1, s30  }
0xc9: {  	s0 =	sor.u32 s4, s0;
	s1 =	sshll.u32 s1, $0x11  }
0xca: {  	s0 =	sor.u32 s1, s0  }
0xcb: {  	s0 =	sadd.s32 $0x8F2B, s0  }
0xcc: {  	[sflag:s0] =	ssyncadd.remote.s32 $0x1  }
0xcd: {  	_ =	sfence.sel $0xFFFF  }
0xce: {  	[dreg:$0x0] =	wrdreg $0xFFFFFFFF;
	(pc) =	sbr.abs _section_cstart, $3  }
0xcf: {  	[dreg:$0x1] =	wrdreg $0xFFFFFFFF  }
0xd0: {  	_ =	task.clear_ibuf [dreg:s22], $0x2FFFF;
	_ =	strace $0x9FFFFFFF  }
0xd1: {  	(tm) =	ssettm $0x7FFFFFFF  }
tec
execute0_lowered:
.L_overlay_start_1:
0x0: {  	(tag) =	ssettag $0x1  }
0x1: {  	s1 =	srdreg.scid  }
0x2: {  	s0 =	stileid.u32;
	s5 =	rddreg [dreg:$0x0]  }
0x3: {  	s2 =	rddreg [dreg:$0x1];
	s19 =	simm.s32 $0x3;
	s21 =	simm.s32 $0x6780  }
0x4: {  	s22 =	simm.s32 $0x50;
	s23 =	simm.s32 $0x8F80;
	s24 =	simm.s32 $0x1  }
0x5: {  	s28 =	simm.s32 $0x6580;
	s29 =	simm.s32 $0x0;
	s1 =	sand.u32 $0x1, s1  }
0x6: {  	s3 =	sshll.u32 s0, $0x1;
	s4 =	sadd.s32 $0x2800, s5;
	s9 =	smul.u32 $0x4E000, s0  }
0x7: {  	s11 =	sadd.s32 $0x85000, s5;
	s25 =	smul.u32 $0x13800, s0;
	s6 =	sor.u32 s1, s3  }
0x8: {  	s3 =	simm.s32 $0x0;
	s8 =	ssub.s32 $0x2, s1;
	s1 =	smul.u32 $0x138800, s1  }
0x9: {  	p0 =	sne.s32 s0, $0x0;
	s7 =	smul.u32 $0x4F0, s6;
	[smem:$0x7FF] =	sst s3  }
0xa: {  	s6 =	sshll.u32 s6, $0xB;
	s10 =	sshrl.u32 s8, $0x1;
	s26 =	sshrl.u32 s9, $0x2  }
0xb: {  	s9 =	sadd.s32 $0x138000, s2;
	_ =	strace $0x8000004D;
	s6 =	sadd.s32 s6, s5  }
0xc: {  	s12 =	ssub.s32 s8, s10;
	s30 =	sadd.s32 s25, s1;
	s1 =	sshrl.u32 s1, $0x3  }
0xd: {  	s25 =	simm.s32 $0x2;
	s7 =	sadd.s32 s7, s5;
	s6 =	sadd.s32 $0x6A800, s6  }
0xe: {  	s31 =	sshrl.u32 s30, $0x3;
	s1 =	sadd.s32 s11, s1;
	s12 =	smax.u32 s12, $0x1  }
0xf: {  	s5 =	sadd.s32 $0x7B200, s7;
	s7 =	sadd.s32 s26, s2;
	s10 =	sadd.s32 s11, s31  }
0x10: {  	s11 =	sadd.s32 $0x27000, s1;
	s26 =	simm.s32 $0x26C0;
	s8 =	sadd.s32 $0x11800, s7  }
0x11: {  	s13 =	sadd.s32 $0x2800, s7;
	s14 =	sadd.s32 $0x5000, s7;
	s15 =	sadd.s32 $0x7800, s7  }
0x12: {  	v0 =	vimm.f32 $0.0e+00;
	s16 =	sadd.s32 $0xA000, s7;
	s17 =	sadd.s32 $0xC800, s7;
	s18 =	sadd.s32 $0xF000, s7  }
.LBB2_1:
0x13: {  	[tilespmem:s3], [sflag:$0x3] =	stream.linear.gather [hbm4b:s5+s3], $0x2780, $0x38;
	[tilespmem:$0x1F000] =	vst v63  }
0x14: {  	_ =	swait.ge [sflag:s19], $0x2780  }
0x15: {  	[sflag:s19] =	ssyncset.done $0x0  }
0x16: {  	s0 =	simm.s32 $0x2780;
	[sflag:s19] =	ssyncadd.s32 $0xFFFFD880  }
0x17: {  	[tilespmem:s0], [sflag:$0x3] =	stream.linear.gather [hbm4b:s6+s3], $0x3E80, $0x38;
	[tilespmem:$0x1F000] =	vst v63  }
0x18: {  	_ =	swait.ge [sflag:s19], $0x3E80  }
0x19: {  	[sflag:s19] =	ssyncset.done $0x0  }
0x1a: {  	s30 =	simm.s32 $0x0;
	s31 =	simm.s32 $0x200;
	[sflag:s19] =	ssyncadd.s32 $0xFFFFC180  }
.LBB2_2:
0x1b: {  	p1 =	sne.s32 s31, $0x9E00;
	[tilespmem:s30+$0x67F0] =	vst v0  }
0x1c: {  	[tilespmem:s30+$0x6780] =	vst v0  }
0x1d: {  	[tilespmem:s30+$0x6790] =	vst v0  }
.Ltmp0:
0x1e: {  	[tilespmem:s30+$0x67A0] =	vst v0;
	(pc) =	sbr.rel @p1 .LBB2_2-.Ltmp0, $4  }
0x1f: {  	[tilespmem:s30+$0x67B0] =	vst v0  }
0x20: {  	[tilespmem:s30+$0x67C0] =	vst v0  }
0x21: {  	[tilespmem:s30+$0x67D0] =	vst v0  }
0x22: {  	[tilespmem:s30+$0x67E0] =	vst v0;
	s30 =	sshra.s32 s31, $0x2;
	s31 =	sadd.s32 $0x200, s31  }
0x23: {  	[tilespmem:s30+$0x67F0] =	vst v0  }
0x24: {  	[tilespmem:s30+$0x6780] =	vst v0  }
0x25: {  	[tilespmem:s30+$0x6790] =	vst v0  }
0x26: {  	[tilespmem:s30+$0x67A0] =	vst v0  }
0x27: {  	[tilespmem:s30+$0x67B0] =	vst v0  }
0x28: {  	[tilespmem:s30+$0x67C0] =	vst v0  }
0x29: {  	[tilespmem:s30+$0x67D0] =	vst v0  }
0x2a: {  	[tilespmem:s30+$0x67E0] =	vst v0  }
0x2b: {  	[spmem:s7] =	stream.linear.scatter [tilespmem:s21], [sflag:$0x3], $0x2800, $0x38;
	[tilespmem:$0x1F000] =	vst v63  }
0x2c: {  	_ =	swait.ge [sflag:s19], $0x2800  }
0x2d: {  	[sflag:s19] =	ssyncset.done $0x0  }
0x2e: {  	[sflag:s19] =	ssyncadd.s32 $0xFFFFD800  }
0x2f: {  	[spmem:s13] =	stream.linear.scatter [tilespmem:s21], [sflag:$0x3], $0x2800, $0x38;
	[tilespmem:$0x1F000] =	vst v63  }
0x30: {  	_ =	swait.ge [sflag:s19], $0x2800  }
0x31: {  	[sflag:s19] =	ssyncset.done $0x0  }
0x32: {  	[sflag:s19] =	ssyncadd.s32 $0xFFFFD800  }
0x33: {  	[spmem:s14] =	stream.linear.scatter [tilespmem:s21], [sflag:$0x3], $0x2800, $0x38;
	[tilespmem:$0x1F000] =	vst v63  }
0x34: {  	_ =	swait.ge [sflag:s19], $0x2800  }
0x35: {  	[sflag:s19] =	ssyncset.done $0x0  }
0x36: {  	[sflag:s19] =	ssyncadd.s32 $0xFFFFD800  }
0x37: {  	[spmem:s15] =	stream.linear.scatter [tilespmem:s21], [sflag:$0x3], $0x2800, $0x38;
	[tilespmem:$0x1F000] =	vst v63  }
0x38: {  	_ =	swait.ge [sflag:s19], $0x2800  }
0x39: {  	[sflag:s19] =	ssyncset.done $0x0  }
0x3a: {  	[sflag:s19] =	ssyncadd.s32 $0xFFFFD800  }
0x3b: {  	[spmem:s16] =	stream.linear.scatter [tilespmem:s21], [sflag:$0x3], $0x2800, $0x38;
	[tilespmem:$0x1F000] =	vst v63  }
0x3c: {  	_ =	swait.ge [sflag:s19], $0x2800  }
0x3d: {  	[sflag:s19] =	ssyncset.done $0x0  }
0x3e: {  	[sflag:s19] =	ssyncadd.s32 $0xFFFFD800  }
0x3f: {  	[spmem:s17] =	stream.linear.scatter [tilespmem:s21], [sflag:$0x3], $0x2800, $0x38;
	[tilespmem:$0x1F000] =	vst v63  }
0x40: {  	_ =	swait.ge [sflag:s19], $0x2800  }
0x41: {  	[sflag:s19] =	ssyncset.done $0x0  }
0x42: {  	[sflag:s19] =	ssyncadd.s32 $0xFFFFD800  }
0x43: {  	[spmem:s18] =	stream.linear.scatter [tilespmem:s21], [sflag:$0x3], $0x2800, $0x38;
	[tilespmem:$0x1F000] =	vst v63  }
0x44: {  	_ =	swait.ge [sflag:s19], $0x2800  }
0x45: {  	[sflag:s19] =	ssyncset.done $0x0  }
0x46: {  	[sflag:s19] =	ssyncadd.s32 $0xFFFFD800  }
0x47: {  	[spmem:s8] =	stream.linear.scatter [tilespmem:s21], [sflag:$0x3], $0x2000, $0x38;
	[tilespmem:$0x1F000] =	vst v63  }
0x48: {  	_ =	swait.ge [sflag:s19], $0x2000  }
0x49: {  	[sflag:s19] =	ssyncset.done $0x0  }
0x4a: {  	s1 =	simm.s32 @!p0 $0x6780;
	[sflag:s19] =	ssyncadd.s32 $0xFFFFE000  }
0x4b: {  	[spmem:s9] =	stream.linear.scatter @!p0 [tilespmem:s1], [sflag:$0x3], $0x800, $0x38;
	[tilespmem:$0x1F000] =	vst v63  }
0x4c: {  	s1 =	simm.s32 @!p0 $0x3  }
0x4d: {  	_ =	swait.ge @!p0 [sflag:s1], $0x800  }
0x4e: {  	[sflag:s1] =	ssyncset.done @!p0 $0x0  }
0x4f: {  	[sflag:s1] =	ssyncadd.s32 @!p0 $0xFFFFF800  }
0x50: {  	s0 =	simm.s32 $0x0;
	[bflag:$0x0] =	sbarrier.arrive $0xFFFF  }
0x51: {  	[tilespmem:s21], [sflag:$0x1] =	stream.indirect.gather [hbm4b:s4+s22], $0x80, s0, s22, $0xb8;
	[tilespmem:$0x1F000] =	vst v63  }
0x52: {  	s20 =	simm.s32 $0x50  }
0x53: {  	[tilespmem:s23], [sflag:$0x2] =	stream.indirect.gather [hbm4b:s4+s22], $0x80, s20, s22, $0xb8;
	[tilespmem:$0x1F000] =	vst v63  }
0x54: {  	_ =	swait.ge [sflag:s24], $0x2800  }
0x55: {  	[sflag:s24] =	ssyncset.done $0x0  }
0x56: {  	s0 =	simm.s32 $0x2780;
	[sflag:s24] =	ssyncadd.s32 $0xFFFFD800  }
0x57: {  	[spmem:s2] =	stream.indirect.scatter.add.f32 [tilespmem:s21], [sflag:$0x3], $0x80, s0, s22, $0xb8;
	[tilespmem:$0x1F000] =	vst v63  }
0x58: {  	_ =	swait.ge [sflag:s19], $0x2800  }
0x59: {  	[sflag:s19] =	ssyncset.done $0x0  }
0x5a: {  	[sflag:s19] =	ssyncadd.s32 $0xFFFFD800  }
0x5b: {  	_ =	swait.ge [sflag:s25], $0x2800  }
0x5c: {  	[sflag:s25] =	ssyncset.done $0x0  }
0x5d: {  	s20 =	simm.s32 $0x2800;
	[sflag:s25] =	ssyncadd.s32 $0xFFFFD800  }
0x5e: {  	[spmem:s2] =	stream.indirect.scatter.add.f32 [tilespmem:s23], [sflag:$0x3], $0x80, s20, s22, $0xb8;
	[tilespmem:$0x1F000] =	vst v63  }
0x5f: {  	s31 =	simm.s32 $0x280;
	_ =	swait.ge [sflag:s19], $0x2800  }
0x60: {  	s30 =	simm.s32 $0x2880;
	s1 =	simm.s32 $0x500;
	[sflag:s19] =	ssyncset.done $0x0  }
.LBB2_4:
0x61: {  	s0 =	sshra.s32 s31, $0x2  }
0x62: {  	[sflag:s19] =	ssyncadd.s32 $0xFFFFD800;
	s31 =	smov.u32 s1;
	s20 =	sadd.s32 $0x280, s1  }
0x63: {  	[tilespmem:s21], [sflag:$0x1] =	stream.indirect.gather [hbm4b:s4+s22], $0x80, s0, s22, $0xb8;
	[tilespmem:$0x1F000] =	vst v63  }
0x64: {  	p1 =	sne.s32 s1, $0x9880;
	s0 =	sadd.s32 $0x50, s0  }
0x65: {  	[tilespmem:s23], [sflag:$0x2] =	stream.indirect.gather [hbm4b:s4+s22], $0x80, s0, s22, $0xb8;
	[tilespmem:$0x1F000] =	vst v63  }
0x66: {  	_ =	swait.ge [sflag:s24], $0x2800  }
0x67: {  	[sflag:s24] =	ssyncset.done $0x0  }
0x68: {  	[sflag:s24] =	ssyncadd.s32 $0xFFFFD800  }
0x69: {  	[spmem:s2] =	stream.indirect.scatter.add.f32 [tilespmem:s21], [sflag:$0x3], $0x80, s30, s22, $0xb8;
	[tilespmem:$0x1F000] =	vst v63  }
0x6a: {  	_ =	swait.ge [sflag:s19], $0x2800  }
0x6b: {  	[sflag:s19] =	ssyncset.done $0x0  }
0x6c: {  	[sflag:s19] =	ssyncadd.s32 $0xFFFFD800  }
0x6d: {  	_ =	swait.ge [sflag:s25], $0x2800  }
.Ltmp1:
0x6e: {  	[sflag:s25] =	ssyncset.done $0x0;
	(pc) =	sbr.rel @p1 .LBB2_4-.Ltmp1, $4  }
0x6f: {  	s0 =	sadd.s32 $0x80, s30;
	[sflag:s25] =	ssyncadd.s32 $0xFFFFD800  }
0x70: {  	[spmem:s2] =	stream.indirect.scatter.add.f32 [tilespmem:s23], [sflag:$0x3], $0x80, s0, s22, $0xb8;
	[tilespmem:$0x1F000] =	vst v63  }
0x71: {  	_ =	swait.ge [sflag:s19], $0x2800  }
0x72: {  	s1 =	smov.u32 s20;
	s30 =	sadd.s32 $0x100, s30;
	[sflag:s19] =	ssyncset.done $0x0  }
0x73: {  	s0 =	sshra.s32 s31, $0x2;
	[sflag:s19] =	ssyncadd.s32 $0xFFFFD800  }
0x74: {  	[tilespmem:s21], [sflag:$0x1] =	stream.indirect.gather [hbm4b:s4+s22], $0x80, s0, s22, $0xb8;
	[tilespmem:$0x1F000] =	vst v63  }
0x75: {  	s0 =	sadd.s32 $0x50, s0  }
0x76: {  	[tilespmem:s23], [sflag:$0x2] =	stream.indirect.gather [hbm4b:s4+s22], $0x80, s0, s22, $0xb8;
	[tilespmem:$0x1F000] =	vst v63  }
0x77: {  	_ =	swait.ge [sflag:s24], $0x2800  }
0x78: {  	[sflag:s24] =	ssyncset.done $0x0  }
0x79: {  	[sflag:s24] =	ssyncadd.s32 $0xFFFFD800  }
0x7a: {  	[spmem:s2] =	stream.indirect.scatter.add.f32 [tilespmem:s21], [sflag:$0x3], $0x80, s30, s22, $0xb8;
	[tilespmem:$0x1F000] =	vst v63  }
0x7b: {  	_ =	swait.ge [sflag:s19], $0x2800  }
0x7c: {  	[sflag:s19] =	ssyncset.done $0x0  }
0x7d: {  	[sflag:s19] =	ssyncadd.s32 $0xFFFFD800  }
0x7e: {  	_ =	swait.ge [sflag:s25], $0x2800  }
0x7f: {  	[sflag:s25] =	ssyncset.done $0x0  }
0x80: {  	s30 =	sadd.s32 $0x80, s30;
	[sflag:s25] =	ssyncadd.s32 $0xFFFFD800  }
0x81: {  	[spmem:s2] =	stream.indirect.scatter.add.f32 [tilespmem:s23], [sflag:$0x3], $0x80, s30, s22, $0xb8;
	[tilespmem:$0x1F000] =	vst v63  }
0x82: {  	_ =	swait.ge [sflag:s19], $0x2800  }
0x83: {  	[sflag:s19] =	ssyncset.done $0x0  }
0x84: {  	[sflag:s19] =	ssyncadd.s32 $0xFFFFD800  }
0x85: {  	[tilespmem:s21], [sflag:$0x1] =	stream.indirect.gather [hbm4b:s4+s22], $0x80, s26, s22, $0xb8;
	[tilespmem:$0x1F000] =	vst v63  }
0x86: {  	_ =	swait.ge [sflag:s24], $0x2800  }
0x87: {  	[sflag:s24] =	ssyncset.done $0x0  }
0x88: {  	[sflag:s24] =	ssyncadd.s32 $0xFFFFD800  }
0x89: {  	[spmem:s2] =	stream.indirect.scatter.add.f32 [tilespmem:s21], [sflag:$0x3], $0x80, s28, s22, $0xb8;
	[tilespmem:$0x1F000] =	vst v63  }
0x8a: {  	_ =	swait.ge [sflag:s19], $0x2800  }
0x8b: {  	s31 =	stileid.u32;
	[sflag:s19] =	ssyncset.done $0x0  }
0x8c: {  	s0 =	sshll.u32 s31, $0x6;
	[sflag:s19] =	ssyncadd.s32 $0xFFFFD800  }
0x8d: {  	s1 =	sshrl.u32 s7, $0x3;
	s0 =	sor.u32 $0x1C03, s0;
	[bflag:$0x0] =	sbarrier.arrive $0xFFFF  }
0x8e: {  	[hbm:s10], [sflag:s0] =	dma.local [spmem:s1], $0x2700  }
0x8f: {  	_ =	swait.ge [sflag:s19], $0x2700  }
0x90: {  	s29 =	sadd.s32 $0x1, s29;
	[sflag:s19] =	ssyncset.done $0x0  }
0x91: {  	p1 =	sne.s32 s29, s12;
	s1 =	sshrl.u32 @!p0 s9, $0x3;
	[sflag:s19] =	ssyncadd.s32 $0xFFFFD900  }
0x92: {  	[hbm:s11], [sflag:s0] =	dma.local @!p0 [spmem:s1], $0x100  }
.Ltmp2:
0x93: {  	_ = 	snop;
	(pc) =	sbr.rel @p1 .LBB2_1-.Ltmp2, $4  }
0x94: {  	s0 =	simm.s32 @!p0 $0x3  }
0x95: {  	_ =	swait.ge @!p0 [sflag:s0], $0x100  }
0x96: {  	[sflag:s0] =	ssyncset.done @!p0 $0x0  }
0x97: {  	[sflag:s0] =	ssyncadd.s32 @!p0 $0xFFFFFF00  }
0x98: {  	_ =	sfence.sel $0x180000  }
0x99: {  	[bflag:$0x0] =	sbarrier.arrive $0xFFFF  }
0x9a: {  	_ =	strace $0x9000004D  }
0x9b: {  	[bflag:$0x2] =	sbarrier.arrive $0xFFFF  }
0x9c: {  	s0 =	rddreg [dreg:$0x2]  }
0x9d: {  	s0 =	sadd.s32 @!p0 $0x100000, s0  }
0x9e: {  	[sflag:s0] =	ssyncadd.tile.s32 @!p0 $0x1;
	_ =	shalt  }
.Lfunc_end2:
_tile_overlayer_lowered:
.L_overlay_start_2:
0x9f: {  	(tag) =	ssettag $0x2  }
0xa0: {  	s0 =	rddreg [dreg:$0x0];
	s2 =	stileid.u32  }
0xa1: {  	s1 =	rddreg [dreg:$0x1];
	p0 =	sne.s32 s2, $0x0  }
0xa2: {  	s3 =	rddreg [dreg:$0x2];
	[bflag:$0x3] =	sbarrier.arrive $0xFFFF;
	s2 =	simm.s32 @!p0 $0x1C03  }
0xa3: {  	[timem:s3], [sflag:s2] =	dma.local @!p0 [hbm:s0], s1  }
0xa4: {  	s0 =	simm.s32 @!p0 $0x3  }
0xa5: {  	_ =	swait.ge @!p0 [sflag:s0], s1  }
0xa6: {  	s1 =	ssub.s32 @!p0 $0x0, s1;
	[sflag:s0] =	ssyncset.done @!p0 $0x0  }
0xa7: {  	[sflag:s0] =	ssyncadd.s32 @!p0 s1  }
0xa8: {  	[bflag:$0x3] =	sbarrier.arrive $0xFFFF  }
0xa9: {  	_ =	shalt  }

// kernel: kernel.8.cloned.1.call-start
scs
__scs_entry_jumppad:
0x0: {  	(pc) =	sbr.rel $0x88, $3  }
0x1: {  	(tag) =	ssettag $0x0;
	lr =	simm.s32 $0x1  }
0x2: {  	[smem:$0x3F9C] =	sst lr;
	_ =	strace $0xD0000000  }
0x3: {  	_ = 	snop  }
0x4: {  	_ = 	snop  }
0x5: {  	_ = 	snop  }
0x6: {  	_ = 	snop  }
0x7: {  	_ = 	snop  }
__scs_overlays_trampoline_lowered:
0x8: {  	[smem:$0x3FAB] =	sst s0  }
0x9: {  	[smem:$0x3FAC] =	sst s1  }
0xa: {  	[smem:$0x3FAD] =	sst s2  }
0xb: {  	[smem:$0x3FAE] =	sst s3  }
0xc: {  	[smem:$0x3FAF] =	sst s4  }
0xd: {  	[smem:$0x3FB0] =	sst s5  }
0xe: {  	[smem:$0x3FB1] =	sst s6  }
0xf: {  	[smem:$0x3FB2] =	sst s7  }
0x10: {  	[smem:$0x3FB3] =	sst s8  }
0x11: {  	[smem:$0x3FB4] =	sst s9;
	s0 =	simm.s32 @!p0 $0x0  }
0x12: {  	s1 =	sld [smem:$0x3F9A];
	s0 =	simm.s32 @p0 $0x1  }
0x13: {  	[smem:$0x3FB5] =	sst s0;
	s0 =	simm.s32 @!p1 $0x0  }
0x14: {  	s2 =	sld [smem:$0x3F99];
	s0 =	simm.s32 @p1 $0x1  }
0x15: {  	[smem:$0x3FB6] =	sst s0;
	s0 =	simm.s32 @!p2 $0x0  }
0x16: {  	s3 =	sld [smem:$0x3FDB];
	s0 =	simm.s32 @p2 $0x1  }
0x17: {  	s4 =	simm.s32 $0x1BF5;
	[smem:$0x3FB8] =	sst s0  }
0x18: {  	s0 =	sld [smem:$0x3F9B];
	_ =	swait.ge [sflag:s4], $0x0  }
0x19: {  	s7 =	sld [smem:$0x3F9C]  }
0x1a: {  	s8 =	sadd.s32 $0xFFFFE003, lr  }
0x1b: {  	s9 =	sadd.s32 $0xFFFFFEF7, lr;
	s5 =	simm.s32 $0xFFFFFFFF;
	p2 =	slt.u32 s8, $0xFFFFF086  }
0x1c: {  	p1 =	slt.u32 s9, $0xF7A;
	s5 =	simm.s32 @!p2 $0x0  }
0x1d: {  	s5 =	simm.s32 @p1 $0x1;
	p0 =	seq.s32 s7, s2  }
0x1e: {  	s7 =	smul.u32 @!p0 $0xF7A, s2;
	p2 =	seq.s32 @!p0 s5, $0x0  }
0x1f: {  	s9 =	smul.u32 $0xF7A, s1;
	s8 =	simm.s32 @!p0 $0x1BF5;
	p2 =	por !p2, p0  }
0x20: {  	[sflag:s8] =	ssyncset.s32 @!p0 $0xFFFFF086;
	s6 =	sadd.s32 @!p0 s3, s7;
	s7 =	simm.s32 @!p0 $0x108  }
0x21: {  	s3 =	sadd.s32 s3, s9;
	s6 =	sadd.s32 @!p0 $0x88, s6;
	s7 =	simm.s32 @p2 $0x1082  }
0x22: {  	[simem:s7], [sflag:s8] =	dma.local @!p0 [hbm:s6], $0xF7A  }
0x23: {  	s9 =	sor.u32 $0xD0000000, s2;
	s6 =	simm.s32 $0x108;
	_ =	swait.ge @!p0 [sflag:s8], $0x0  }
0x24: {  	s3 =	sadd.s32 $0x88, s3;
	s6 =	simm.s32 @!p1 $0x1082;
	[sflag:s4] =	ssyncset.s32 $0xFFFFF086  }
0x25: {  	[simem:s6], [sflag:s4] =	dma.local [hbm:s3], $0xF7A  }
0x26: {  	[smem:$0x3F9C] =	sst s1;
	(tag) =	ssettag s2;
	_ =	strace s9  }
0x27: {  	s1 =	sld [smem:$0x3FAC]  }
0x28: {  	s2 =	sld [smem:$0x3FAD]  }
0x29: {  	s4 =	sld [smem:$0x3FAF]  }
0x2a: {  	p0 =	seq.s32 s5, $0x0;
	s5 =	sld [smem:$0x3FB0]  }
0x2b: {  	s6 =	sld [smem:$0x3FB1]  }
0x2c: {  	s7 =	sld [smem:$0x3FB2]  }
0x2d: {  	s3 =	simm.s32 $0x108;
	s8 =	sld [smem:$0x3FB3]  }
0x2e: {  	s3 =	simm.s32 @!p0 $0x1082;
	s9 =	sld [smem:$0x3FB4]  }
0x2f: {  	lr =	sadd.s32 s0, s3;
	s0 =	sld [smem:$0x3FAB]  }
0x30: {  	s3 =	sld [smem:$0x3FAE]  }
0x31: {  	[smem:$0x3FB7] =	sst s10  }
0x32: {  	s10 =	sld [smem:$0x3FB5];
	_ =	sdelay $0x3  }
0x33: {  	p0 =	seq.s32 s10, $0x1;
	s10 =	sld [smem:$0x3FB7];
	_ =	sdelay $0x3  }
0x34: {  	[smem:$0x3FB7] =	sst s10  }
0x35: {  	s10 =	sld [smem:$0x3FB6];
	_ =	sdelay $0x3  }
0x36: {  	p1 =	seq.s32 s10, $0x1;
	s10 =	sld [smem:$0x3FB7];
	_ =	sdelay $0x3  }
0x37: {  	[smem:$0x3FB7] =	sst s10  }
0x38: {  	s10 =	sld [smem:$0x3FB8]  }
0x39: {  	_ = 	snop;
	(pc) =	sbr.ind lr, $3  }
0x3a: {  	_ = 	snop  }
0x3b: {  	_ = 	snop  }
0x3c: {  	p2 =	seq.s32 s10, $0x1;
	s10 =	sld [smem:$0x3FB7]  }
0x3d: {  	_ =	shalt  }
0x3e: {  	_ =	shalt  }
0x3f: {  	_ =	shalt  }
0x40: {  	_ =	shalt  }
0x41: {  	_ =	shalt  }
0x42: {  	_ =	shalt  }
0x43: {  	_ =	shalt  }
0x44: {  	_ =	shalt  }
0x45: {  	_ =	shalt  }
0x46: {  	_ =	shalt  }
0x47: {  	_ =	shalt  }
0x48: {  	_ =	shalt  }
0x49: {  	_ =	shalt  }
0x4a: {  	_ =	shalt  }
0x4b: {  	_ =	shalt  }
0x4c: {  	_ =	shalt  }
0x4d: {  	_ =	shalt  }
0x4e: {  	_ =	shalt  }
0x4f: {  	_ =	shalt  }
0x50: {  	_ =	shalt  }
0x51: {  	_ =	shalt  }
0x52: {  	_ =	shalt  }
0x53: {  	_ =	shalt  }
0x54: {  	_ =	shalt  }
0x55: {  	_ =	shalt  }
0x56: {  	_ =	shalt  }
0x57: {  	_ =	shalt  }
0x58: {  	_ =	shalt  }
0x59: {  	_ =	shalt  }
0x5a: {  	_ =	shalt  }
0x5b: {  	_ =	shalt  }
0x5c: {  	_ =	shalt  }
0x5d: {  	_ =	shalt  }
0x5e: {  	_ =	shalt  }
0x5f: {  	_ =	shalt  }
0x60: {  	_ =	shalt  }
0x61: {  	_ =	shalt  }
0x62: {  	_ =	shalt  }
0x63: {  	_ =	shalt  }
0x64: {  	_ =	shalt  }
0x65: {  	_ =	shalt  }
0x66: {  	_ =	shalt  }
0x67: {  	_ =	shalt  }
0x68: {  	_ =	shalt  }
0x69: {  	_ =	shalt  }
0x6a: {  	_ =	shalt  }
0x6b: {  	_ =	shalt  }
0x6c: {  	_ =	shalt  }
0x6d: {  	_ =	shalt  }
0x6e: {  	_ =	shalt  }
0x6f: {  	_ =	shalt  }
0x70: {  	_ =	shalt  }
0x71: {  	_ =	shalt  }
0x72: {  	_ =	shalt  }
0x73: {  	_ =	shalt  }
0x74: {  	_ =	shalt  }
0x75: {  	_ =	shalt  }
0x76: {  	_ =	shalt  }
0x77: {  	_ =	shalt  }
0x78: {  	_ =	shalt  }
0x79: {  	_ =	shalt  }
0x7a: {  	_ =	shalt  }
0x7b: {  	_ =	shalt  }
0x7c: {  	_ =	shalt  }
0x7d: {  	_ =	shalt  }
0x7e: {  	_ =	shalt  }
0x7f: {  	_ =	shalt  }
0x80: {  	_ =	shalt  }
0x81: {  	_ =	shalt  }
0x82: {  	_ =	shalt  }
0x83: {  	_ =	shalt  }
0x84: {  	_ =	shalt  }
0x85: {  	_ =	shalt  }
0x86: {  	_ =	shalt  }
0x87: {  	_ =	shalt  }
.Lfunc_end0:
.L_simem_size_0:
called_computation_lowered:
.L_overlay_start_0:
0x88: {  	s2 =	sld [smem:$0x3FD9]  }
0x89: {  	s3 =	sld [smem:$0x3FFE];
	_ =	sdelay $0x1  }
0x8a: {  	s1 =	srdreg.scid  }
0x8b: {  	s0 =	sand.u32 $0x1, s1  }
0x8c: {  	s17 =	sshll.u32 s0, $0xA;
	s2 =	sadd.s32 s3, s2  }
0x8d: {  	s2 =	sadd.s32 s2, s17  }
0x8e: {  	[smem:$0x3FC3] =	sst s2  }
0x8f: {  	_ = 	snop  }
0x90: {  	(tm) =	ssettm $0x1  }
0x91: {  	s18 =	sld [smem:$0x3FFB];
	_ =	sdelay $0x3  }
0x92: {  	_ =	strace s18  }
0x93: {  	s2 =	sld [smem:$0x3FFC];
	_ =	sdelay $0x3  }
0x94: {  	_ =	strace s2  }
0x95: {  	s2 =	sld [smem:$0x3FFD];
	_ =	sdelay $0x3  }
0x96: {  	_ =	strace s2  }
0x97: {  	_ =	strace $0x8FFFFFFF  }
0x98: {  	s19 =	sld [smem:$0x3FDB];
	_ =	sdelay $0x1  }
0x99: {  	s20 =	simm.s32 $_scs_section_size  }
0x9a: {  	s4 =	simm.s32 $_size__tile_overlayer_lowered;
	s5 =	simm.s32 $_tile_overlayer_lowered  }
0x9b: {  	s6 =	simm.s32 $0x1BFF;
	s21 =	sshll.u32 s5, $0x1;
	s3 =	sadd.s32 s20, s19  }
0x9c: {  	s22 =	simm.s32 $0x0;
	s4 =	sshll.u32 s4, $0x1;
	s5 =	sadd.s32 s21, s3  }
0x9d: {  	[timem:s22], [sflag:s6] =	dma.local [hbm:s5], s4  }
0x9e: {  	_ =	swait.ge [sflag:s6], s4  }
0x9f: {  	s4 =	ssub.s32 $0x0, s4;
	[sflag:s6] =	ssyncset.done $0x0  }
0xa0: {  	[sflag:s6] =	ssyncadd.s32 s4;
	_ =	sdelay $0x1  }
0xa1: {  	s23 =	simm.s32 $0x1B8B  }
0xa2: {  	_ =	swait.ge [sflag:s23], $0x1  }
0xa3: {  	[sflag:s23] =	ssyncset.done $0x0  }
0xa4: {  	[sflag:s23] =	ssyncadd.s32 $0xFFFFFFFF  }
0xa5: {  	s4 =	sld [smem:$0x0]  }
0xa6: {  	s5 =	sand.u32 $0xFFFFFFFE, s1  }
0xa7: {  	p0 =	sne.s32 s1, s5  }
0xa8: {  	s5 =	sshll.u32 @p0 s5, $0xE  }
0xa9: {  	s5 =	sadd.s32 @p0 $0x11B8D, s5;
	s6 =	sshll.u32 @p0 s4, $0x11  }
0xaa: {  	s5 =	sor.u32 @p0 s6, s5  }
0xab: {  	[sflag:s5] =	ssyncadd.remote.s32 @p0 $0x1;
	_ =	sdelay $0x1  }
0xac: {  	s5 =	simm.s32 @p0 $0x1B8D  }
0xad: {  	_ =	swait.eq @p0 [sflag:s5], $0x1  }
0xae: {  	[sflag:s5] =	ssyncadd.s32 @p0 $0xFFFFFFFF  }
0xaf: {  	s6 =	sshll.u32 @!p0 s1, $0xE  }
0xb0: {  	s6 =	sor.u32 @!p0 $0x4000, s6;
	s5 =	simm.s32 @!p0 $0x1B8D  }
0xb1: {  	s4 =	sshll.u32 @!p0 s4, $0x11;
	s6 =	sadd.s32 @!p0 $0x11B8D, s6;
	_ =	swait.eq @!p0 [sflag:s5], $0x1  }
0xb2: {  	s4 =	sor.u32 @!p0 s4, s6;
	[sflag:s5] =	ssyncadd.s32 @!p0 $0xFFFFFFFF  }
0xb3: {  	s25 =	simm.s32 $0x1B8E;
	s24 =	sld [smem:$0x3FFE];
	[sflag:s4] =	ssyncadd.remote.s32 @!p0 $0x1  }
0xb4: {  	s26 =	simm.s32 $execute0_lowered;
	[smem:$0x3FD2] =	sst s25  }
0xb5: {  	s5 =	sshll.u32 s26, $0x1;
	_ =	strace $0x80000049;
	[dreg:$0x1] =	wrdreg $0xFFFFFFFF  }
0xb6: {  	s28 =	simm.s32 $_size_execute0_lowered;
	s3 =	sadd.s32 s3, s5;
	[dreg:$0x0] =	wrdreg $0x0  }
0xb7: {  	s5 =	sshll.u32 s28, $0x1;
	[dreg:$0x2] =	wrdreg s3  }
0xb8: {  	[dreg:$0x3] =	wrdreg s5  }
0xb9: {  	[dreg:$0x4] =	wrdreg $0xC0  }
0xba: {  	_ =	task [dreg:s22], $0x5FFFF  }
0xbb: {  	[dreg:$0x1] =	wrdreg $0xFFFFFFFF  }
0xbc: {  	[dreg:$0x0] =	wrdreg $0x60  }
0xbd: {  	[dreg:$0x2] =	wrdreg s24  }
0xbe: {  	[dreg:$0x3] =	wrdreg $0x92800  }
0xbf: {  	[dreg:$0x4] =	wrdreg $0x9  }
0xc0: {  	_ =	task.clear_ibuf [dreg:s22], $0x5FFFF;
	_ =	strace $0x90000049  }
0xc1: {  	s29 =	simm.s32 $0x9;
	_ =	strace $0x8000004B  }
0xc2: {  	_ =	swait.ge [sflag:s29], $0x1  }
0xc3: {  	[sflag:s29] =	ssyncadd.s32 $0xFFFFFFFF  }
0xc4: {  	_ =	strace $0x9000004B  }
0xc5: {  	_ =	sfence  }
0xc6: {  	s30 =	sld [smem:$0x0];
	_ =	sdelay $0x2  }
0xc7: {  	s31 =	sshll.u32 s1, $0xD;
	s1 =	sshrl.u32 s1, $0x2  }
0xc8: {  	s4 =	sand.u32 $0x4000, s31;
	s1 =	sadd.s32 s1, s30  }
0xc9: {  	s0 =	sor.u32 s4, s0;
	s1 =	sshll.u32 s1, $0x11  }
0xca: {  	s0 =	sor.u32 s1, s0  }
0xcb: {  	s0 =	sadd.s32 $0x8F2B, s0  }
0xcc: {  	[sflag:s0] =	ssyncadd.remote.s32 $0x1  }
0xcd: {  	_ =	sfence.sel $0xFFFF  }
0xce: {  	[dreg:$0x0] =	wrdreg $0xFFFFFFFF;
	(pc) =	sbr.abs _section_cstart, $3  }
0xcf: {  	[dreg:$0x1] =	wrdreg $0xFFFFFFFF  }
0xd0: {  	_ =	task.clear_ibuf [dreg:s22], $0x2FFFF;
	_ =	strace $0x9FFFFFFF  }
0xd1: {  	(tm) =	ssettm $0x7FFFFFFF  }
tec
execute0_lowered:
.L_overlay_start_1:
0x0: {  	(tag) =	ssettag $0x1  }
0x1: {  	s0 =	rddreg [dreg:$0x0];
	s1 =	srdreg.scid  }
0x2: {  	s8 =	stileid.u32;
	s5 =	rddreg [dreg:$0x1];
	s2 =	simm.s32 $0x0  }
0x3: {  	s17 =	simm.s32 $0x1;
	s18 =	simm.s32 $0x4000;
	s19 =	simm.s32 $0x80  }
0x4: {  	s20 =	simm.s32 $0x2800;
	s28 =	simm.s32 $0x8000;
	s29 =	simm.s32 $0x8400  }
0x5: {  	s30 =	simm.s32 $0x8800;
	s31 =	simm.s32 $0x8C00;
	s6 =	smul.u32 $0x280, s8  }
0x6: {  	s1 =	sand.u32 $0x1, s1;
	[smem:$0x7FF] =	sst s2;
	s7 =	smul.u32 $0xA000, s8  }
0x7: {  	s8 =	sshll.u32 s8, $0xC;
	s3 =	smul.u32 $0x2800, s1;
	s4 =	sshll.u32 s1, $0xB  }
0x8: {  	_ =	strace $0x8000004A;
	s1 =	ssub.s32 $0x2, s1;
	s4 =	sadd.s32 s4, s0  }
0x9: {  	s24 =	sshrl.u32 s1, $0x1;
	s26 =	sshrl.u32 s7, $0x2;
	s3 =	sadd.s32 s6, s3  }
0xa: {  	s1 =	ssub.s32 s1, s24;
	s25 =	sadd.s32 s8, s4;
	s4 =	sadd.s32 s26, s5  }
0xb: {  	s5 =	sadd.s32 s6, s5;
	s26 =	simm.s32 $0x7C00;
	s3 =	sshrl.u32 s3, $0x3  }
0xc: {  	s7 =	smax.u32 s1, $0x1;
	s8 =	sadd.s32 $0x80, s5;
	s9 =	sadd.s32 $0x100, s5  }
0xd: {  	s10 =	sadd.s32 $0x180, s5;
	s11 =	sadd.s32 $0x200, s5;
	s12 =	sadd.s32 $0x14000, s5  }
0xe: {  	s13 =	sadd.s32 $0x14080, s5;
	s14 =	sadd.s32 $0x14100, s5;
	s15 =	sadd.s32 $0x14180, s5  }
0xf: {  	s16 =	sadd.s32 $0x14200, s5;
	s1 =	simm.s32 $0x9000;
	s0 =	sadd.s32 s3, s0  }
0x10: {  	v0 =	vimm.f32 $0.0e+00;
	v1 =	vimm.f32 $1.000000000e+00;
	s3 =	sadd.s32 $0x6A800, s25;
	s6 =	sadd.s32 $0x7A800, s0;
	s0 =	simm.s32 $0x0  }
.LBB2_1:
0x11: {  	[tilespmem:s2], [sflag:$0x1] =	stream.linear.gather [hbm4b:s3+s2], $0x3E80, $0x38;
	[tilespmem:$0xBA80] =	vst v63  }
0x12: {  	_ =	swait.ge [sflag:s17], $0x3E80  }
0x13: {  	[sflag:s17] =	ssyncset.done $0x0  }
0x14: {  	s21 =	simm.s32 $0x0;
	[sflag:s17] =	ssyncadd.s32 $0xFFFFC180  }
.LBB2_2:
0x15: {  	p0 =	sne.s32 s21, $0x9FC0  }
.Ltmp0:
0x16: {  	_ = 	snop;
	(pc) =	sbr.rel @p0 .LBB2_2-.Ltmp0, $3  }
0x17: {  	_ =	sdelay $0x1  }
0x18: {  	s22 =	sshra.s32 s21, $0x2  }
0x19: {  	s21 =	sadd.s32 $0x40, s21;
	[tilespmem:s22+$0x4000] =	vst v0  }
0x1a: {  	s21 =	simm.s32 $0x0  }
.LBB2_4:
0x1b: {  	s22 =	sshra.s32 s21, $0x2  }
0x1c: {  	v2 =	vld [tilespmem:s22+$0x0];
	_ =	sdelay $0x7  }
0x1d: {  	[tilespmem:v2+s18+$0x0] =	vst.idx.add.f32.msk $0xffff, v1  }
0x1e: {  	v2 =	vld [tilespmem:s22+$0x10];
	_ =	sdelay $0x7  }
0x1f: {  	[tilespmem:v2+s18+$0x0] =	vst.idx.add.f32.msk $0xffff, v1  }
0x20: {  	v2 =	vld [tilespmem:s22+$0x20];
	_ =	sdelay $0x7  }
0x21: {  	[tilespmem:v2+s18+$0x0] =	vst.idx.add.f32.msk $0xffff, v1  }
0x22: {  	v2 =	vld [tilespmem:s22+$0x30];
	_ =	sdelay $0x7  }
0x23: {  	[tilespmem:v2+s18+$0x0] =	vst.idx.add.f32.msk $0xffff, v1  }
0x24: {  	v2 =	vld [tilespmem:s22+$0x40];
	_ =	sdelay $0x2  }
0x25: {  	p0 =	sne.s32 s21, $0xF800  }
.Ltmp1:
0x26: {  	_ = 	snop;
	(pc) =	sbr.rel @p0 .LBB2_4-.Ltmp1, $2  }
0x27: {  	_ =	sdelay $0x2  }
0x28: {  	s21 =	sadd.s32 $0x200, s21;
	[tilespmem:v2+s18+$0x0] =	vst.idx.add.f32.msk $0xffff, v1  }
0x29: {  	[spmem:s4] =	stream.linear.scatter [tilespmem:s18], [sflag:$0x1], $0x2800, $0x38;
	[tilespmem:$0xBA80] =	vst v63  }
0x2a: {  	_ =	swait.ge [sflag:s17], $0x2800  }
0x2b: {  	[sflag:s17] =	ssyncset.done $0x0  }
0x2c: {  	[sflag:s17] =	ssyncadd.s32 $0xFFFFD800  }
0x2d: {  	s21 =	simm.s32 $0x6800;
	[bflag:$0x0] =	sbarrier.arrive $0xFFFF  }
0x2e: {  	[tilespmem:s21], [sflag:$0x1] =	stream.strided.gather [spmem:s5], $0x400, s20, s19, $0x38;
	[tilespmem:$0xBA80] =	vst v63  }
0x2f: {  	s24 =	simm.s32 $0x6C00  }
0x30: {  	[tilespmem:s24], [sflag:$0x1] =	stream.strided.gather [spmem:s8], $0x400, s20, s19, $0x38;
	[tilespmem:$0xBA80] =	vst v63  }
0x31: {  	s25 =	simm.s32 $0x7000  }
0x32: {  	[tilespmem:s25], [sflag:$0x1] =	stream.strided.gather [spmem:s9], $0x400, s20, s19, $0x38;
	[tilespmem:$0xBA80] =	vst v63  }
0x33: {  	s22 =	simm.s32 $0x7400  }
0x34: {  	[tilespmem:s22], [sflag:$0x1] =	stream.strided.gather [spmem:s10], $0x400, s20, s19, $0x38;
	[tilespmem:$0xBA80] =	vst v63  }
0x35: {  	s23 =	simm.s32 $0x7800  }
0x36: {  	[tilespmem:s23], [sflag:$0x1] =	stream.strided.gather [spmem:s11], $0x400, s20, s19, $0x38;
	[tilespmem:$0xBA80] =	vst v63  }
0x37: {  	_ = 	snop  }
0x38: {  	[tilespmem:s26], [sflag:$0x1] =	stream.strided.gather [spmem:s12], $0x400, s20, s19, $0x38;
	[tilespmem:$0xBA80] =	vst v63  }
0x39: {  	_ = 	snop  }
0x3a: {  	[tilespmem:s28], [sflag:$0x1] =	stream.strided.gather [spmem:s13], $0x400, s20, s19, $0x38;
	[tilespmem:$0xBA80] =	vst v63  }
0x3b: {  	_ = 	snop  }
0x3c: {  	[tilespmem:s29], [sflag:$0x1] =	stream.strided.gather [spmem:s14], $0x400, s20, s19, $0x38;
	[tilespmem:$0xBA80] =	vst v63  }
0x3d: {  	_ = 	snop  }
0x3e: {  	[tilespmem:s30], [sflag:$0x1] =	stream.strided.gather [spmem:s15], $0x400, s20, s19, $0x38;
	[tilespmem:$0xBA80] =	vst v63  }
0x3f: {  	_ = 	snop  }
0x40: {  	[tilespmem:s31], [sflag:$0x1] =	stream.strided.gather [spmem:s16], $0x400, s20, s19, $0x38;
	[tilespmem:$0xBA80] =	vst v63  }
0x41: {  	s24 =	simm.s32 $0x0;
	_ =	swait.ge [sflag:s17], $0x2800  }
0x42: {  	s21 =	sand.u32 $0x1C00, s24;
	s22 =	sand.u32 $0x70, s24;
	[sflag:s17] =	ssyncset.done $0x0  }
0x43: {  	s21 =	sor.u32 s22, s21;
	[sflag:s17] =	ssyncadd.s32 $0xFFFFD800  }
0x44: {  	v2 =	vld [tilespmem:s21+$0x6880]  }
0x45: {  	v3 =	vld [tilespmem:s21+$0x6800];
	_ =	sdelay $0x1  }
0x46: {  	v4 =	vld [tilespmem:s21+$0x6900];
	_ =	sdelay $0x1  }
0x47: {  	v5 =	vld [tilespmem:s21+$0x6980]  }
0x48: {  	v2 =	vadd.f32 v2, v3  }
0x49: {  	v3 =	vld [tilespmem:s21+$0x6A00]  }
0x4a: {  	v2 =	vadd.f32 v4, v2  }
0x4b: {  	v56 =	vld [tilespmem:s21+$0x6A80]  }
0x4c: {  	v2 =	vadd.f32 v5, v2  }
0x4d: {  	v57 =	vld [tilespmem:s21+$0x6B00]  }
0x4e: {  	v2 =	vadd.f32 v3, v2  }
0x4f: {  	v3 =	vld [tilespmem:s21+$0x6B80]  }
0x50: {  	v2 =	vadd.f32 v56, v2  }
0x51: {  	v58 =	vld [tilespmem:s21+$0x7C00]  }
0x52: {  	v2 =	vadd.f32 v57, v2  }
0x53: {  	v59 =	vld [tilespmem:s21+$0x7C80]  }
0x54: {  	v2 =	vadd.f32 v3, v2  }
0x55: {  	v3 =	vld [tilespmem:s21+$0x7D00]  }
0x56: {  	v2 =	vadd.f32 v58, v2  }
0x57: {  	v60 =	vld [tilespmem:s21+$0x7D80]  }
0x58: {  	v2 =	vadd.f32 v59, v2  }
0x59: {  	v61 =	vld [tilespmem:s21+$0x7E00]  }
0x5a: {  	v2 =	vadd.f32 v3, v2  }
0x5b: {  	v3 =	vld [tilespmem:s21+$0x7E80]  }
0x5c: {  	v2 =	vadd.f32 v60, v2  }
0x5d: {  	v62 =	vld [tilespmem:s21+$0x7F00]  }
0x5e: {  	v2 =	vadd.f32 v61, v2  }
0x5f: {  	v63 =	vld [tilespmem:s21+$0x7F80]  }
0x60: {  	v2 =	vadd.f32 v3, v2;
	_ =	sdelay $0x1  }
0x61: {  	v2 =	vadd.f32 v62, v2;
	_ =	sdelay $0x1  }
0x62: {  	s25 =	simm.s32 $0x10;
	s23 =	simm.s32 $0x80;
	v2 =	vadd.f32 v63, v2  }
0x63: {  	s22 =	sand.u32 $0x70, s25;
	s24 =	sand.u32 $0x1C00, s23;
	s21 =	simm.s32 $0x9000  }
0x64: {  	s22 =	sor.u32 s22, s24;
	s24 =	simm.s32 $0x20;
	[tilespmem:s21+$0x0] =	vst v2  }
.LBB2_6:
0x65: {  	p0 =	sne.s32 s24, $0x270;
	v2 =	vld [tilespmem:s22+$0x6880]  }
0x66: {  	v3 =	vld [tilespmem:s22+$0x6800];
	_ =	sdelay $0x1  }
0x67: {  	v4 =	vld [tilespmem:s22+$0x6900];
	_ =	sdelay $0x1  }
0x68: {  	v5 =	vld [tilespmem:s22+$0x6980]  }
0x69: {  	v2 =	vadd.f32 v2, v3  }
0x6a: {  	v3 =	vld [tilespmem:s22+$0x6A00]  }
0x6b: {  	v2 =	vadd.f32 v4, v2  }
0x6c: {  	v4 =	vld [tilespmem:s22+$0x6A80]  }
0x6d: {  	v2 =	vadd.f32 v5, v2  }
0x6e: {  	v5 =	vld [tilespmem:s22+$0x6B00]  }
0x6f: {  	v2 =	vadd.f32 v3, v2  }
0x70: {  	v3 =	vld [tilespmem:s22+$0x6B80]  }
0x71: {  	v2 =	vadd.f32 v4, v2  }
0x72: {  	v4 =	vld [tilespmem:s22+$0x7C00]  }
0x73: {  	v2 =	vadd.f32 v5, v2  }
0x74: {  	v5 =	vld [tilespmem:s22+$0x7C80]  }
0x75: {  	v2 =	vadd.f32 v3, v2  }
0x76: {  	v3 =	vld [tilespmem:s22+$0x7D00]  }
0x77: {  	v2 =	vadd.f32 v4, v2  }
0x78: {  	v4 =	vld [tilespmem:s22+$0x7D80]  }
0x79: {  	v2 =	vadd.f32 v5, v2  }
0x7a: {  	v5 =	vld [tilespmem:s22+$0x7E00]  }
0x7b: {  	v2 =	vadd.f32 v3, v2  }
0x7c: {  	v3 =	vld [tilespmem:s22+$0x7E80]  }
0x7d: {  	v2 =	vadd.f32 v4, v2  }
0x7e: {  	v4 =	vld [tilespmem:s22+$0x7F00]  }
0x7f: {  	v2 =	vadd.f32 v5, v2  }
0x80: {  	v5 =	vld [tilespmem:s22+$0x7F80]  }
0x81: {  	v2 =	vadd.f32 v3, v2;
	_ =	sdelay $0x1  }
.Ltmp2:
0x82: {  	v2 =	vadd.f32 v4, v2;
	(pc) =	sbr.rel @p0 .LBB2_6-.Ltmp2, $4  }
0x83: {  	_ = 	snop  }
0x84: {  	s23 =	sadd.s32 $0x80, s23;
	v2 =	vadd.f32 v5, v2  }
0x85: {  	s21 =	sadd.s32 $0x10, s21;
	s25 =	sand.u32 $0x1C00, s23;
	s22 =	sand.u32 $0x70, s24  }
0x86: {  	s24 =	sadd.s32 $0x10, s24;
	s22 =	sor.u32 s22, s25;
	[tilespmem:s21+$0x0] =	vst v2  }
0x87: {  	v2 =	vld [tilespmem:s22+$0x6880]  }
0x88: {  	v3 =	vld [tilespmem:s22+$0x6800];
	_ =	sdelay $0x1  }
0x89: {  	v4 =	vld [tilespmem:s22+$0x6900];
	_ =	sdelay $0x1  }
0x8a: {  	v5 =	vld [tilespmem:s22+$0x6980]  }
0x8b: {  	v2 =	vadd.f32 v2, v3  }
0x8c: {  	v3 =	vld [tilespmem:s22+$0x6A00]  }
0x8d: {  	v2 =	vadd.f32 v4, v2  }
0x8e: {  	v56 =	vld [tilespmem:s22+$0x6A80]  }
0x8f: {  	v2 =	vadd.f32 v5, v2  }
0x90: {  	v57 =	vld [tilespmem:s22+$0x6B00]  }
0x91: {  	v2 =	vadd.f32 v3, v2  }
0x92: {  	v3 =	vld [tilespmem:s22+$0x6B80]  }
0x93: {  	v2 =	vadd.f32 v56, v2  }
0x94: {  	v58 =	vld [tilespmem:s22+$0x7C00]  }
0x95: {  	v2 =	vadd.f32 v57, v2  }
0x96: {  	v59 =	vld [tilespmem:s22+$0x7C80]  }
0x97: {  	v2 =	vadd.f32 v3, v2  }
0x98: {  	v3 =	vld [tilespmem:s22+$0x7D00]  }
0x99: {  	v2 =	vadd.f32 v58, v2  }
0x9a: {  	v60 =	vld [tilespmem:s22+$0x7D80]  }
0x9b: {  	v2 =	vadd.f32 v59, v2  }
0x9c: {  	v61 =	vld [tilespmem:s22+$0x7E00]  }
0x9d: {  	v2 =	vadd.f32 v3, v2  }
0x9e: {  	v3 =	vld [tilespmem:s22+$0x7E80]  }
0x9f: {  	v2 =	vadd.f32 v60, v2  }
0xa0: {  	v62 =	vld [tilespmem:s22+$0x7F00]  }
0xa1: {  	v2 =	vadd.f32 v61, v2  }
0xa2: {  	v63 =	vld [tilespmem:s22+$0x7F80]  }
0xa3: {  	v2 =	vadd.f32 v3, v2;
	_ =	sdelay $0x1  }
0xa4: {  	v2 =	vadd.f32 v62, v2;
	_ =	sdelay $0x1  }
0xa5: {  	s0 =	sadd.s32 $0x1, s0;
	v2 =	vadd.f32 v63, v2  }
0xa6: {  	s21 =	sadd.s32 $0x10, s21;
	p0 =	sne.s32 s0, s7  }
.Ltmp3:
0xa7: {  	[tilespmem:s21+$0x0] =	vst v2;
	(pc) =	sbr.rel @p0 .LBB2_1-.Ltmp3, $4  }
0xa8: {  	[hbm4b:s6+s2] =	stream.linear.scatter [tilespmem:s1], [sflag:$0x1], $0x280, $0x38;
	[tilespmem:$0xBA80] =	vst v63  }
0xa9: {  	_ =	swait.ge [sflag:s17], $0x280  }
0xaa: {  	[sflag:s17] =	ssyncset.done $0x0  }
0xab: {  	[sflag:s17] =	ssyncadd.s32 $0xFFFFFD80  }
0xac: {  	_ =	sfence.sel $0x180000  }
0xad: {  	[bflag:$0x0] =	sbarrier.arrive $0xFFFF  }
0xae: {  	_ =	strace $0x9000004A  }
0xaf: {  	s0 =	stileid.u32;
	[bflag:$0x2] =	sbarrier.arrive $0xFFFF  }
0xb0: {  	p0 =	sne.s32 s0, $0x0;
	s0 =	rddreg [dreg:$0x2]  }
0xb1: {  	s0 =	sadd.s32 @!p0 $0x100000, s0  }
0xb2: {  	[sflag:s0] =	ssyncadd.tile.s32 @!p0 $0x1;
	_ =	shalt  }
.Lfunc_end2:
_tile_overlayer_lowered:
.L_overlay_start_2:
0xb3: {  	(tag) =	ssettag $0x2  }
0xb4: {  	s0 =	rddreg [dreg:$0x0];
	s2 =	stileid.u32  }
0xb5: {  	s1 =	rddreg [dreg:$0x1];
	p0 =	sne.s32 s2, $0x0  }
0xb6: {  	s3 =	rddreg [dreg:$0x2];
	[bflag:$0x3] =	sbarrier.arrive $0xFFFF;
	s2 =	simm.s32 @!p0 $0x1C01  }
0xb7: {  	[timem:s3], [sflag:s2] =	dma.local @!p0 [hbm:s0], s1  }
0xb8: {  	s0 =	simm.s32 @!p0 $0x1  }
0xb9: {  	_ =	swait.ge @!p0 [sflag:s0], s1  }
0xba: {  	s1 =	ssub.s32 @!p0 $0x0, s1;
	[sflag:s0] =	ssyncset.done @!p0 $0x0  }
0xbb: {  	[sflag:s0] =	ssyncadd.s32 @!p0 s1  }
0xbc: {  	[bflag:$0x3] =	sbarrier.arrive $0xFFFF  }
0xbd: {  	_ =	shalt  }

</sc_bundles>
